<compile_context>
chip_gen: v7x
topology: tpu7x:2x2x1
jax: 0.10.2.dev20260603
libtpu: 0.0.44.dev20260713+nightly
codegen_flags: <defaults>
</compile_context>

<pallas_src>
import functools

import jax
import jax.numpy as jnp
from jax import lax
from jax.experimental import pallas as pl
from jax.experimental.pallas import tpu as pltpu
from jax.experimental.pallas import tpu_sc as plsc

F = 128
N_NODES = 10000
N_PAD = 10240
N_EDGES = 320000
G = 64
NCLS = 10

NC = 2
NS = 16
NW = NC * NS
L = 16

EPT = N_EDGES // NW
EK = 128
EG = 13
NGRP = 6
TK = EPT - NGRP * EG * EK
NPT = N_PAD // NS

PACT = 25
PNP = N_NODES // PACT
PK = 80
PSTEPS = PNP // PK

_f32 = jnp.float32


def _fill(ref, rows, cols, value):
    def body(i, _):
        for j in range(cols // L):
            ref[i, pl.ds(j * L, L)] = jnp.full((L,), value, _f32)
        return 0
    lax.fori_loop(0, rows, body, 0)


def _sc_degree(rm, rt):
    mesh = plsc.VectorSubcoreMesh(core_axis_name="c", subcore_axis_name="s")

    def body(rm_hbm, rt_hbm, d_out, idx, tidx, ones, d_sh):
        c = lax.axis_index("c")
        s = lax.axis_index("s")
        wid = c * NS + s

        _fill(ones, EK, L, 0.0)
        for z in range(NPT // EK):
            pltpu.sync_copy(ones, d_sh.at[pl.ds(s * NPT + z * EK, EK)])
        _fill(ones, EK, L, 1.0)

        pltpu.sync_copy(rm_hbm.at[wid], idx)

        plsc.subcore_barrier()

        def group(g, _):
            def step(t, _):
                pltpu.sync_copy(ones, d_sh.at[idx.at[g, t]], add=True)
                return 0
            lax.fori_loop(0, EG, step, 0)
            return 0
        lax.fori_loop(0, NGRP, group, 0)

        pltpu.sync_copy(rt_hbm.at[wid], tidx)
        pltpu.sync_copy(ones.at[pl.ds(0, TK)], d_sh.at[tidx], add=True)

        plsc.subcore_barrier()

        r0 = s * NPT
        pltpu.sync_copy(d_sh.at[pl.ds(r0, NPT)], d_out.at[c, pl.ds(r0, NPT)])

    fn = functools.partial(
        pl.kernel, mesh=mesh,
        out_type=jax.ShapeDtypeStruct((NC, N_PAD, L), _f32),
        scratch_types=[
            pltpu.VMEM((NGRP, EG, EK), jnp.int32),
            pltpu.VMEM((TK,), jnp.int32),
            pltpu.VMEM((EK, L), _f32),
            pltpu.VMEM_SHARED((N_PAD, L), _f32),
        ],
    )(body)
    return fn(rm, rt)


def _sc_aggregate(feat, rm, cm, rt, ct):
    mesh = plsc.VectorSubcoreMesh(core_axis_name="c", subcore_axis_name="s")

    def body(feat_hbm, rm_hbm, cm_hbm, rt_hbm, ct_hbm, a_out,
             ridx, cidx, tridx, tcidx, rows, a_sh, sem):
        c = lax.axis_index("c")
        s = lax.axis_index("s")
        wid = c * NS + s

        _fill(rows, EK, F, 0.0)
        for z in range(NPT // EK):
            pltpu.sync_copy(rows, a_sh.at[pl.ds(s * NPT + z * EK, EK)])

        plsc.subcore_barrier()

        def group(g, _):
            pltpu.sync_copy(rm_hbm.at[wid, g], ridx)
            pltpu.sync_copy(cm_hbm.at[wid, g], cidx)

            def step(t, _):
                pltpu.async_copy(feat_hbm.at[cidx.at[t]], rows, sem).wait()
                pltpu.sync_copy(rows, a_sh.at[ridx.at[t]], add=True)
                return 0
            lax.fori_loop(0, EG, step, 0)
            return 0
        lax.fori_loop(0, NGRP, group, 0)

        pltpu.sync_copy(rt_hbm.at[wid], tridx)
        pltpu.sync_copy(ct_hbm.at[wid], tcidx)
        pltpu.async_copy(feat_hbm.at[tcidx], rows.at[pl.ds(0, TK)],
                         sem).wait()
        pltpu.sync_copy(rows.at[pl.ds(0, TK)], a_sh.at[tridx], add=True)

        plsc.subcore_barrier()

        r0 = s * NPT
        pltpu.sync_copy(a_sh.at[pl.ds(r0, NPT)], a_out.at[c, pl.ds(r0, NPT)])

    fn = functools.partial(
        pl.kernel, mesh=mesh,
        out_type=jax.ShapeDtypeStruct((NC, N_PAD, F), _f32),
        scratch_types=[
            pltpu.VMEM((EG, EK), jnp.int32),
            pltpu.VMEM((EG, EK), jnp.int32),
            pltpu.VMEM((TK,), jnp.int32),
            pltpu.VMEM((TK,), jnp.int32),
            pltpu.VMEM((EK, F), _f32),
            pltpu.VMEM_SHARED((N_PAD, F), _f32),
            pltpu.SemaphoreType.DMA,
        ],
    )(body)
    return fn(feat, rm, cm, rt, ct)


def _sc_pool(h, batch3d):
    mesh = plsc.VectorSubcoreMesh(core_axis_name="c", subcore_axis_name="s")

    def body(h_hbm, b_hbm, p_out, c_out, bidx, rows, ones, zp, zc, p_sh, c_sh,
             sem):
        c = lax.axis_index("c")
        s = lax.axis_index("s")
        wid = s * NC + c

        @pl.when(s == 0)
        def _zero():
            _fill(zp, G, F, 0.0)
            _fill(zc, G, L, 0.0)
            pltpu.sync_copy(zp, p_sh)
            pltpu.sync_copy(zc, c_sh)

        plsc.subcore_barrier()

        @pl.when(wid < PACT)
        def _accum():
            _fill(ones, PK, L, 1.0)
            pltpu.sync_copy(b_hbm.at[wid], bidx)

            def step(t, _):
                pltpu.async_copy(
                    h_hbm.at[pl.ds(wid * PNP + t * PK, PK)], rows, sem).wait()
                pltpu.sync_copy(rows, p_sh.at[bidx.at[t]], add=True)
                pltpu.sync_copy(ones, c_sh.at[bidx.at[t]], add=True)
                return 0
            lax.fori_loop(0, PSTEPS, step, 0)

        plsc.subcore_barrier()

        @pl.when(s == 0)
        def _write():
            pltpu.sync_copy(p_sh, p_out.at[c])
            pltpu.sync_copy(c_sh, c_out.at[c])

    fn = functools.partial(
        pl.kernel, mesh=mesh,
        out_type=(jax.ShapeDtypeStruct((NC, G, F), _f32),
                  jax.ShapeDtypeStruct((NC, G, L), _f32)),
        scratch_types=[
            pltpu.VMEM((PSTEPS, PK), jnp.int32),
            pltpu.VMEM((PK, F), _f32),
            pltpu.VMEM((PK, L), _f32),
            pltpu.VMEM((G, F), _f32),
            pltpu.VMEM((G, L), _f32),
            pltpu.VMEM_SHARED((G, F), _f32),
            pltpu.VMEM_SHARED((G, L), _f32),
            pltpu.SemaphoreType.DMA,
        ],
    )(body)
    return fn(h, batch3d)


BN = 1024
NB = N_PAD // BN


def _tc_layer(a_part, deg_part, xin, Wm, bm, Wu_top, Wu_bot, bu):
    def body(a_ref, d_ref, x_ref, wm_ref, bm_ref, ut_ref, ub_ref, bu_ref,
             o_ref):
        a = a_ref[0] + a_ref[1]
        deg = d_ref[0, :, 0:1] + d_ref[1, :, 0:1]
        aggr = jnp.dot(a, wm_ref[:], preferred_element_type=_f32)
        aggr = aggr + deg * bm_ref[:]
        h = (jnp.dot(x_ref[:], ut_ref[:], preferred_element_type=_f32)
             + jnp.dot(aggr, ub_ref[:], preferred_element_type=_f32)
             + bu_ref[:])
        o_ref[:] = jnp.maximum(h, 0.0)

    return pl.pallas_call(
        body,
        grid=(NB,),
        in_specs=[
            pl.BlockSpec((NC, BN, F), lambda i: (0, i, 0)),
            pl.BlockSpec((NC, BN, L), lambda i: (0, i, 0)),
            pl.BlockSpec((BN, F), lambda i: (i, 0)),
            pl.BlockSpec((F, F), lambda i: (0, 0)),
            pl.BlockSpec((1, F), lambda i: (0, 0)),
            pl.BlockSpec((F, F), lambda i: (0, 0)),
            pl.BlockSpec((F, F), lambda i: (0, 0)),
            pl.BlockSpec((1, F), lambda i: (0, 0)),
        ],
        out_specs=pl.BlockSpec((BN, F), lambda i: (i, 0)),
        out_shape=jax.ShapeDtypeStruct((N_PAD, F), _f32),
    )(a_part, deg_part, xin, Wm, bm, Wu_top, Wu_bot, bu)


def _tc_head(p_part, c_part, Wc_pad, bc_pad):
    def body(p_ref, c_ref, wc_ref, bc_ref, o_ref):
        p = p_ref[0] + p_ref[1]
        cnt = c_ref[0, :, 0:1] + c_ref[1, :, 0:1]
        pooled = p / cnt
        o_ref[:] = (jnp.dot(pooled, wc_ref[:], preferred_element_type=_f32)
                    + bc_ref[:])

    return pl.pallas_call(
        body,
        out_shape=jax.ShapeDtypeStruct((G, F), _f32),
    )(p_part, c_part, Wc_pad, bc_pad)


def kernel(x, edge_index, batch, W1m, b1m, W1u, b1u, W2m, b2m, W2u, b2u,
           Wc, bc):
    row2 = edge_index[0].astype(jnp.int32).reshape(NW, EPT)
    col2 = edge_index[1].astype(jnp.int32).reshape(NW, EPT)
    nmain = NGRP * EG * EK
    rm = row2[:, :nmain].reshape(NW, NGRP, EG, EK)
    cm = col2[:, :nmain].reshape(NW, NGRP, EG, EK)
    rt = row2[:, nmain:]
    ct = col2[:, nmain:]
    batch3d = batch.astype(jnp.int32).reshape(PACT, PSTEPS, PK)

    b1m_2d = b1m.reshape(1, F)
    b1u_2d = b1u.reshape(1, F)
    b2m_2d = b2m.reshape(1, F)
    b2u_2d = b2u.reshape(1, F)
    Wc_pad = jnp.zeros((F, F), _f32).at[:, :NCLS].set(Wc)
    bc_pad = jnp.zeros((1, F), _f32).at[0, :NCLS].set(bc)

    xp = jnp.zeros((N_PAD, F), _f32).at[:N_NODES].set(x)

    deg = _sc_degree(rm, rt)
    a1 = _sc_aggregate(xp, rm, cm, rt, ct)
    h1 = _tc_layer(a1, deg, xp, W1m, b1m_2d, W1u[:F], W1u[F:], b1u_2d)
    a2 = _sc_aggregate(h1, rm, cm, rt, ct)
    h2 = _tc_layer(a2, deg, h1, W2m, b2m_2d, W2u[:F], W2u[F:], b2u_2d)
    p, cnt = _sc_pool(h2, batch3d)
    out = _tc_head(p, cnt, Wc_pad, bc_pad)
    return out[:, :NCLS]

# --- scband reference (transcript-rebuilt; emitter-appended) ---
"""Pipeline reference for scband-scratch-mpnn-72232759984910 (READ-ONLY COPY).

The authoritative reference and input builder live on the scoring server;
editing this copy changes nothing except your own understanding.
"""

import jax, jax.numpy as jnp
import numpy as np

IN_CH = 128
HID = 128
NUM_CLASSES = 10
N_NODES = 10000
N_EDGES = 320000
NUM_GRAPHS = 64


def setup_inputs(seed: int = 0) -> dict:
    key = jax.random.key(seed)
    ks = jax.random.split(key, 16)
    x = jax.random.normal(ks[0], (N_NODES, IN_CH), dtype=jnp.float32)
    edge_index = jax.random.randint(ks[1], (2, N_EDGES), 0, N_NODES, dtype=jnp.int64)
    batch = jnp.sort(jax.random.randint(ks[2], (N_NODES,), 0, NUM_GRAPHS, dtype=jnp.int64))
    s = 0.05
    W1m = jax.random.normal(ks[3], (IN_CH, HID), dtype=jnp.float32) * s
    b1m = jnp.zeros((HID,), dtype=jnp.float32)
    W1u = jax.random.normal(ks[4], (IN_CH + HID, HID), dtype=jnp.float32) * s
    b1u = jnp.zeros((HID,), dtype=jnp.float32)
    W2m = jax.random.normal(ks[5], (HID, HID), dtype=jnp.float32) * s
    b2m = jnp.zeros((HID,), dtype=jnp.float32)
    W2u = jax.random.normal(ks[6], (HID + HID, HID), dtype=jnp.float32) * s
    b2u = jnp.zeros((HID,), dtype=jnp.float32)
    Wc = jax.random.normal(ks[7], (HID, NUM_CLASSES), dtype=jnp.float32) * s
    bc = jnp.zeros((NUM_CLASSES,), dtype=jnp.float32)
    return {"x": x, "edge_index": edge_index, "batch": batch,
            "W1m": W1m, "b1m": b1m, "W1u": W1u, "b1u": b1u,
            "W2m": W2m, "b2m": b2m, "W2u": W2u, "b2u": b2u,
            "Wc": Wc, "bc": bc}


def _mpnn_layer(x, edge_index, Wm, bm, Wu, bu):
    row = edge_index[0]
    col = edge_index[1]
    # message: Linear applied to gathered source-node features
    messages = x[col] @ Wm + bm
    # scatter_add aggregation to destination nodes
    aggr = jax.ops.segment_sum(messages, row, num_segments=x.shape[0])
    # update: Linear(cat([x, aggr])) + ReLU
    h = jnp.concatenate([x, aggr], axis=1) @ Wu + bu
    return jax.nn.relu(h)


def reference(x, edge_index, batch, W1m, b1m, W1u, b1u, W2m, b2m, W2u, b2u, Wc, bc):
    h = _mpnn_layer(x, edge_index, W1m, b1m, W1u, b1u)
    h = _mpnn_layer(h, edge_index, W2m, b2m, W2u, b2u)
    batch_size = NUM_GRAPHS
    pooled = jax.ops.segment_sum(h, batch, num_segments=batch_size)
    count = jnp.bincount(batch, length=batch_size)
    pooled = pooled / count[:, None].astype(pooled.dtype)
    return pooled @ Wc + bc

if __name__ == "__main__":
    import jax
    _d = setup_inputs()
    print(jax.jit(kernel)(*tuple(_d.values())))

</pallas_src>

<mosaic_0001>
#map = affine_map<(d0, d1) -> (0, 0)>
#map1 = affine_map<(d0, d1) -> (0, 0, 0)>
module attributes {stable_mosaic.version = 14 : i64} {
  func.func @body(%arg0: i32, %arg1: i32, %arg2: memref<10240x128xf32, #tpu.memory_space<hbm>>, %arg3: memref<25x5x80xi32, #tpu.memory_space<hbm>>, %arg4: memref<2x64x128xf32, #tpu.memory_space<hbm>>, %arg5: memref<2x64x16xf32, #tpu.memory_space<hbm>>, %arg6: memref<5x80xi32, #tpu.memory_space<vmem>>, %arg7: memref<80x128xf32, #tpu.memory_space<vmem>>, %arg8: memref<80x16xf32, #tpu.memory_space<vmem>>, %arg9: memref<64x128xf32, #tpu.memory_space<vmem>>, %arg10: memref<64x16xf32, #tpu.memory_space<vmem>>, %arg11: memref<64x128xf32, #tpu.memory_space<vmem_shared>>, %arg12: memref<64x16xf32, #tpu.memory_space<vmem_shared>>, %arg13: memref<!tpu.dma_semaphore, #tpu.memory_space<semaphore_mem>>) attributes {dimension_semantics = [#tpu.dimension_semantics<core_parallel>, #tpu.dimension_semantics<subcore_parallel>], iteration_bounds = array<i64: 2, 16>, scalar_prefetch = 0 : i64, scratch_operands = 8 : i64, tpu.core_type = #tpu.core_type<sc_vector_subcore>, window_params = [{transform_indices = #map}, {transform_indices = #map1}, {transform_indices = #map1}, {transform_indices = #map1}]} {
    %mul3A = arith.constant 2 : i32
    %mul3A_0 = arith.muli %arg1, %mul3A : i32
    %add3A = arith.addi %mul3A_0, %arg0 : i32
    %eq3A = arith.constant 0 : i32
    %eq3A_1 = arith.cmpi eq, %arg1, %eq3A : i32
    %convert_element_type3A = arith.extui %eq3A_1 : i1 to i32
    %cond3A = arith.constant 0 : i32
    %cond3A_2 = arith.cmpi ne, %convert_element_type3A, %cond3A : i32
    scf.if %cond3A_2 {
      %scan3A = arith.constant 0 : i32
      %scan3A_13 = arith.constant 0 : i32
      %scan3A_14 = arith.constant 64 : i32
      %scan3A_15 = arith.addi %scan3A_13, %scan3A_14 : i32
      %scan3A_16 = arith.constant 1 : i32
      %scan3A_17 = scf.for %scan3A_26 = %scan3A_13 to %scan3A_15 step %scan3A_16 iter_args(%scan3A_27 = %scan3A) -> (i32)  : i32 {
        %broadcast_in_dim3A = arith.constant 0.000000e+00 : f32
        %broadcast_in_dim3A_28 = vector.broadcast %broadcast_in_dim3A : f32 to vector<16xf32>
        %swap3A = arith.index_cast %scan3A_26 : i32 to index
        %swap3A_29 = arith.constant 0 : index
        %swap3A_30 = tpu.vector_load %arg9[%swap3A, %swap3A_29] {strides = array<i32>} : memref<64x128xf32, #tpu.memory_space<vmem>>, vector<1x16xf32>,
        %swap3A_31 = vector.shape_cast %swap3A_30 : vector<1x16xf32> to vector<16xf32>
        %swap3A_32 = vector.shape_cast %broadcast_in_dim3A_28 : vector<16xf32> to vector<1x16xf32>
        tpu.vector_store %arg9[%swap3A, %swap3A_29], %swap3A_32 {strides = array<i32>} : memref<64x128xf32, #tpu.memory_space<vmem>>, vector<1x16xf32>,
        %broadcast_in_dim3A_33 = arith.constant 0.000000e+00 : f32
        %broadcast_in_dim3A_34 = vector.broadcast %broadcast_in_dim3A_33 : f32 to vector<16xf32>
        %swap3A_35 = arith.index_cast %scan3A_26 : i32 to index
        %swap3A_36 = arith.constant 16 : index
        %swap3A_37 = tpu.vector_load %arg9[%swap3A_35, %swap3A_36] {strides = array<i32>} : memref<64x128xf32, #tpu.memory_space<vmem>>, vector<1x16xf32>,
        %swap3A_38 = vector.shape_cast %swap3A_37 : vector<1x16xf32> to vector<16xf32>
        %swap3A_39 = vector.shape_cast %broadcast_in_dim3A_34 : vector<16xf32> to vector<1x16xf32>
        tpu.vector_store %arg9[%swap3A_35, %swap3A_36], %swap3A_39 {strides = array<i32>} : memref<64x128xf32, #tpu.memory_space<vmem>>, vector<1x16xf32>,
        %broadcast_in_dim3A_40 = arith.constant 0.000000e+00 : f32
        %broadcast_in_dim3A_41 = vector.broadcast %broadcast_in_dim3A_40 : f32 to vector<16xf32>
        %swap3A_42 = arith.index_cast %scan3A_26 : i32 to index
        %swap3A_43 = arith.constant 32 : index
        %swap3A_44 = tpu.vector_load %arg9[%swap3A_42, %swap3A_43] {strides = array<i32>} : memref<64x128xf32, #tpu.memory_space<vmem>>, vector<1x16xf32>,
        %swap3A_45 = vector.shape_cast %swap3A_44 : vector<1x16xf32> to vector<16xf32>
        %swap3A_46 = vector.shape_cast %broadcast_in_dim3A_41 : vector<16xf32> to vector<1x16xf32>
        tpu.vector_store %arg9[%swap3A_42, %swap3A_43], %swap3A_46 {strides = array<i32>} : memref<64x128xf32, #tpu.memory_space<vmem>>, vector<1x16xf32>,
        %broadcast_in_dim3A_47 = arith.constant 0.000000e+00 : f32
        %broadcast_in_dim3A_48 = vector.broadcast %broadcast_in_dim3A_47 : f32 to vector<16xf32>
        %swap3A_49 = arith.index_cast %scan3A_26 : i32 to index
        %swap3A_50 = arith.constant 48 : index
        %swap3A_51 = tpu.vector_load %arg9[%swap3A_49, %swap3A_50] {strides = array<i32>} : memref<64x128xf32, #tpu.memory_space<vmem>>, vector<1x16xf32>,
        %swap3A_52 = vector.shape_cast %swap3A_51 : vector<1x16xf32> to vector<16xf32>
        %swap3A_53 = vector.shape_cast %broadcast_in_dim3A_48 : vector<16xf32> to vector<1x16xf32>
        tpu.vector_store %arg9[%swap3A_49, %swap3A_50], %swap3A_53 {strides = array<i32>} : memref<64x128xf32, #tpu.memory_space<vmem>>, vector<1x16xf32>,
        %broadcast_in_dim3A_54 = arith.constant 0.000000e+00 : f32
        %broadcast_in_dim3A_55 = vector.broadcast %broadcast_in_dim3A_54 : f32 to vector<16xf32>
        %swap3A_56 = arith.index_cast %scan3A_26 : i32 to index
        %swap3A_57 = arith.constant 64 : index
        %swap3A_58 = tpu.vector_load %arg9[%swap3A_56, %swap3A_57] {strides = array<i32>} : memref<64x128xf32, #tpu.memory_space<vmem>>, vector<1x16xf32>,
        %swap3A_59 = vector.shape_cast %swap3A_58 : vector<1x16xf32> to vector<16xf32>
        %swap3A_60 = vector.shape_cast %broadcast_in_dim3A_55 : vector<16xf32> to vector<1x16xf32>
        tpu.vector_store %arg9[%swap3A_56, %swap3A_57], %swap3A_60 {strides = array<i32>} : memref<64x128xf32, #tpu.memory_space<vmem>>, vector<1x16xf32>,
        %broadcast_in_dim3A_61 = arith.constant 0.000000e+00 : f32
        %broadcast_in_dim3A_62 = vector.broadcast %broadcast_in_dim3A_61 : f32 to vector<16xf32>
        %swap3A_63 = arith.index_cast %scan3A_26 : i32 to index
        %swap3A_64 = arith.constant 80 : index
        %swap3A_65 = tpu.vector_load %arg9[%swap3A_63, %swap3A_64] {strides = array<i32>} : memref<64x128xf32, #tpu.memory_space<vmem>>, vector<1x16xf32>,
        %swap3A_66 = vector.shape_cast %swap3A_65 : vector<1x16xf32> to vector<16xf32>
        %swap3A_67 = vector.shape_cast %broadcast_in_dim3A_62 : vector<16xf32> to vector<1x16xf32>
        tpu.vector_store %arg9[%swap3A_63, %swap3A_64], %swap3A_67 {strides = array<i32>} : memref<64x128xf32, #tpu.memory_space<vmem>>, vector<1x16xf32>,
        %broadcast_in_dim3A_68 = arith.constant 0.000000e+00 : f32
        %broadcast_in_dim3A_69 = vector.broadcast %broadcast_in_dim3A_68 : f32 to vector<16xf32>
        %swap3A_70 = arith.index_cast %scan3A_26 : i32 to index
        %swap3A_71 = arith.constant 96 : index
        %swap3A_72 = tpu.vector_load %arg9[%swap3A_70, %swap3A_71] {strides = array<i32>} : memref<64x128xf32, #tpu.memory_space<vmem>>, vector<1x16xf32>,
        %swap3A_73 = vector.shape_cast %swap3A_72 : vector<1x16xf32> to vector<16xf32>
        %swap3A_74 = vector.shape_cast %broadcast_in_dim3A_69 : vector<16xf32> to vector<1x16xf32>
        tpu.vector_store %arg9[%swap3A_70, %swap3A_71], %swap3A_74 {strides = array<i32>} : memref<64x128xf32, #tpu.memory_space<vmem>>, vector<1x16xf32>,
        %broadcast_in_dim3A_75 = arith.constant 0.000000e+00 : f32
        %broadcast_in_dim3A_76 = vector.broadcast %broadcast_in_dim3A_75 : f32 to vector<16xf32>
        %swap3A_77 = arith.index_cast %scan3A_26 : i32 to index
        %swap3A_78 = arith.constant 112 : index
        %swap3A_79 = tpu.vector_load %arg9[%swap3A_77, %swap3A_78] {strides = array<i32>} : memref<64x128xf32, #tpu.memory_space<vmem>>, vector<1x16xf32>,
        %swap3A_80 = vector.shape_cast %swap3A_79 : vector<1x16xf32> to vector<16xf32>
        %swap3A_81 = vector.shape_cast %broadcast_in_dim3A_76 : vector<16xf32> to vector<1x16xf32>
        tpu.vector_store %arg9[%swap3A_77, %swap3A_78], %swap3A_81 {strides = array<i32>} : memref<64x128xf32, #tpu.memory_space<vmem>>, vector<1x16xf32>,
        %scan3A_82 = arith.constant 0 : i32
        scf.yield %scan3A_82 : i32
      }
      %scan3A_18 = arith.constant 64 : i32
      %scan3A_19 = arith.constant 0 : i32
      %scan3A_20 = arith.constant 0 : i32
      %scan3A_21 = arith.constant 64 : i32
      %scan3A_22 = arith.addi %scan3A_20, %scan3A_21 : i32
      %scan3A_23 = arith.constant 1 : i32
      %scan3A_24 = scf.for %scan3A_26 = %scan3A_20 to %scan3A_22 step %scan3A_23 iter_args(%scan3A_27 = %scan3A_19) -> (i32)  : i32 {
        %broadcast_in_dim3A = arith.constant 0.000000e+00 : f32
        %broadcast_in_dim3A_28 = vector.broadcast %broadcast_in_dim3A : f32 to vector<16xf32>
        %swap3A = arith.index_cast %scan3A_26 : i32 to index
        %swap3A_29 = arith.constant 0 : index
        %swap3A_30 = tpu.vector_load %arg10[%swap3A, %swap3A_29] {strides = array<i32>} : memref<64x16xf32, #tpu.memory_space<vmem>>, vector<1x16xf32>,
        %swap3A_31 = vector.shape_cast %swap3A_30 : vector<1x16xf32> to vector<16xf32>
        %swap3A_32 = vector.shape_cast %broadcast_in_dim3A_28 : vector<16xf32> to vector<1x16xf32>
        tpu.vector_store %arg10[%swap3A, %swap3A_29], %swap3A_32 {strides = array<i32>} : memref<64x16xf32, #tpu.memory_space<vmem>>, vector<1x16xf32>,
        %scan3A_33 = arith.constant 0 : i32
        scf.yield %scan3A_33 : i32
      }
      %scan3A_25 = arith.constant 64 : i32
      "tpu.region"() ({
        %run_scoped3A = tpu.sem_alloc : memref<!tpu.dma_semaphore, #tpu.memory_space<semaphore_mem>>
        tpu.enqueue_dma source(%arg9 : memref<64x128xf32, #tpu.memory_space<vmem>>) target(%arg11 : memref<64x128xf32, #tpu.memory_space<vmem_shared>>) target_semaphore(%run_scoped3A : memref<!tpu.dma_semaphore, #tpu.memory_space<semaphore_mem>>)
        tpu.wait_dma2 semaphore(%run_scoped3A : memref<!tpu.dma_semaphore, #tpu.memory_space<semaphore_mem>>) src(%arg9 : memref<64x128xf32, #tpu.memory_space<vmem>>) dst(%arg11 : memref<64x128xf32, #tpu.memory_space<vmem_shared>>)
        tpu.yield
      }) : () -> ()
      "tpu.region"() ({
        %run_scoped3A = tpu.sem_alloc : memref<!tpu.dma_semaphore, #tpu.memory_space<semaphore_mem>>
        tpu.enqueue_dma source(%arg10 : memref<64x16xf32, #tpu.memory_space<vmem>>) target(%arg12 : memref<64x16xf32, #tpu.memory_space<vmem_shared>>) target_semaphore(%run_scoped3A : memref<!tpu.dma_semaphore, #tpu.memory_space<semaphore_mem>>)
        tpu.wait_dma2 semaphore(%run_scoped3A : memref<!tpu.dma_semaphore, #tpu.memory_space<semaphore_mem>>) src(%arg10 : memref<64x16xf32, #tpu.memory_space<vmem>>) dst(%arg12 : memref<64x16xf32, #tpu.memory_space<vmem_shared>>)
        tpu.yield
      }) : () -> ()
    } else {
    }
    %barrier3A = arith.constant 0 : index
    tpu.barrier barrier_id(%barrier3A)
    %lt3A = arith.constant 25 : i32
    %lt3A_3 = arith.cmpi slt, %add3A, %lt3A : i32
    %convert_element_type3A_4 = arith.extui %lt3A_3 : i1 to i32
    %cond3A_5 = arith.constant 0 : i32
    %cond3A_6 = arith.cmpi ne, %convert_element_type3A_4, %cond3A_5 : i32
    scf.if %cond3A_6 {
      %scan3A = arith.constant 0 : i32
      %scan3A_13 = arith.constant 0 : i32
      %scan3A_14 = arith.constant 80 : i32
      %scan3A_15 = arith.addi %scan3A_13, %scan3A_14 : i32
      %scan3A_16 = arith.constant 1 : i32
      %scan3A_17 = scf.for %scan3A_26 = %scan3A_13 to %scan3A_15 step %scan3A_16 iter_args(%scan3A_27 = %scan3A) -> (i32)  : i32 {
        %broadcast_in_dim3A = arith.constant 1.000000e+00 : f32
        %broadcast_in_dim3A_28 = vector.broadcast %broadcast_in_dim3A : f32 to vector<16xf32>
        %swap3A = arith.index_cast %scan3A_26 : i32 to index
        %swap3A_29 = arith.constant 0 : index
        %swap3A_30 = tpu.vector_load %arg8[%swap3A, %swap3A_29] {strides = array<i32>} : memref<80x16xf32, #tpu.memory_space<vmem>>, vector<1x16xf32>,
        %swap3A_31 = vector.shape_cast %swap3A_30 : vector<1x16xf32> to vector<16xf32>
        %swap3A_32 = vector.shape_cast %broadcast_in_dim3A_28 : vector<16xf32> to vector<1x16xf32>
        tpu.vector_store %arg8[%swap3A, %swap3A_29], %swap3A_32 {strides = array<i32>} : memref<80x16xf32, #tpu.memory_space<vmem>>, vector<1x16xf32>,
        %scan3A_33 = arith.constant 0 : i32
        scf.yield %scan3A_33 : i32
      }
      %scan3A_18 = arith.constant 80 : i32
      "tpu.region"() ({
        %run_scoped3A = tpu.sem_alloc : memref<!tpu.dma_semaphore, #tpu.memory_space<semaphore_mem>>
        %dma_start3A = arith.constant 0 : i32
        %dma_start3A_26 = arith.constant 0 : i32
        %dma_start3A_27 = tpu.memref_slice %arg3[%add3A, %dma_start3A, %dma_start3A_26] : memref<25x5x80xi32, #tpu.memory_space<hbm>> -> memref<1x5x80xi32, #tpu.memory_space<hbm>>
        %dma_start3A_28 = tpu.memref_squeeze %dma_start3A_27 : memref<1x5x80xi32, #tpu.memory_space<hbm>> -> memref<5x80xi32, #tpu.memory_space<hbm>>
        %dma_start3A_29 = arith.constant 0 : i32
        %dma_start3A_30 = arith.constant 0 : i32
        %dma_start3A_31 = tpu.memref_slice %arg3[%add3A, %dma_start3A_29, %dma_start3A_30] : memref<25x5x80xi32, #tpu.memory_space<hbm>> -> memref<1x5x80xi32, #tpu.memory_space<hbm>>
        %dma_start3A_32 = tpu.memref_squeeze %dma_start3A_31 : memref<1x5x80xi32, #tpu.memory_space<hbm>> -> memref<5x80xi32, #tpu.memory_space<hbm>>
        tpu.enqueue_dma source(%dma_start3A_32 : memref<5x80xi32, #tpu.memory_space<hbm>>) target(%arg6 : memref<5x80xi32, #tpu.memory_space<vmem>>) target_semaphore(%run_scoped3A : memref<!tpu.dma_semaphore, #tpu.memory_space<semaphore_mem>>)
        %dma_wait3A = arith.constant 0 : i32
        %dma_wait3A_33 = arith.constant 0 : i32
        %dma_wait3A_34 = tpu.memref_slice %arg3[%add3A, %dma_wait3A, %dma_wait3A_33] : memref<25x5x80xi32, #tpu.memory_space<hbm>> -> memref<1x5x80xi32, #tpu.memory_space<hbm>>
        %dma_wait3A_35 = tpu.memref_squeeze %dma_wait3A_34 : memref<1x5x80xi32, #tpu.memory_space<hbm>> -> memref<5x80xi32, #tpu.memory_space<hbm>>
        %dma_wait3A_36 = arith.constant 0 : i32
        %dma_wait3A_37 = arith.constant 0 : i32
        %dma_wait3A_38 = tpu.memref_slice %arg3[%add3A, %dma_wait3A_36, %dma_wait3A_37] : memref<25x5x80xi32, #tpu.memory_space<hbm>> -> memref<1x5x80xi32, #tpu.memory_space<hbm>>
        %dma_wait3A_39 = tpu.memref_squeeze %dma_wait3A_38 : memref<1x5x80xi32, #tpu.memory_space<hbm>> -> memref<5x80xi32, #tpu.memory_space<hbm>>
        tpu.wait_dma2 semaphore(%run_scoped3A : memref<!tpu.dma_semaphore, #tpu.memory_space<semaphore_mem>>) src(%dma_wait3A_39 : memref<5x80xi32, #tpu.memory_space<hbm>>) dst(%arg6 : memref<5x80xi32, #tpu.memory_space<vmem>>)
        tpu.yield
      }) : () -> ()
      %scan3A_19 = arith.constant 0 : i32
      %scan3A_20 = arith.constant 0 : i32
      %scan3A_21 = arith.constant 5 : i32
      %scan3A_22 = arith.addi %scan3A_20, %scan3A_21 : i32
      %scan3A_23 = arith.constant 1 : i32
      %scan3A_24 = scf.for %scan3A_26 = %scan3A_20 to %scan3A_22 step %scan3A_23 iter_args(%scan3A_27 = %scan3A_19) -> (i32)  : i32 {
        %mul3A_28 = arith.constant 400 : i32
        %mul3A_29 = arith.muli %add3A, %mul3A_28 : i32
        %mul3A_30 = arith.constant 80 : i32
        %mul3A_31 = arith.muli %scan3A_26, %mul3A_30 : i32
        %add3A_32 = arith.addi %mul3A_29, %mul3A_31 : i32
        %dma_start3A = arith.constant 0 : i32
        %dma_start3A_33 = tpu.memref_slice %arg2[%add3A_32, %dma_start3A] : memref<10240x128xf32, #tpu.memory_space<hbm>> -> memref<80x128xf32, #tpu.memory_space<hbm>>
        %dma_start3A_34 = arith.constant 0 : i32
        %dma_start3A_35 = tpu.memref_slice %arg2[%add3A_32, %dma_start3A_34] : memref<10240x128xf32, #tpu.memory_space<hbm>> -> memref<80x128xf32, #tpu.memory_space<hbm>>
        tpu.enqueue_dma source(%dma_start3A_35 : memref<80x128xf32, #tpu.memory_space<hbm>>) target(%arg7 : memref<80x128xf32, #tpu.memory_space<vmem>>) target_semaphore(%arg13 : memref<!tpu.dma_semaphore, #tpu.memory_space<semaphore_mem>>)
        %dma_wait3A = arith.constant 0 : i32
        %dma_wait3A_36 = tpu.memref_slice %arg2[%add3A_32, %dma_wait3A] : memref<10240x128xf32, #tpu.memory_space<hbm>> -> memref<80x128xf32, #tpu.memory_space<hbm>>
        %dma_wait3A_37 = arith.constant 0 : i32
        %dma_wait3A_38 = tpu.memref_slice %arg2[%add3A_32, %dma_wait3A_37] : memref<10240x128xf32, #tpu.memory_space<hbm>> -> memref<80x128xf32, #tpu.memory_space<hbm>>
        tpu.wait_dma2 semaphore(%arg13 : memref<!tpu.dma_semaphore, #tpu.memory_space<semaphore_mem>>) src(%dma_wait3A_38 : memref<80x128xf32, #tpu.memory_space<hbm>>) dst(%arg7 : memref<80x128xf32, #tpu.memory_space<vmem>>)
        "tpu.region"() ({
          %run_scoped3A = tpu.sem_alloc : memref<!tpu.dma_semaphore, #tpu.memory_space<semaphore_mem>>
          %dma_start3A_40 = arith.constant 0 : i32
          %dma_start3A_41 = tpu.memref_slice %arg6[%scan3A_26, %dma_start3A_40] : memref<5x80xi32, #tpu.memory_space<vmem>> -> memref<1x80xi32, #tpu.memory_space<vmem>>
          %dma_start3A_42 = tpu.memref_squeeze %dma_start3A_41 : memref<1x80xi32, #tpu.memory_space<vmem>> -> memref<80xi32, #tpu.memory_space<vmem>>
          %dma_start3A_43 = arith.constant 0 : i32
          %dma_start3A_44 = arith.constant 0 : i32
          %dma_start3A_45 = tpu.memref_slice %arg11[%dma_start3A_43, %dma_start3A_44] : memref<64x128xf32, #tpu.memory_space<vmem_shared>> -> memref<64x128xf32, #tpu.memory_space<vmem_shared>>
          tpu.enqueue_indirect_dma source(%arg7 : memref<80x128xf32, #tpu.memory_space<vmem>>) target(%dma_start3A_45 : memref<64x128xf32, #tpu.memory_space<vmem_shared>>) offsets(%dma_start3A_42 : memref<80xi32, #tpu.memory_space<vmem>>) semaphore(%run_scoped3A : memref<!tpu.dma_semaphore, #tpu.memory_space<semaphore_mem>>) {add = true}
          %dma_wait3A_46 = arith.constant 0 : i32
          %dma_wait3A_47 = tpu.memref_slice %arg6[%scan3A_26, %dma_wait3A_46] : memref<5x80xi32, #tpu.memory_space<vmem>> -> memref<1x80xi32, #tpu.memory_space<vmem>>
          %dma_wait3A_48 = tpu.memref_squeeze %dma_wait3A_47 : memref<1x80xi32, #tpu.memory_space<vmem>> -> memref<80xi32, #tpu.memory_space<vmem>>
          %dma_wait3A_49 = arith.constant 0 : i32
          %dma_wait3A_50 = arith.constant 0 : i32
          %dma_wait3A_51 = tpu.memref_slice %arg11[%dma_wait3A_49, %dma_wait3A_50] : memref<64x128xf32, #tpu.memory_space<vmem_shared>> -> memref<64x128xf32, #tpu.memory_space<vmem_shared>>
          tpu.wait_indirect_dma semaphore(%run_scoped3A : memref<!tpu.dma_semaphore, #tpu.memory_space<semaphore_mem>>) src(%arg7 : memref<80x128xf32, #tpu.memory_space<vmem>>) dst(%dma_wait3A_51 : memref<64x128xf32, #tpu.memory_space<vmem_shared>>)
          tpu.yield
        }) : () -> ()
        "tpu.region"() ({
          %run_scoped3A = tpu.sem_alloc : memref<!tpu.dma_semaphore, #tpu.memory_space<semaphore_mem>>
          %dma_start3A_40 = arith.constant 0 : i32
          %dma_start3A_41 = tpu.memref_slice %arg6[%scan3A_26, %dma_start3A_40] : memref<5x80xi32, #tpu.memory_space<vmem>> -> memref<1x80xi32, #tpu.memory_space<vmem>>
          %dma_start3A_42 = tpu.memref_squeeze %dma_start3A_41 : memref<1x80xi32, #tpu.memory_space<vmem>> -> memref<80xi32, #tpu.memory_space<vmem>>
          %dma_start3A_43 = arith.constant 0 : i32
          %dma_start3A_44 = arith.constant 0 : i32
          %dma_start3A_45 = tpu.memref_slice %arg12[%dma_start3A_43, %dma_start3A_44] : memref<64x16xf32, #tpu.memory_space<vmem_shared>> -> memref<64x16xf32, #tpu.memory_space<vmem_shared>>
          tpu.enqueue_indirect_dma source(%arg8 : memref<80x16xf32, #tpu.memory_space<vmem>>) target(%dma_start3A_45 : memref<64x16xf32, #tpu.memory_space<vmem_shared>>) offsets(%dma_start3A_42 : memref<80xi32, #tpu.memory_space<vmem>>) semaphore(%run_scoped3A : memref<!tpu.dma_semaphore, #tpu.memory_space<semaphore_mem>>) {add = true}
          %dma_wait3A_46 = arith.constant 0 : i32
          %dma_wait3A_47 = tpu.memref_slice %arg6[%scan3A_26, %dma_wait3A_46] : memref<5x80xi32, #tpu.memory_space<vmem>> -> memref<1x80xi32, #tpu.memory_space<vmem>>
          %dma_wait3A_48 = tpu.memref_squeeze %dma_wait3A_47 : memref<1x80xi32, #tpu.memory_space<vmem>> -> memref<80xi32, #tpu.memory_space<vmem>>
          %dma_wait3A_49 = arith.constant 0 : i32
          %dma_wait3A_50 = arith.constant 0 : i32
          %dma_wait3A_51 = tpu.memref_slice %arg12[%dma_wait3A_49, %dma_wait3A_50] : memref<64x16xf32, #tpu.memory_space<vmem_shared>> -> memref<64x16xf32, #tpu.memory_space<vmem_shared>>
          tpu.wait_indirect_dma semaphore(%run_scoped3A : memref<!tpu.dma_semaphore, #tpu.memory_space<semaphore_mem>>) src(%arg8 : memref<80x16xf32, #tpu.memory_space<vmem>>) dst(%dma_wait3A_51 : memref<64x16xf32, #tpu.memory_space<vmem_shared>>)
          tpu.yield
        }) : () -> ()
        %scan3A_39 = arith.constant 0 : i32
        scf.yield %scan3A_39 : i32
      }
      %scan3A_25 = arith.constant 5 : i32
    } else {
    }
    %barrier3A_7 = arith.constant 0 : index
    tpu.barrier barrier_id(%barrier3A_7)
    %eq3A_8 = arith.constant 0 : i32
    %eq3A_9 = arith.cmpi eq, %arg1, %eq3A_8 : i32
    %convert_element_type3A_10 = arith.extui %eq3A_9 : i1 to i32
    %cond3A_11 = arith.constant 0 : i32
    %cond3A_12 = arith.cmpi ne, %convert_element_type3A_10, %cond3A_11 : i32
    scf.if %cond3A_12 {
      "tpu.region"() ({
        %run_scoped3A = tpu.sem_alloc : memref<!tpu.dma_semaphore, #tpu.memory_space<semaphore_mem>>
        %dma_start3A = arith.constant 0 : i32
        %dma_start3A_13 = arith.constant 0 : i32
        %dma_start3A_14 = tpu.memref_slice %arg4[%arg0, %dma_start3A, %dma_start3A_13] : memref<2x64x128xf32, #tpu.memory_space<hbm>> -> memref<1x64x128xf32, #tpu.memory_space<hbm>>
        %dma_start3A_15 = tpu.memref_squeeze %dma_start3A_14 : memref<1x64x128xf32, #tpu.memory_space<hbm>> -> memref<64x128xf32, #tpu.memory_space<hbm>>
        tpu.enqueue_dma source(%arg11 : memref<64x128xf32, #tpu.memory_space<vmem_shared>>) target(%dma_start3A_15 : memref<64x128xf32, #tpu.memory_space<hbm>>) target_semaphore(%run_scoped3A : memref<!tpu.dma_semaphore, #tpu.memory_space<semaphore_mem>>)
        %dma_wait3A = arith.constant 0 : i32
        %dma_wait3A_16 = arith.constant 0 : i32
        %dma_wait3A_17 = tpu.memref_slice %arg4[%arg0, %dma_wait3A, %dma_wait3A_16] : memref<2x64x128xf32, #tpu.memory_space<hbm>> -> memref<1x64x128xf32, #tpu.memory_space<hbm>>
        %dma_wait3A_18 = tpu.memref_squeeze %dma_wait3A_17 : memref<1x64x128xf32, #tpu.memory_space<hbm>> -> memref<64x128xf32, #tpu.memory_space<hbm>>
        tpu.wait_dma2 semaphore(%run_scoped3A : memref<!tpu.dma_semaphore, #tpu.memory_space<semaphore_mem>>) src(%arg11 : memref<64x128xf32, #tpu.memory_space<vmem_shared>>) dst(%dma_wait3A_18 : memref<64x128xf32, #tpu.memory_space<hbm>>)
        tpu.yield
      }) : () -> ()
      "tpu.region"() ({
        %run_scoped3A = tpu.sem_alloc : memref<!tpu.dma_semaphore, #tpu.memory_space<semaphore_mem>>
        %dma_start3A = arith.constant 0 : i32
        %dma_start3A_13 = arith.constant 0 : i32
        %dma_start3A_14 = tpu.memref_slice %arg5[%arg0, %dma_start3A, %dma_start3A_13] : memref<2x64x16xf32, #tpu.memory_space<hbm>> -> memref<1x64x16xf32, #tpu.memory_space<hbm>>
        %dma_start3A_15 = tpu.memref_squeeze %dma_start3A_14 : memref<1x64x16xf32, #tpu.memory_space<hbm>> -> memref<64x16xf32, #tpu.memory_space<hbm>>
        tpu.enqueue_dma source(%arg12 : memref<64x16xf32, #tpu.memory_space<vmem_shared>>) target(%dma_start3A_15 : memref<64x16xf32, #tpu.memory_space<hbm>>) target_semaphore(%run_scoped3A : memref<!tpu.dma_semaphore, #tpu.memory_space<semaphore_mem>>)
        %dma_wait3A = arith.constant 0 : i32
        %dma_wait3A_16 = arith.constant 0 : i32
        %dma_wait3A_17 = tpu.memref_slice %arg5[%arg0, %dma_wait3A, %dma_wait3A_16] : memref<2x64x16xf32, #tpu.memory_space<hbm>> -> memref<1x64x16xf32, #tpu.memory_space<hbm>>
        %dma_wait3A_18 = tpu.memref_squeeze %dma_wait3A_17 : memref<1x64x16xf32, #tpu.memory_space<hbm>> -> memref<64x16xf32, #tpu.memory_space<hbm>>
        tpu.wait_dma2 semaphore(%run_scoped3A : memref<!tpu.dma_semaphore, #tpu.memory_space<semaphore_mem>>) src(%arg12 : memref<64x16xf32, #tpu.memory_space<vmem_shared>>) dst(%dma_wait3A_18 : memref<64x16xf32, #tpu.memory_space<hbm>>)
        tpu.yield
      }) : () -> ()
    } else {
    }
    return
  }
}

#map = affine_map<(d0, d1) -> (0, 0)>
#map1 = affine_map<(d0, d1) -> (0, 0, 0, 0)>
#map2 = affine_map<(d0, d1) -> (0, 0, 0)>
module attributes {stable_mosaic.version = 14 : i64} {
  func.func @body(%arg0: i32, %arg1: i32, %arg2: memref<10240x128xf32, #tpu.memory_space<hbm>>, %arg3: memref<32x6x13x128xi32, #tpu.memory_space<hbm>>, %arg4: memref<32x6x13x128xi32, #tpu.memory_space<hbm>>, %arg5: memref<32x16xi32, #tpu.memory_space<hbm>>, %arg6: memref<32x16xi32, #tpu.memory_space<hbm>>, %arg7: memref<2x10240x128xf32, #tpu.memory_space<hbm>>, %arg8: memref<13x128xi32, #tpu.memory_space<vmem>>, %arg9: memref<13x128xi32, #tpu.memory_space<vmem>>, %arg10: memref<16xi32, #tpu.memory_space<vmem>>, %arg11: memref<16xi32, #tpu.memory_space<vmem>>, %arg12: memref<128x128xf32, #tpu.memory_space<vmem>>, %arg13: memref<10240x128xf32, #tpu.memory_space<vmem_shared>>, %arg14: memref<!tpu.dma_semaphore, #tpu.memory_space<semaphore_mem>>) attributes {dimension_semantics = [#tpu.dimension_semantics<core_parallel>, #tpu.dimension_semantics<subcore_parallel>], iteration_bounds = array<i64: 2, 16>, scalar_prefetch = 0 : i64, scratch_operands = 7 : i64, tpu.core_type = #tpu.core_type<sc_vector_subcore>, window_params = [{transform_indices = #map}, {transform_indices = #map1}, {transform_indices = #map1}, {transform_indices = #map}, {transform_indices = #map}, {transform_indices = #map2}]} {
    %mul3A = arith.constant 16 : i32
    %mul3A_0 = arith.muli %arg0, %mul3A : i32
    %add3A = arith.addi %mul3A_0, %arg1 : i32
    %scan3A = arith.constant 0 : i32
    %scan3A_1 = arith.constant 0 : i32
    %scan3A_2 = arith.constant 128 : i32
    %scan3A_3 = arith.addi %scan3A_1, %scan3A_2 : i32
    %scan3A_4 = arith.constant 1 : i32
    %scan3A_5 = scf.for %scan3A_47 = %scan3A_1 to %scan3A_3 step %scan3A_4 iter_args(%scan3A_48 = %scan3A) -> (i32)  : i32 {
      %broadcast_in_dim3A = arith.constant 0.000000e+00 : f32
      %broadcast_in_dim3A_49 = vector.broadcast %broadcast_in_dim3A : f32 to vector<16xf32>
      %swap3A = arith.index_cast %scan3A_47 : i32 to index
      %swap3A_50 = arith.constant 0 : index
      %swap3A_51 = tpu.vector_load %arg12[%swap3A, %swap3A_50] {strides = array<i32>} : memref<128x128xf32, #tpu.memory_space<vmem>>, vector<1x16xf32>,
      %swap3A_52 = vector.shape_cast %swap3A_51 : vector<1x16xf32> to vector<16xf32>
      %swap3A_53 = vector.shape_cast %broadcast_in_dim3A_49 : vector<16xf32> to vector<1x16xf32>
      tpu.vector_store %arg12[%swap3A, %swap3A_50], %swap3A_53 {strides = array<i32>} : memref<128x128xf32, #tpu.memory_space<vmem>>, vector<1x16xf32>,
      %broadcast_in_dim3A_54 = arith.constant 0.000000e+00 : f32
      %broadcast_in_dim3A_55 = vector.broadcast %broadcast_in_dim3A_54 : f32 to vector<16xf32>
      %swap3A_56 = arith.index_cast %scan3A_47 : i32 to index
      %swap3A_57 = arith.constant 16 : index
      %swap3A_58 = tpu.vector_load %arg12[%swap3A_56, %swap3A_57] {strides = array<i32>} : memref<128x128xf32, #tpu.memory_space<vmem>>, vector<1x16xf32>,
      %swap3A_59 = vector.shape_cast %swap3A_58 : vector<1x16xf32> to vector<16xf32>
      %swap3A_60 = vector.shape_cast %broadcast_in_dim3A_55 : vector<16xf32> to vector<1x16xf32>
      tpu.vector_store %arg12[%swap3A_56, %swap3A_57], %swap3A_60 {strides = array<i32>} : memref<128x128xf32, #tpu.memory_space<vmem>>, vector<1x16xf32>,
      %broadcast_in_dim3A_61 = arith.constant 0.000000e+00 : f32
      %broadcast_in_dim3A_62 = vector.broadcast %broadcast_in_dim3A_61 : f32 to vector<16xf32>
      %swap3A_63 = arith.index_cast %scan3A_47 : i32 to index
      %swap3A_64 = arith.constant 32 : index
      %swap3A_65 = tpu.vector_load %arg12[%swap3A_63, %swap3A_64] {strides = array<i32>} : memref<128x128xf32, #tpu.memory_space<vmem>>, vector<1x16xf32>,
      %swap3A_66 = vector.shape_cast %swap3A_65 : vector<1x16xf32> to vector<16xf32>
      %swap3A_67 = vector.shape_cast %broadcast_in_dim3A_62 : vector<16xf32> to vector<1x16xf32>
      tpu.vector_store %arg12[%swap3A_63, %swap3A_64], %swap3A_67 {strides = array<i32>} : memref<128x128xf32, #tpu.memory_space<vmem>>, vector<1x16xf32>,
      %broadcast_in_dim3A_68 = arith.constant 0.000000e+00 : f32
      %broadcast_in_dim3A_69 = vector.broadcast %broadcast_in_dim3A_68 : f32 to vector<16xf32>
      %swap3A_70 = arith.index_cast %scan3A_47 : i32 to index
      %swap3A_71 = arith.constant 48 : index
      %swap3A_72 = tpu.vector_load %arg12[%swap3A_70, %swap3A_71] {strides = array<i32>} : memref<128x128xf32, #tpu.memory_space<vmem>>, vector<1x16xf32>,
      %swap3A_73 = vector.shape_cast %swap3A_72 : vector<1x16xf32> to vector<16xf32>
      %swap3A_74 = vector.shape_cast %broadcast_in_dim3A_69 : vector<16xf32> to vector<1x16xf32>
      tpu.vector_store %arg12[%swap3A_70, %swap3A_71], %swap3A_74 {strides = array<i32>} : memref<128x128xf32, #tpu.memory_space<vmem>>, vector<1x16xf32>,
      %broadcast_in_dim3A_75 = arith.constant 0.000000e+00 : f32
      %broadcast_in_dim3A_76 = vector.broadcast %broadcast_in_dim3A_75 : f32 to vector<16xf32>
      %swap3A_77 = arith.index_cast %scan3A_47 : i32 to index
      %swap3A_78 = arith.constant 64 : index
      %swap3A_79 = tpu.vector_load %arg12[%swap3A_77, %swap3A_78] {strides = array<i32>} : memref<128x128xf32, #tpu.memory_space<vmem>>, vector<1x16xf32>,
      %swap3A_80 = vector.shape_cast %swap3A_79 : vector<1x16xf32> to vector<16xf32>
      %swap3A_81 = vector.shape_cast %broadcast_in_dim3A_76 : vector<16xf32> to vector<1x16xf32>
      tpu.vector_store %arg12[%swap3A_77, %swap3A_78], %swap3A_81 {strides = array<i32>} : memref<128x128xf32, #tpu.memory_space<vmem>>, vector<1x16xf32>,
      %broadcast_in_dim3A_82 = arith.constant 0.000000e+00 : f32
      %broadcast_in_dim3A_83 = vector.broadcast %broadcast_in_dim3A_82 : f32 to vector<16xf32>
      %swap3A_84 = arith.index_cast %scan3A_47 : i32 to index
      %swap3A_85 = arith.constant 80 : index
      %swap3A_86 = tpu.vector_load %arg12[%swap3A_84, %swap3A_85] {strides = array<i32>} : memref<128x128xf32, #tpu.memory_space<vmem>>, vector<1x16xf32>,
      %swap3A_87 = vector.shape_cast %swap3A_86 : vector<1x16xf32> to vector<16xf32>
      %swap3A_88 = vector.shape_cast %broadcast_in_dim3A_83 : vector<16xf32> to vector<1x16xf32>
      tpu.vector_store %arg12[%swap3A_84, %swap3A_85], %swap3A_88 {strides = array<i32>} : memref<128x128xf32, #tpu.memory_space<vmem>>, vector<1x16xf32>,
      %broadcast_in_dim3A_89 = arith.constant 0.000000e+00 : f32
      %broadcast_in_dim3A_90 = vector.broadcast %broadcast_in_dim3A_89 : f32 to vector<16xf32>
      %swap3A_91 = arith.index_cast %scan3A_47 : i32 to index
      %swap3A_92 = arith.constant 96 : index
      %swap3A_93 = tpu.vector_load %arg12[%swap3A_91, %swap3A_92] {strides = array<i32>} : memref<128x128xf32, #tpu.memory_space<vmem>>, vector<1x16xf32>,
      %swap3A_94 = vector.shape_cast %swap3A_93 : vector<1x16xf32> to vector<16xf32>
      %swap3A_95 = vector.shape_cast %broadcast_in_dim3A_90 : vector<16xf32> to vector<1x16xf32>
      tpu.vector_store %arg12[%swap3A_91, %swap3A_92], %swap3A_95 {strides = array<i32>} : memref<128x128xf32, #tpu.memory_space<vmem>>, vector<1x16xf32>,
      %broadcast_in_dim3A_96 = arith.constant 0.000000e+00 : f32
      %broadcast_in_dim3A_97 = vector.broadcast %broadcast_in_dim3A_96 : f32 to vector<16xf32>
      %swap3A_98 = arith.index_cast %scan3A_47 : i32 to index
      %swap3A_99 = arith.constant 112 : index
      %swap3A_100 = tpu.vector_load %arg12[%swap3A_98, %swap3A_99] {strides = array<i32>} : memref<128x128xf32, #tpu.memory_space<vmem>>, vector<1x16xf32>,
      %swap3A_101 = vector.shape_cast %swap3A_100 : vector<1x16xf32> to vector<16xf32>
      %swap3A_102 = vector.shape_cast %broadcast_in_dim3A_97 : vector<16xf32> to vector<1x16xf32>
      tpu.vector_store %arg12[%swap3A_98, %swap3A_99], %swap3A_102 {strides = array<i32>} : memref<128x128xf32, #tpu.memory_space<vmem>>, vector<1x16xf32>,
      %scan3A_103 = arith.constant 0 : i32
      scf.yield %scan3A_103 : i32
    }
    %scan3A_6 = arith.constant 128 : i32
    %mul3A_7 = arith.constant 640 : i32
    %mul3A_8 = arith.muli %arg1, %mul3A_7 : i32
    %add3A_9 = arith.constant 0 : i32
    %add3A_10 = arith.addi %mul3A_8, %add3A_9 : i32
    "tpu.region"() ({
      %run_scoped3A = tpu.sem_alloc : memref<!tpu.dma_semaphore, #tpu.memory_space<semaphore_mem>>
      %dma_start3A_47 = arith.constant 0 : i32
      %dma_start3A_48 = tpu.memref_slice %arg13[%add3A_10, %dma_start3A_47] : memref<10240x128xf32, #tpu.memory_space<vmem_shared>> -> memref<128x128xf32, #tpu.memory_space<vmem_shared>>
      %dma_start3A_49 = arith.constant 0 : i32
      %dma_start3A_50 = tpu.memref_slice %arg13[%add3A_10, %dma_start3A_49] : memref<10240x128xf32, #tpu.memory_space<vmem_shared>> -> memref<128x128xf32, #tpu.memory_space<vmem_shared>>
      tpu.enqueue_dma source(%arg12 : memref<128x128xf32, #tpu.memory_space<vmem>>) target(%dma_start3A_50 : memref<128x128xf32, #tpu.memory_space<vmem_shared>>) target_semaphore(%run_scoped3A : memref<!tpu.dma_semaphore, #tpu.memory_space<semaphore_mem>>)
      %dma_wait3A_51 = arith.constant 0 : i32
      %dma_wait3A_52 = tpu.memref_slice %arg13[%add3A_10, %dma_wait3A_51] : memref<10240x128xf32, #tpu.memory_space<vmem_shared>> -> memref<128x128xf32, #tpu.memory_space<vmem_shared>>
      %dma_wait3A_53 = arith.constant 0 : i32
      %dma_wait3A_54 = tpu.memref_slice %arg13[%add3A_10, %dma_wait3A_53] : memref<10240x128xf32, #tpu.memory_space<vmem_shared>> -> memref<128x128xf32, #tpu.memory_space<vmem_shared>>
      tpu.wait_dma2 semaphore(%run_scoped3A : memref<!tpu.dma_semaphore, #tpu.memory_space<semaphore_mem>>) src(%arg12 : memref<128x128xf32, #tpu.memory_space<vmem>>) dst(%dma_wait3A_54 : memref<128x128xf32, #tpu.memory_space<vmem_shared>>)
      tpu.yield
    }) : () -> ()
    %mul3A_11 = arith.constant 640 : i32
    %mul3A_12 = arith.muli %arg1, %mul3A_11 : i32
    %add3A_13 = arith.constant 128 : i32
    %add3A_14 = arith.addi %mul3A_12, %add3A_13 : i32
    "tpu.region"() ({
      %run_scoped3A = tpu.sem_alloc : memref<!tpu.dma_semaphore, #tpu.memory_space<semaphore_mem>>
      %dma_start3A_47 = arith.constant 0 : i32
      %dma_start3A_48 = tpu.memref_slice %arg13[%add3A_14, %dma_start3A_47] : memref<10240x128xf32, #tpu.memory_space<vmem_shared>> -> memref<128x128xf32, #tpu.memory_space<vmem_shared>>
      %dma_start3A_49 = arith.constant 0 : i32
      %dma_start3A_50 = tpu.memref_slice %arg13[%add3A_14, %dma_start3A_49] : memref<10240x128xf32, #tpu.memory_space<vmem_shared>> -> memref<128x128xf32, #tpu.memory_space<vmem_shared>>
      tpu.enqueue_dma source(%arg12 : memref<128x128xf32, #tpu.memory_space<vmem>>) target(%dma_start3A_50 : memref<128x128xf32, #tpu.memory_space<vmem_shared>>) target_semaphore(%run_scoped3A : memref<!tpu.dma_semaphore, #tpu.memory_space<semaphore_mem>>)
      %dma_wait3A_51 = arith.constant 0 : i32
      %dma_wait3A_52 = tpu.memref_slice %arg13[%add3A_14, %dma_wait3A_51] : memref<10240x128xf32, #tpu.memory_space<vmem_shared>> -> memref<128x128xf32, #tpu.memory_space<vmem_shared>>
      %dma_wait3A_53 = arith.constant 0 : i32
      %dma_wait3A_54 = tpu.memref_slice %arg13[%add3A_14, %dma_wait3A_53] : memref<10240x128xf32, #tpu.memory_space<vmem_shared>> -> memref<128x128xf32, #tpu.memory_space<vmem_shared>>
      tpu.wait_dma2 semaphore(%run_scoped3A : memref<!tpu.dma_semaphore, #tpu.memory_space<semaphore_mem>>) src(%arg12 : memref<128x128xf32, #tpu.memory_space<vmem>>) dst(%dma_wait3A_54 : memref<128x128xf32, #tpu.memory_space<vmem_shared>>)
      tpu.yield
    }) : () -> ()
    %mul3A_15 = arith.constant 640 : i32
    %mul3A_16 = arith.muli %arg1, %mul3A_15 : i32
    %add3A_17 = arith.constant 256 : i32
    %add3A_18 = arith.addi %mul3A_16, %add3A_17 : i32
    "tpu.region"() ({
      %run_scoped3A = tpu.sem_alloc : memref<!tpu.dma_semaphore, #tpu.memory_space<semaphore_mem>>
      %dma_start3A_47 = arith.constant 0 : i32
      %dma_start3A_48 = tpu.memref_slice %arg13[%add3A_18, %dma_start3A_47] : memref<10240x128xf32, #tpu.memory_space<vmem_shared>> -> memref<128x128xf32, #tpu.memory_space<vmem_shared>>
      %dma_start3A_49 = arith.constant 0 : i32
      %dma_start3A_50 = tpu.memref_slice %arg13[%add3A_18, %dma_start3A_49] : memref<10240x128xf32, #tpu.memory_space<vmem_shared>> -> memref<128x128xf32, #tpu.memory_space<vmem_shared>>
      tpu.enqueue_dma source(%arg12 : memref<128x128xf32, #tpu.memory_space<vmem>>) target(%dma_start3A_50 : memref<128x128xf32, #tpu.memory_space<vmem_shared>>) target_semaphore(%run_scoped3A : memref<!tpu.dma_semaphore, #tpu.memory_space<semaphore_mem>>)
      %dma_wait3A_51 = arith.constant 0 : i32
      %dma_wait3A_52 = tpu.memref_slice %arg13[%add3A_18, %dma_wait3A_51] : memref<10240x128xf32, #tpu.memory_space<vmem_shared>> -> memref<128x128xf32, #tpu.memory_space<vmem_shared>>
      %dma_wait3A_53 = arith.constant 0 : i32
      %dma_wait3A_54 = tpu.memref_slice %arg13[%add3A_18, %dma_wait3A_53] : memref<10240x128xf32, #tpu.memory_space<vmem_shared>> -> memref<128x128xf32, #tpu.memory_space<vmem_shared>>
      tpu.wait_dma2 semaphore(%run_scoped3A : memref<!tpu.dma_semaphore, #tpu.memory_space<semaphore_mem>>) src(%arg12 : memref<128x128xf32, #tpu.memory_space<vmem>>) dst(%dma_wait3A_54 : memref<128x128xf32, #tpu.memory_space<vmem_shared>>)
      tpu.yield
    }) : () -> ()
    %mul3A_19 = arith.constant 640 : i32
    %mul3A_20 = arith.muli %arg1, %mul3A_19 : i32
    %add3A_21 = arith.constant 384 : i32
    %add3A_22 = arith.addi %mul3A_20, %add3A_21 : i32
    "tpu.region"() ({
      %run_scoped3A = tpu.sem_alloc : memref<!tpu.dma_semaphore, #tpu.memory_space<semaphore_mem>>
      %dma_start3A_47 = arith.constant 0 : i32
      %dma_start3A_48 = tpu.memref_slice %arg13[%add3A_22, %dma_start3A_47] : memref<10240x128xf32, #tpu.memory_space<vmem_shared>> -> memref<128x128xf32, #tpu.memory_space<vmem_shared>>
      %dma_start3A_49 = arith.constant 0 : i32
      %dma_start3A_50 = tpu.memref_slice %arg13[%add3A_22, %dma_start3A_49] : memref<10240x128xf32, #tpu.memory_space<vmem_shared>> -> memref<128x128xf32, #tpu.memory_space<vmem_shared>>
      tpu.enqueue_dma source(%arg12 : memref<128x128xf32, #tpu.memory_space<vmem>>) target(%dma_start3A_50 : memref<128x128xf32, #tpu.memory_space<vmem_shared>>) target_semaphore(%run_scoped3A : memref<!tpu.dma_semaphore, #tpu.memory_space<semaphore_mem>>)
      %dma_wait3A_51 = arith.constant 0 : i32
      %dma_wait3A_52 = tpu.memref_slice %arg13[%add3A_22, %dma_wait3A_51] : memref<10240x128xf32, #tpu.memory_space<vmem_shared>> -> memref<128x128xf32, #tpu.memory_space<vmem_shared>>
      %dma_wait3A_53 = arith.constant 0 : i32
      %dma_wait3A_54 = tpu.memref_slice %arg13[%add3A_22, %dma_wait3A_53] : memref<10240x128xf32, #tpu.memory_space<vmem_shared>> -> memref<128x128xf32, #tpu.memory_space<vmem_shared>>
      tpu.wait_dma2 semaphore(%run_scoped3A : memref<!tpu.dma_semaphore, #tpu.memory_space<semaphore_mem>>) src(%arg12 : memref<128x128xf32, #tpu.memory_space<vmem>>) dst(%dma_wait3A_54 : memref<128x128xf32, #tpu.memory_space<vmem_shared>>)
      tpu.yield
    }) : () -> ()
    %mul3A_23 = arith.constant 640 : i32
    %mul3A_24 = arith.muli %arg1, %mul3A_23 : i32
    %add3A_25 = arith.constant 512 : i32
    %add3A_26 = arith.addi %mul3A_24, %add3A_25 : i32
    "tpu.region"() ({
      %run_scoped3A = tpu.sem_alloc : memref<!tpu.dma_semaphore, #tpu.memory_space<semaphore_mem>>
      %dma_start3A_47 = arith.constant 0 : i32
      %dma_start3A_48 = tpu.memref_slice %arg13[%add3A_26, %dma_start3A_47] : memref<10240x128xf32, #tpu.memory_space<vmem_shared>> -> memref<128x128xf32, #tpu.memory_space<vmem_shared>>
      %dma_start3A_49 = arith.constant 0 : i32
      %dma_start3A_50 = tpu.memref_slice %arg13[%add3A_26, %dma_start3A_49] : memref<10240x128xf32, #tpu.memory_space<vmem_shared>> -> memref<128x128xf32, #tpu.memory_space<vmem_shared>>
      tpu.enqueue_dma source(%arg12 : memref<128x128xf32, #tpu.memory_space<vmem>>) target(%dma_start3A_50 : memref<128x128xf32, #tpu.memory_space<vmem_shared>>) target_semaphore(%run_scoped3A : memref<!tpu.dma_semaphore, #tpu.memory_space<semaphore_mem>>)
      %dma_wait3A_51 = arith.constant 0 : i32
      %dma_wait3A_52 = tpu.memref_slice %arg13[%add3A_26, %dma_wait3A_51] : memref<10240x128xf32, #tpu.memory_space<vmem_shared>> -> memref<128x128xf32, #tpu.memory_space<vmem_shared>>
      %dma_wait3A_53 = arith.constant 0 : i32
      %dma_wait3A_54 = tpu.memref_slice %arg13[%add3A_26, %dma_wait3A_53] : memref<10240x128xf32, #tpu.memory_space<vmem_shared>> -> memref<128x128xf32, #tpu.memory_space<vmem_shared>>
      tpu.wait_dma2 semaphore(%run_scoped3A : memref<!tpu.dma_semaphore, #tpu.memory_space<semaphore_mem>>) src(%arg12 : memref<128x128xf32, #tpu.memory_space<vmem>>) dst(%dma_wait3A_54 : memref<128x128xf32, #tpu.memory_space<vmem_shared>>)
      tpu.yield
    }) : () -> ()
    %barrier3A = arith.constant 0 : index
    tpu.barrier barrier_id(%barrier3A)
    %scan3A_27 = arith.constant 0 : i32
    %scan3A_28 = arith.constant 0 : i32
    %scan3A_29 = arith.constant 6 : i32
    %scan3A_30 = arith.addi %scan3A_28, %scan3A_29 : i32
    %scan3A_31 = arith.constant 1 : i32
    %scan3A_32 = scf.for %scan3A_47 = %scan3A_28 to %scan3A_30 step %scan3A_31 iter_args(%scan3A_48 = %scan3A_27) -> (i32)  : i32 {
      "tpu.region"() ({
        %run_scoped3A = tpu.sem_alloc : memref<!tpu.dma_semaphore, #tpu.memory_space<semaphore_mem>>
        %dma_start3A_57 = arith.constant 0 : i32
        %dma_start3A_58 = arith.constant 0 : i32
        %dma_start3A_59 = tpu.memref_slice %arg3[%add3A, %scan3A_47, %dma_start3A_57, %dma_start3A_58] : memref<32x6x13x128xi32, #tpu.memory_space<hbm>> -> memref<1x1x13x128xi32, #tpu.memory_space<hbm>>
        %dma_start3A_60 = tpu.memref_squeeze %dma_start3A_59 : memref<1x1x13x128xi32, #tpu.memory_space<hbm>> -> memref<13x128xi32, #tpu.memory_space<hbm>>
        %dma_start3A_61 = arith.constant 0 : i32
        %dma_start3A_62 = arith.constant 0 : i32
        %dma_start3A_63 = tpu.memref_slice %arg3[%add3A, %scan3A_47, %dma_start3A_61, %dma_start3A_62] : memref<32x6x13x128xi32, #tpu.memory_space<hbm>> -> memref<1x1x13x128xi32, #tpu.memory_space<hbm>>
        %dma_start3A_64 = tpu.memref_squeeze %dma_start3A_63 : memref<1x1x13x128xi32, #tpu.memory_space<hbm>> -> memref<13x128xi32, #tpu.memory_space<hbm>>
        tpu.enqueue_dma source(%dma_start3A_64 : memref<13x128xi32, #tpu.memory_space<hbm>>) target(%arg8 : memref<13x128xi32, #tpu.memory_space<vmem>>) target_semaphore(%run_scoped3A : memref<!tpu.dma_semaphore, #tpu.memory_space<semaphore_mem>>)
        %dma_wait3A_65 = arith.constant 0 : i32
        %dma_wait3A_66 = arith.constant 0 : i32
        %dma_wait3A_67 = tpu.memref_slice %arg3[%add3A, %scan3A_47, %dma_wait3A_65, %dma_wait3A_66] : memref<32x6x13x128xi32, #tpu.memory_space<hbm>> -> memref<1x1x13x128xi32, #tpu.memory_space<hbm>>
        %dma_wait3A_68 = tpu.memref_squeeze %dma_wait3A_67 : memref<1x1x13x128xi32, #tpu.memory_space<hbm>> -> memref<13x128xi32, #tpu.memory_space<hbm>>
        %dma_wait3A_69 = arith.constant 0 : i32
        %dma_wait3A_70 = arith.constant 0 : i32
        %dma_wait3A_71 = tpu.memref_slice %arg3[%add3A, %scan3A_47, %dma_wait3A_69, %dma_wait3A_70] : memref<32x6x13x128xi32, #tpu.memory_space<hbm>> -> memref<1x1x13x128xi32, #tpu.memory_space<hbm>>
        %dma_wait3A_72 = tpu.memref_squeeze %dma_wait3A_71 : memref<1x1x13x128xi32, #tpu.memory_space<hbm>> -> memref<13x128xi32, #tpu.memory_space<hbm>>
        tpu.wait_dma2 semaphore(%run_scoped3A : memref<!tpu.dma_semaphore, #tpu.memory_space<semaphore_mem>>) src(%dma_wait3A_72 : memref<13x128xi32, #tpu.memory_space<hbm>>) dst(%arg8 : memref<13x128xi32, #tpu.memory_space<vmem>>)
        tpu.yield
      }) : () -> ()
      "tpu.region"() ({
        %run_scoped3A = tpu.sem_alloc : memref<!tpu.dma_semaphore, #tpu.memory_space<semaphore_mem>>
        %dma_start3A_57 = arith.constant 0 : i32
        %dma_start3A_58 = arith.constant 0 : i32
        %dma_start3A_59 = tpu.memref_slice %arg4[%add3A, %scan3A_47, %dma_start3A_57, %dma_start3A_58] : memref<32x6x13x128xi32, #tpu.memory_space<hbm>> -> memref<1x1x13x128xi32, #tpu.memory_space<hbm>>
        %dma_start3A_60 = tpu.memref_squeeze %dma_start3A_59 : memref<1x1x13x128xi32, #tpu.memory_space<hbm>> -> memref<13x128xi32, #tpu.memory_space<hbm>>
        %dma_start3A_61 = arith.constant 0 : i32
        %dma_start3A_62 = arith.constant 0 : i32
        %dma_start3A_63 = tpu.memref_slice %arg4[%add3A, %scan3A_47, %dma_start3A_61, %dma_start3A_62] : memref<32x6x13x128xi32, #tpu.memory_space<hbm>> -> memref<1x1x13x128xi32, #tpu.memory_space<hbm>>
        %dma_start3A_64 = tpu.memref_squeeze %dma_start3A_63 : memref<1x1x13x128xi32, #tpu.memory_space<hbm>> -> memref<13x128xi32, #tpu.memory_space<hbm>>
        tpu.enqueue_dma source(%dma_start3A_64 : memref<13x128xi32, #tpu.memory_space<hbm>>) target(%arg9 : memref<13x128xi32, #tpu.memory_space<vmem>>) target_semaphore(%run_scoped3A : memref<!tpu.dma_semaphore, #tpu.memory_space<semaphore_mem>>)
        %dma_wait3A_65 = arith.constant 0 : i32
        %dma_wait3A_66 = arith.constant 0 : i32
        %dma_wait3A_67 = tpu.memref_slice %arg4[%add3A, %scan3A_47, %dma_wait3A_65, %dma_wait3A_66] : memref<32x6x13x128xi32, #tpu.memory_space<hbm>> -> memref<1x1x13x128xi32, #tpu.memory_space<hbm>>
        %dma_wait3A_68 = tpu.memref_squeeze %dma_wait3A_67 : memref<1x1x13x128xi32, #tpu.memory_space<hbm>> -> memref<13x128xi32, #tpu.memory_space<hbm>>
        %dma_wait3A_69 = arith.constant 0 : i32
        %dma_wait3A_70 = arith.constant 0 : i32
        %dma_wait3A_71 = tpu.memref_slice %arg4[%add3A, %scan3A_47, %dma_wait3A_69, %dma_wait3A_70] : memref<32x6x13x128xi32, #tpu.memory_space<hbm>> -> memref<1x1x13x128xi32, #tpu.memory_space<hbm>>
        %dma_wait3A_72 = tpu.memref_squeeze %dma_wait3A_71 : memref<1x1x13x128xi32, #tpu.memory_space<hbm>> -> memref<13x128xi32, #tpu.memory_space<hbm>>
        tpu.wait_dma2 semaphore(%run_scoped3A : memref<!tpu.dma_semaphore, #tpu.memory_space<semaphore_mem>>) src(%dma_wait3A_72 : memref<13x128xi32, #tpu.memory_space<hbm>>) dst(%arg9 : memref<13x128xi32, #tpu.memory_space<vmem>>)
        tpu.yield
      }) : () -> ()
      %scan3A_49 = arith.constant 0 : i32
      %scan3A_50 = arith.constant 0 : i32
      %scan3A_51 = arith.constant 13 : i32
      %scan3A_52 = arith.addi %scan3A_50, %scan3A_51 : i32
      %scan3A_53 = arith.constant 1 : i32
      %scan3A_54 = scf.for %scan3A_57 = %scan3A_50 to %scan3A_52 step %scan3A_53 iter_args(%scan3A_58 = %scan3A_49) -> (i32)  : i32 {
        %dma_start3A_59 = arith.constant 0 : i32
        %dma_start3A_60 = tpu.memref_slice %arg9[%scan3A_57, %dma_start3A_59] : memref<13x128xi32, #tpu.memory_space<vmem>> -> memref<1x128xi32, #tpu.memory_space<vmem>>
        %dma_start3A_61 = tpu.memref_squeeze %dma_start3A_60 : memref<1x128xi32, #tpu.memory_space<vmem>> -> memref<128xi32, #tpu.memory_space<vmem>>
        %dma_start3A_62 = arith.constant 0 : i32
        %dma_start3A_63 = arith.constant 0 : i32
        %dma_start3A_64 = tpu.memref_slice %arg2[%dma_start3A_62, %dma_start3A_63] : memref<10240x128xf32, #tpu.memory_space<hbm>> -> memref<10240x128xf32, #tpu.memory_space<hbm>>
        tpu.enqueue_indirect_dma source(%dma_start3A_64 : memref<10240x128xf32, #tpu.memory_space<hbm>>) target(%arg12 : memref<128x128xf32, #tpu.memory_space<vmem>>) offsets(%dma_start3A_61 : memref<128xi32, #tpu.memory_space<vmem>>) semaphore(%arg14 : memref<!tpu.dma_semaphore, #tpu.memory_space<semaphore_mem>>)
        %dma_wait3A_65 = arith.constant 0 : i32
        %dma_wait3A_66 = tpu.memref_slice %arg9[%scan3A_57, %dma_wait3A_65] : memref<13x128xi32, #tpu.memory_space<vmem>> -> memref<1x128xi32, #tpu.memory_space<vmem>>
        %dma_wait3A_67 = tpu.memref_squeeze %dma_wait3A_66 : memref<1x128xi32, #tpu.memory_space<vmem>> -> memref<128xi32, #tpu.memory_space<vmem>>
        %dma_wait3A_68 = arith.constant 0 : i32
        %dma_wait3A_69 = arith.constant 0 : i32
        %dma_wait3A_70 = tpu.memref_slice %arg2[%dma_wait3A_68, %dma_wait3A_69] : memref<10240x128xf32, #tpu.memory_space<hbm>> -> memref<10240x128xf32, #tpu.memory_space<hbm>>
        tpu.wait_indirect_dma semaphore(%arg14 : memref<!tpu.dma_semaphore, #tpu.memory_space<semaphore_mem>>) src(%dma_wait3A_70 : memref<10240x128xf32, #tpu.memory_space<hbm>>) dst(%arg12 : memref<128x128xf32, #tpu.memory_space<vmem>>)
        "tpu.region"() ({
          %run_scoped3A = tpu.sem_alloc : memref<!tpu.dma_semaphore, #tpu.memory_space<semaphore_mem>>
          %dma_start3A_72 = arith.constant 0 : i32
          %dma_start3A_73 = tpu.memref_slice %arg8[%scan3A_57, %dma_start3A_72] : memref<13x128xi32, #tpu.memory_space<vmem>> -> memref<1x128xi32, #tpu.memory_space<vmem>>
          %dma_start3A_74 = tpu.memref_squeeze %dma_start3A_73 : memref<1x128xi32, #tpu.memory_space<vmem>> -> memref<128xi32, #tpu.memory_space<vmem>>
          %dma_start3A_75 = arith.constant 0 : i32
          %dma_start3A_76 = arith.constant 0 : i32
          %dma_start3A_77 = tpu.memref_slice %arg13[%dma_start3A_75, %dma_start3A_76] : memref<10240x128xf32, #tpu.memory_space<vmem_shared>> -> memref<10240x128xf32, #tpu.memory_space<vmem_shared>>
          tpu.enqueue_indirect_dma source(%arg12 : memref<128x128xf32, #tpu.memory_space<vmem>>) target(%dma_start3A_77 : memref<10240x128xf32, #tpu.memory_space<vmem_shared>>) offsets(%dma_start3A_74 : memref<128xi32, #tpu.memory_space<vmem>>) semaphore(%run_scoped3A : memref<!tpu.dma_semaphore, #tpu.memory_space<semaphore_mem>>) {add = true}
          %dma_wait3A_78 = arith.constant 0 : i32
          %dma_wait3A_79 = tpu.memref_slice %arg8[%scan3A_57, %dma_wait3A_78] : memref<13x128xi32, #tpu.memory_space<vmem>> -> memref<1x128xi32, #tpu.memory_space<vmem>>
          %dma_wait3A_80 = tpu.memref_squeeze %dma_wait3A_79 : memref<1x128xi32, #tpu.memory_space<vmem>> -> memref<128xi32, #tpu.memory_space<vmem>>
          %dma_wait3A_81 = arith.constant 0 : i32
          %dma_wait3A_82 = arith.constant 0 : i32
          %dma_wait3A_83 = tpu.memref_slice %arg13[%dma_wait3A_81, %dma_wait3A_82] : memref<10240x128xf32, #tpu.memory_space<vmem_shared>> -> memref<10240x128xf32, #tpu.memory_space<vmem_shared>>
          tpu.wait_indirect_dma semaphore(%run_scoped3A : memref<!tpu.dma_semaphore, #tpu.memory_space<semaphore_mem>>) src(%arg12 : memref<128x128xf32, #tpu.memory_space<vmem>>) dst(%dma_wait3A_83 : memref<10240x128xf32, #tpu.memory_space<vmem_shared>>)
          tpu.yield
        }) : () -> ()
        %scan3A_71 = arith.constant 0 : i32
        scf.yield %scan3A_71 : i32
      }
      %scan3A_55 = arith.constant 13 : i32
      %scan3A_56 = arith.constant 0 : i32
      scf.yield %scan3A_56 : i32
    }
    %scan3A_33 = arith.constant 6 : i32
    "tpu.region"() ({
      %run_scoped3A = tpu.sem_alloc : memref<!tpu.dma_semaphore, #tpu.memory_space<semaphore_mem>>
      %dma_start3A_47 = arith.constant 0 : i32
      %dma_start3A_48 = tpu.memref_slice %arg5[%add3A, %dma_start3A_47] : memref<32x16xi32, #tpu.memory_space<hbm>> -> memref<1x16xi32, #tpu.memory_space<hbm>>
      %dma_start3A_49 = tpu.memref_squeeze %dma_start3A_48 : memref<1x16xi32, #tpu.memory_space<hbm>> -> memref<16xi32, #tpu.memory_space<hbm>>
      %dma_start3A_50 = arith.constant 0 : i32
      %dma_start3A_51 = tpu.memref_slice %arg5[%add3A, %dma_start3A_50] : memref<32x16xi32, #tpu.memory_space<hbm>> -> memref<1x16xi32, #tpu.memory_space<hbm>>
      %dma_start3A_52 = tpu.memref_squeeze %dma_start3A_51 : memref<1x16xi32, #tpu.memory_space<hbm>> -> memref<16xi32, #tpu.memory_space<hbm>>
      tpu.enqueue_dma source(%dma_start3A_52 : memref<16xi32, #tpu.memory_space<hbm>>) target(%arg10 : memref<16xi32, #tpu.memory_space<vmem>>) target_semaphore(%run_scoped3A : memref<!tpu.dma_semaphore, #tpu.memory_space<semaphore_mem>>)
      %dma_wait3A_53 = arith.constant 0 : i32
      %dma_wait3A_54 = tpu.memref_slice %arg5[%add3A, %dma_wait3A_53] : memref<32x16xi32, #tpu.memory_space<hbm>> -> memref<1x16xi32, #tpu.memory_space<hbm>>
      %dma_wait3A_55 = tpu.memref_squeeze %dma_wait3A_54 : memref<1x16xi32, #tpu.memory_space<hbm>> -> memref<16xi32, #tpu.memory_space<hbm>>
      %dma_wait3A_56 = arith.constant 0 : i32
      %dma_wait3A_57 = tpu.memref_slice %arg5[%add3A, %dma_wait3A_56] : memref<32x16xi32, #tpu.memory_space<hbm>> -> memref<1x16xi32, #tpu.memory_space<hbm>>
      %dma_wait3A_58 = tpu.memref_squeeze %dma_wait3A_57 : memref<1x16xi32, #tpu.memory_space<hbm>> -> memref<16xi32, #tpu.memory_space<hbm>>
      tpu.wait_dma2 semaphore(%run_scoped3A : memref<!tpu.dma_semaphore, #tpu.memory_space<semaphore_mem>>) src(%dma_wait3A_58 : memref<16xi32, #tpu.memory_space<hbm>>) dst(%arg10 : memref<16xi32, #tpu.memory_space<vmem>>)
      tpu.yield
    }) : () -> ()
    "tpu.region"() ({
      %run_scoped3A = tpu.sem_alloc : memref<!tpu.dma_semaphore, #tpu.memory_space<semaphore_mem>>
      %dma_start3A_47 = arith.constant 0 : i32
      %dma_start3A_48 = tpu.memref_slice %arg6[%add3A, %dma_start3A_47] : memref<32x16xi32, #tpu.memory_space<hbm>> -> memref<1x16xi32, #tpu.memory_space<hbm>>
      %dma_start3A_49 = tpu.memref_squeeze %dma_start3A_48 : memref<1x16xi32, #tpu.memory_space<hbm>> -> memref<16xi32, #tpu.memory_space<hbm>>
      %dma_start3A_50 = arith.constant 0 : i32
      %dma_start3A_51 = tpu.memref_slice %arg6[%add3A, %dma_start3A_50] : memref<32x16xi32, #tpu.memory_space<hbm>> -> memref<1x16xi32, #tpu.memory_space<hbm>>
      %dma_start3A_52 = tpu.memref_squeeze %dma_start3A_51 : memref<1x16xi32, #tpu.memory_space<hbm>> -> memref<16xi32, #tpu.memory_space<hbm>>
      tpu.enqueue_dma source(%dma_start3A_52 : memref<16xi32, #tpu.memory_space<hbm>>) target(%arg11 : memref<16xi32, #tpu.memory_space<vmem>>) target_semaphore(%run_scoped3A : memref<!tpu.dma_semaphore, #tpu.memory_space<semaphore_mem>>)
      %dma_wait3A_53 = arith.constant 0 : i32
      %dma_wait3A_54 = tpu.memref_slice %arg6[%add3A, %dma_wait3A_53] : memref<32x16xi32, #tpu.memory_space<hbm>> -> memref<1x16xi32, #tpu.memory_space<hbm>>
      %dma_wait3A_55 = tpu.memref_squeeze %dma_wait3A_54 : memref<1x16xi32, #tpu.memory_space<hbm>> -> memref<16xi32, #tpu.memory_space<hbm>>
      %dma_wait3A_56 = arith.constant 0 : i32
      %dma_wait3A_57 = tpu.memref_slice %arg6[%add3A, %dma_wait3A_56] : memref<32x16xi32, #tpu.memory_space<hbm>> -> memref<1x16xi32, #tpu.memory_space<hbm>>
      %dma_wait3A_58 = tpu.memref_squeeze %dma_wait3A_57 : memref<1x16xi32, #tpu.memory_space<hbm>> -> memref<16xi32, #tpu.memory_space<hbm>>
      tpu.wait_dma2 semaphore(%run_scoped3A : memref<!tpu.dma_semaphore, #tpu.memory_space<semaphore_mem>>) src(%dma_wait3A_58 : memref<16xi32, #tpu.memory_space<hbm>>) dst(%arg11 : memref<16xi32, #tpu.memory_space<vmem>>)
      tpu.yield
    }) : () -> ()
    %dma_start3A = arith.constant 0 : i32
    %dma_start3A_34 = arith.constant 0 : i32
    %dma_start3A_35 = tpu.memref_slice %arg12[%dma_start3A, %dma_start3A_34] : memref<128x128xf32, #tpu.memory_space<vmem>> -> memref<16x128xf32, #tpu.memory_space<vmem>>
    %dma_start3A_36 = arith.constant 0 : i32
    %dma_start3A_37 = arith.constant 0 : i32
    %dma_start3A_38 = tpu.memref_slice %arg2[%dma_start3A_36, %dma_start3A_37] : memref<10240x128xf32, #tpu.memory_space<hbm>> -> memref<10240x128xf32, #tpu.memory_space<hbm>>
    tpu.enqueue_indirect_dma source(%dma_start3A_38 : memref<10240x128xf32, #tpu.memory_space<hbm>>) target(%dma_start3A_35 : memref<16x128xf32, #tpu.memory_space<vmem>>) offsets(%arg11 : memref<16xi32, #tpu.memory_space<vmem>>) semaphore(%arg14 : memref<!tpu.dma_semaphore, #tpu.memory_space<semaphore_mem>>)
    %dma_wait3A = arith.constant 0 : i32
    %dma_wait3A_39 = arith.constant 0 : i32
    %dma_wait3A_40 = tpu.memref_slice %arg12[%dma_wait3A, %dma_wait3A_39] : memref<128x128xf32, #tpu.memory_space<vmem>> -> memref<16x128xf32, #tpu.memory_space<vmem>>
    %dma_wait3A_41 = arith.constant 0 : i32
    %dma_wait3A_42 = arith.constant 0 : i32
    %dma_wait3A_43 = tpu.memref_slice %arg2[%dma_wait3A_41, %dma_wait3A_42] : memref<10240x128xf32, #tpu.memory_space<hbm>> -> memref<10240x128xf32, #tpu.memory_space<hbm>>
    tpu.wait_indirect_dma semaphore(%arg14 : memref<!tpu.dma_semaphore, #tpu.memory_space<semaphore_mem>>) src(%dma_wait3A_43 : memref<10240x128xf32, #tpu.memory_space<hbm>>) dst(%dma_wait3A_40 : memref<16x128xf32, #tpu.memory_space<vmem>>)
    "tpu.region"() ({
      %run_scoped3A = tpu.sem_alloc : memref<!tpu.dma_semaphore, #tpu.memory_space<semaphore_mem>>
      %dma_start3A_47 = arith.constant 0 : i32
      %dma_start3A_48 = arith.constant 0 : i32
      %dma_start3A_49 = tpu.memref_slice %arg12[%dma_start3A_47, %dma_start3A_48] : memref<128x128xf32, #tpu.memory_space<vmem>> -> memref<16x128xf32, #tpu.memory_space<vmem>>
      %dma_start3A_50 = arith.constant 0 : i32
      %dma_start3A_51 = arith.constant 0 : i32
      %dma_start3A_52 = tpu.memref_slice %arg13[%dma_start3A_50, %dma_start3A_51] : memref<10240x128xf32, #tpu.memory_space<vmem_shared>> -> memref<10240x128xf32, #tpu.memory_space<vmem_shared>>
      tpu.enqueue_indirect_dma source(%dma_start3A_49 : memref<16x128xf32, #tpu.memory_space<vmem>>) target(%dma_start3A_52 : memref<10240x128xf32, #tpu.memory_space<vmem_shared>>) offsets(%arg10 : memref<16xi32, #tpu.memory_space<vmem>>) semaphore(%run_scoped3A : memref<!tpu.dma_semaphore, #tpu.memory_space<semaphore_mem>>) {add = true}
      %dma_wait3A_53 = arith.constant 0 : i32
      %dma_wait3A_54 = arith.constant 0 : i32
      %dma_wait3A_55 = tpu.memref_slice %arg12[%dma_wait3A_53, %dma_wait3A_54] : memref<128x128xf32, #tpu.memory_space<vmem>> -> memref<16x128xf32, #tpu.memory_space<vmem>>
      %dma_wait3A_56 = arith.constant 0 : i32
      %dma_wait3A_57 = arith.constant 0 : i32
      %dma_wait3A_58 = tpu.memref_slice %arg13[%dma_wait3A_56, %dma_wait3A_57] : memref<10240x128xf32, #tpu.memory_space<vmem_shared>> -> memref<10240x128xf32, #tpu.memory_space<vmem_shared>>
      tpu.wait_indirect_dma semaphore(%run_scoped3A : memref<!tpu.dma_semaphore, #tpu.memory_space<semaphore_mem>>) src(%dma_wait3A_55 : memref<16x128xf32, #tpu.memory_space<vmem>>) dst(%dma_wait3A_58 : memref<10240x128xf32, #tpu.memory_space<vmem_shared>>)
      tpu.yield
    }) : () -> ()
    %barrier3A_44 = arith.constant 0 : index
    tpu.barrier barrier_id(%barrier3A_44)
    %mul3A_45 = arith.constant 640 : i32
    %mul3A_46 = arith.muli %arg1, %mul3A_45 : i32
    "tpu.region"() ({
      %run_scoped3A = tpu.sem_alloc : memref<!tpu.dma_semaphore, #tpu.memory_space<semaphore_mem>>
      %dma_start3A_47 = arith.constant 0 : i32
      %dma_start3A_48 = tpu.memref_slice %arg7[%arg0, %mul3A_46, %dma_start3A_47] : memref<2x10240x128xf32, #tpu.memory_space<hbm>> -> memref<1x640x128xf32, #tpu.memory_space<hbm>>
      %dma_start3A_49 = tpu.memref_squeeze %dma_start3A_48 : memref<1x640x128xf32, #tpu.memory_space<hbm>> -> memref<640x128xf32, #tpu.memory_space<hbm>>
      %dma_start3A_50 = arith.constant 0 : i32
      %dma_start3A_51 = tpu.memref_slice %arg13[%mul3A_46, %dma_start3A_50] : memref<10240x128xf32, #tpu.memory_space<vmem_shared>> -> memref<640x128xf32, #tpu.memory_space<vmem_shared>>
      tpu.enqueue_dma source(%dma_start3A_51 : memref<640x128xf32, #tpu.memory_space<vmem_shared>>) target(%dma_start3A_49 : memref<640x128xf32, #tpu.memory_space<hbm>>) target_semaphore(%run_scoped3A : memref<!tpu.dma_semaphore, #tpu.memory_space<semaphore_mem>>)
      %dma_wait3A_52 = arith.constant 0 : i32
      %dma_wait3A_53 = tpu.memref_slice %arg7[%arg0, %mul3A_46, %dma_wait3A_52] : memref<2x10240x128xf32, #tpu.memory_space<hbm>> -> memref<1x640x128xf32, #tpu.memory_space<hbm>>
      %dma_wait3A_54 = tpu.memref_squeeze %dma_wait3A_53 : memref<1x640x128xf32, #tpu.memory_space<hbm>> -> memref<640x128xf32, #tpu.memory_space<hbm>>
      %dma_wait3A_55 = arith.constant 0 : i32
      %dma_wait3A_56 = tpu.memref_slice %arg13[%mul3A_46, %dma_wait3A_55] : memref<10240x128xf32, #tpu.memory_space<vmem_shared>> -> memref<640x128xf32, #tpu.memory_space<vmem_shared>>
      tpu.wait_dma2 semaphore(%run_scoped3A : memref<!tpu.dma_semaphore, #tpu.memory_space<semaphore_mem>>) src(%dma_wait3A_56 : memref<640x128xf32, #tpu.memory_space<vmem_shared>>) dst(%dma_wait3A_54 : memref<640x128xf32, #tpu.memory_space<hbm>>)
      tpu.yield
    }) : () -> ()
    return
  }
}

#map = affine_map<(d0, d1) -> (0, 0, 0, 0)>
#map1 = affine_map<(d0, d1) -> (0, 0)>
#map2 = affine_map<(d0, d1) -> (0, 0, 0)>
module attributes {stable_mosaic.version = 14 : i64} {
  func.func @body(%arg0: i32, %arg1: i32, %arg2: memref<32x6x13x128xi32, #tpu.memory_space<hbm>>, %arg3: memref<32x16xi32, #tpu.memory_space<hbm>>, %arg4: memref<2x10240x16xf32, #tpu.memory_space<hbm>>, %arg5: memref<6x13x128xi32, #tpu.memory_space<vmem>>, %arg6: memref<16xi32, #tpu.memory_space<vmem>>, %arg7: memref<128x16xf32, #tpu.memory_space<vmem>>, %arg8: memref<10240x16xf32, #tpu.memory_space<vmem_shared>>) attributes {dimension_semantics = [#tpu.dimension_semantics<core_parallel>, #tpu.dimension_semantics<subcore_parallel>], iteration_bounds = array<i64: 2, 16>, scalar_prefetch = 0 : i64, scratch_operands = 4 : i64, tpu.core_type = #tpu.core_type<sc_vector_subcore>, window_params = [{transform_indices = #map}, {transform_indices = #map1}, {transform_indices = #map2}]} {
    %mul3A = arith.constant 16 : i32
    %mul3A_0 = arith.muli %arg0, %mul3A : i32
    %add3A = arith.addi %mul3A_0, %arg1 : i32
    %scan3A = arith.constant 0 : i32
    %scan3A_1 = arith.constant 0 : i32
    %scan3A_2 = arith.constant 128 : i32
    %scan3A_3 = arith.addi %scan3A_1, %scan3A_2 : i32
    %scan3A_4 = arith.constant 1 : i32
    %scan3A_5 = scf.for %scan3A_44 = %scan3A_1 to %scan3A_3 step %scan3A_4 iter_args(%scan3A_45 = %scan3A) -> (i32)  : i32 {
      %broadcast_in_dim3A = arith.constant 0.000000e+00 : f32
      %broadcast_in_dim3A_46 = vector.broadcast %broadcast_in_dim3A : f32 to vector<16xf32>
      %swap3A = arith.index_cast %scan3A_44 : i32 to index
      %swap3A_47 = arith.constant 0 : index
      %swap3A_48 = tpu.vector_load %arg7[%swap3A, %swap3A_47] {strides = array<i32>} : memref<128x16xf32, #tpu.memory_space<vmem>>, vector<1x16xf32>,
      %swap3A_49 = vector.shape_cast %swap3A_48 : vector<1x16xf32> to vector<16xf32>
      %swap3A_50 = vector.shape_cast %broadcast_in_dim3A_46 : vector<16xf32> to vector<1x16xf32>
      tpu.vector_store %arg7[%swap3A, %swap3A_47], %swap3A_50 {strides = array<i32>} : memref<128x16xf32, #tpu.memory_space<vmem>>, vector<1x16xf32>,
      %scan3A_51 = arith.constant 0 : i32
      scf.yield %scan3A_51 : i32
    }
    %scan3A_6 = arith.constant 128 : i32
    %mul3A_7 = arith.constant 640 : i32
    %mul3A_8 = arith.muli %arg1, %mul3A_7 : i32
    %add3A_9 = arith.constant 0 : i32
    %add3A_10 = arith.addi %mul3A_8, %add3A_9 : i32
    "tpu.region"() ({
      %run_scoped3A = tpu.sem_alloc : memref<!tpu.dma_semaphore, #tpu.memory_space<semaphore_mem>>
      %dma_start3A = arith.constant 0 : i32
      %dma_start3A_44 = tpu.memref_slice %arg8[%add3A_10, %dma_start3A] : memref<10240x16xf32, #tpu.memory_space<vmem_shared>> -> memref<128x16xf32, #tpu.memory_space<vmem_shared>>
      %dma_start3A_45 = arith.constant 0 : i32
      %dma_start3A_46 = tpu.memref_slice %arg8[%add3A_10, %dma_start3A_45] : memref<10240x16xf32, #tpu.memory_space<vmem_shared>> -> memref<128x16xf32, #tpu.memory_space<vmem_shared>>
      tpu.enqueue_dma source(%arg7 : memref<128x16xf32, #tpu.memory_space<vmem>>) target(%dma_start3A_46 : memref<128x16xf32, #tpu.memory_space<vmem_shared>>) target_semaphore(%run_scoped3A : memref<!tpu.dma_semaphore, #tpu.memory_space<semaphore_mem>>)
      %dma_wait3A = arith.constant 0 : i32
      %dma_wait3A_47 = tpu.memref_slice %arg8[%add3A_10, %dma_wait3A] : memref<10240x16xf32, #tpu.memory_space<vmem_shared>> -> memref<128x16xf32, #tpu.memory_space<vmem_shared>>
      %dma_wait3A_48 = arith.constant 0 : i32
      %dma_wait3A_49 = tpu.memref_slice %arg8[%add3A_10, %dma_wait3A_48] : memref<10240x16xf32, #tpu.memory_space<vmem_shared>> -> memref<128x16xf32, #tpu.memory_space<vmem_shared>>
      tpu.wait_dma2 semaphore(%run_scoped3A : memref<!tpu.dma_semaphore, #tpu.memory_space<semaphore_mem>>) src(%arg7 : memref<128x16xf32, #tpu.memory_space<vmem>>) dst(%dma_wait3A_49 : memref<128x16xf32, #tpu.memory_space<vmem_shared>>)
      tpu.yield
    }) : () -> ()
    %mul3A_11 = arith.constant 640 : i32
    %mul3A_12 = arith.muli %arg1, %mul3A_11 : i32
    %add3A_13 = arith.constant 128 : i32
    %add3A_14 = arith.addi %mul3A_12, %add3A_13 : i32
    "tpu.region"() ({
      %run_scoped3A = tpu.sem_alloc : memref<!tpu.dma_semaphore, #tpu.memory_space<semaphore_mem>>
      %dma_start3A = arith.constant 0 : i32
      %dma_start3A_44 = tpu.memref_slice %arg8[%add3A_14, %dma_start3A] : memref<10240x16xf32, #tpu.memory_space<vmem_shared>> -> memref<128x16xf32, #tpu.memory_space<vmem_shared>>
      %dma_start3A_45 = arith.constant 0 : i32
      %dma_start3A_46 = tpu.memref_slice %arg8[%add3A_14, %dma_start3A_45] : memref<10240x16xf32, #tpu.memory_space<vmem_shared>> -> memref<128x16xf32, #tpu.memory_space<vmem_shared>>
      tpu.enqueue_dma source(%arg7 : memref<128x16xf32, #tpu.memory_space<vmem>>) target(%dma_start3A_46 : memref<128x16xf32, #tpu.memory_space<vmem_shared>>) target_semaphore(%run_scoped3A : memref<!tpu.dma_semaphore, #tpu.memory_space<semaphore_mem>>)
      %dma_wait3A = arith.constant 0 : i32
      %dma_wait3A_47 = tpu.memref_slice %arg8[%add3A_14, %dma_wait3A] : memref<10240x16xf32, #tpu.memory_space<vmem_shared>> -> memref<128x16xf32, #tpu.memory_space<vmem_shared>>
      %dma_wait3A_48 = arith.constant 0 : i32
      %dma_wait3A_49 = tpu.memref_slice %arg8[%add3A_14, %dma_wait3A_48] : memref<10240x16xf32, #tpu.memory_space<vmem_shared>> -> memref<128x16xf32, #tpu.memory_space<vmem_shared>>
      tpu.wait_dma2 semaphore(%run_scoped3A : memref<!tpu.dma_semaphore, #tpu.memory_space<semaphore_mem>>) src(%arg7 : memref<128x16xf32, #tpu.memory_space<vmem>>) dst(%dma_wait3A_49 : memref<128x16xf32, #tpu.memory_space<vmem_shared>>)
      tpu.yield
    }) : () -> ()
    %mul3A_15 = arith.constant 640 : i32
    %mul3A_16 = arith.muli %arg1, %mul3A_15 : i32
    %add3A_17 = arith.constant 256 : i32
    %add3A_18 = arith.addi %mul3A_16, %add3A_17 : i32
    "tpu.region"() ({
      %run_scoped3A = tpu.sem_alloc : memref<!tpu.dma_semaphore, #tpu.memory_space<semaphore_mem>>
      %dma_start3A = arith.constant 0 : i32
      %dma_start3A_44 = tpu.memref_slice %arg8[%add3A_18, %dma_start3A] : memref<10240x16xf32, #tpu.memory_space<vmem_shared>> -> memref<128x16xf32, #tpu.memory_space<vmem_shared>>
      %dma_start3A_45 = arith.constant 0 : i32
      %dma_start3A_46 = tpu.memref_slice %arg8[%add3A_18, %dma_start3A_45] : memref<10240x16xf32, #tpu.memory_space<vmem_shared>> -> memref<128x16xf32, #tpu.memory_space<vmem_shared>>
      tpu.enqueue_dma source(%arg7 : memref<128x16xf32, #tpu.memory_space<vmem>>) target(%dma_start3A_46 : memref<128x16xf32, #tpu.memory_space<vmem_shared>>) target_semaphore(%run_scoped3A : memref<!tpu.dma_semaphore, #tpu.memory_space<semaphore_mem>>)
      %dma_wait3A = arith.constant 0 : i32
      %dma_wait3A_47 = tpu.memref_slice %arg8[%add3A_18, %dma_wait3A] : memref<10240x16xf32, #tpu.memory_space<vmem_shared>> -> memref<128x16xf32, #tpu.memory_space<vmem_shared>>
      %dma_wait3A_48 = arith.constant 0 : i32
      %dma_wait3A_49 = tpu.memref_slice %arg8[%add3A_18, %dma_wait3A_48] : memref<10240x16xf32, #tpu.memory_space<vmem_shared>> -> memref<128x16xf32, #tpu.memory_space<vmem_shared>>
      tpu.wait_dma2 semaphore(%run_scoped3A : memref<!tpu.dma_semaphore, #tpu.memory_space<semaphore_mem>>) src(%arg7 : memref<128x16xf32, #tpu.memory_space<vmem>>) dst(%dma_wait3A_49 : memref<128x16xf32, #tpu.memory_space<vmem_shared>>)
      tpu.yield
    }) : () -> ()
    %mul3A_19 = arith.constant 640 : i32
    %mul3A_20 = arith.muli %arg1, %mul3A_19 : i32
    %add3A_21 = arith.constant 384 : i32
    %add3A_22 = arith.addi %mul3A_20, %add3A_21 : i32
    "tpu.region"() ({
      %run_scoped3A = tpu.sem_alloc : memref<!tpu.dma_semaphore, #tpu.memory_space<semaphore_mem>>
      %dma_start3A = arith.constant 0 : i32
      %dma_start3A_44 = tpu.memref_slice %arg8[%add3A_22, %dma_start3A] : memref<10240x16xf32, #tpu.memory_space<vmem_shared>> -> memref<128x16xf32, #tpu.memory_space<vmem_shared>>
      %dma_start3A_45 = arith.constant 0 : i32
      %dma_start3A_46 = tpu.memref_slice %arg8[%add3A_22, %dma_start3A_45] : memref<10240x16xf32, #tpu.memory_space<vmem_shared>> -> memref<128x16xf32, #tpu.memory_space<vmem_shared>>
      tpu.enqueue_dma source(%arg7 : memref<128x16xf32, #tpu.memory_space<vmem>>) target(%dma_start3A_46 : memref<128x16xf32, #tpu.memory_space<vmem_shared>>) target_semaphore(%run_scoped3A : memref<!tpu.dma_semaphore, #tpu.memory_space<semaphore_mem>>)
      %dma_wait3A = arith.constant 0 : i32
      %dma_wait3A_47 = tpu.memref_slice %arg8[%add3A_22, %dma_wait3A] : memref<10240x16xf32, #tpu.memory_space<vmem_shared>> -> memref<128x16xf32, #tpu.memory_space<vmem_shared>>
      %dma_wait3A_48 = arith.constant 0 : i32
      %dma_wait3A_49 = tpu.memref_slice %arg8[%add3A_22, %dma_wait3A_48] : memref<10240x16xf32, #tpu.memory_space<vmem_shared>> -> memref<128x16xf32, #tpu.memory_space<vmem_shared>>
      tpu.wait_dma2 semaphore(%run_scoped3A : memref<!tpu.dma_semaphore, #tpu.memory_space<semaphore_mem>>) src(%arg7 : memref<128x16xf32, #tpu.memory_space<vmem>>) dst(%dma_wait3A_49 : memref<128x16xf32, #tpu.memory_space<vmem_shared>>)
      tpu.yield
    }) : () -> ()
    %mul3A_23 = arith.constant 640 : i32
    %mul3A_24 = arith.muli %arg1, %mul3A_23 : i32
    %add3A_25 = arith.constant 512 : i32
    %add3A_26 = arith.addi %mul3A_24, %add3A_25 : i32
    "tpu.region"() ({
      %run_scoped3A = tpu.sem_alloc : memref<!tpu.dma_semaphore, #tpu.memory_space<semaphore_mem>>
      %dma_start3A = arith.constant 0 : i32
      %dma_start3A_44 = tpu.memref_slice %arg8[%add3A_26, %dma_start3A] : memref<10240x16xf32, #tpu.memory_space<vmem_shared>> -> memref<128x16xf32, #tpu.memory_space<vmem_shared>>
      %dma_start3A_45 = arith.constant 0 : i32
      %dma_start3A_46 = tpu.memref_slice %arg8[%add3A_26, %dma_start3A_45] : memref<10240x16xf32, #tpu.memory_space<vmem_shared>> -> memref<128x16xf32, #tpu.memory_space<vmem_shared>>
      tpu.enqueue_dma source(%arg7 : memref<128x16xf32, #tpu.memory_space<vmem>>) target(%dma_start3A_46 : memref<128x16xf32, #tpu.memory_space<vmem_shared>>) target_semaphore(%run_scoped3A : memref<!tpu.dma_semaphore, #tpu.memory_space<semaphore_mem>>)
      %dma_wait3A = arith.constant 0 : i32
      %dma_wait3A_47 = tpu.memref_slice %arg8[%add3A_26, %dma_wait3A] : memref<10240x16xf32, #tpu.memory_space<vmem_shared>> -> memref<128x16xf32, #tpu.memory_space<vmem_shared>>
      %dma_wait3A_48 = arith.constant 0 : i32
      %dma_wait3A_49 = tpu.memref_slice %arg8[%add3A_26, %dma_wait3A_48] : memref<10240x16xf32, #tpu.memory_space<vmem_shared>> -> memref<128x16xf32, #tpu.memory_space<vmem_shared>>
      tpu.wait_dma2 semaphore(%run_scoped3A : memref<!tpu.dma_semaphore, #tpu.memory_space<semaphore_mem>>) src(%arg7 : memref<128x16xf32, #tpu.memory_space<vmem>>) dst(%dma_wait3A_49 : memref<128x16xf32, #tpu.memory_space<vmem_shared>>)
      tpu.yield
    }) : () -> ()
    %scan3A_27 = arith.constant 0 : i32
    %scan3A_28 = arith.constant 0 : i32
    %scan3A_29 = arith.constant 128 : i32
    %scan3A_30 = arith.addi %scan3A_28, %scan3A_29 : i32
    %scan3A_31 = arith.constant 1 : i32
    %scan3A_32 = scf.for %scan3A_44 = %scan3A_28 to %scan3A_30 step %scan3A_31 iter_args(%scan3A_45 = %scan3A_27) -> (i32)  : i32 {
      %broadcast_in_dim3A = arith.constant 1.000000e+00 : f32
      %broadcast_in_dim3A_46 = vector.broadcast %broadcast_in_dim3A : f32 to vector<16xf32>
      %swap3A = arith.index_cast %scan3A_44 : i32 to index
      %swap3A_47 = arith.constant 0 : index
      %swap3A_48 = tpu.vector_load %arg7[%swap3A, %swap3A_47] {strides = array<i32>} : memref<128x16xf32, #tpu.memory_space<vmem>>, vector<1x16xf32>,
      %swap3A_49 = vector.shape_cast %swap3A_48 : vector<1x16xf32> to vector<16xf32>
      %swap3A_50 = vector.shape_cast %broadcast_in_dim3A_46 : vector<16xf32> to vector<1x16xf32>
      tpu.vector_store %arg7[%swap3A, %swap3A_47], %swap3A_50 {strides = array<i32>} : memref<128x16xf32, #tpu.memory_space<vmem>>, vector<1x16xf32>,
      %scan3A_51 = arith.constant 0 : i32
      scf.yield %scan3A_51 : i32
    }
    %scan3A_33 = arith.constant 128 : i32
    "tpu.region"() ({
      %run_scoped3A = tpu.sem_alloc : memref<!tpu.dma_semaphore, #tpu.memory_space<semaphore_mem>>
      %dma_start3A = arith.constant 0 : i32
      %dma_start3A_44 = arith.constant 0 : i32
      %dma_start3A_45 = arith.constant 0 : i32
      %dma_start3A_46 = tpu.memref_slice %arg2[%add3A, %dma_start3A, %dma_start3A_44, %dma_start3A_45] : memref<32x6x13x128xi32, #tpu.memory_space<hbm>> -> memref<1x6x13x128xi32, #tpu.memory_space<hbm>>
      %dma_start3A_47 = tpu.memref_squeeze %dma_start3A_46 : memref<1x6x13x128xi32, #tpu.memory_space<hbm>> -> memref<6x13x128xi32, #tpu.memory_space<hbm>>
      %dma_start3A_48 = arith.constant 0 : i32
      %dma_start3A_49 = arith.constant 0 : i32
      %dma_start3A_50 = arith.constant 0 : i32
      %dma_start3A_51 = tpu.memref_slice %arg2[%add3A, %dma_start3A_48, %dma_start3A_49, %dma_start3A_50] : memref<32x6x13x128xi32, #tpu.memory_space<hbm>> -> memref<1x6x13x128xi32, #tpu.memory_space<hbm>>
      %dma_start3A_52 = tpu.memref_squeeze %dma_start3A_51 : memref<1x6x13x128xi32, #tpu.memory_space<hbm>> -> memref<6x13x128xi32, #tpu.memory_space<hbm>>
      tpu.enqueue_dma source(%dma_start3A_52 : memref<6x13x128xi32, #tpu.memory_space<hbm>>) target(%arg5 : memref<6x13x128xi32, #tpu.memory_space<vmem>>) target_semaphore(%run_scoped3A : memref<!tpu.dma_semaphore, #tpu.memory_space<semaphore_mem>>)
      %dma_wait3A = arith.constant 0 : i32
      %dma_wait3A_53 = arith.constant 0 : i32
      %dma_wait3A_54 = arith.constant 0 : i32
      %dma_wait3A_55 = tpu.memref_slice %arg2[%add3A, %dma_wait3A, %dma_wait3A_53, %dma_wait3A_54] : memref<32x6x13x128xi32, #tpu.memory_space<hbm>> -> memref<1x6x13x128xi32, #tpu.memory_space<hbm>>
      %dma_wait3A_56 = tpu.memref_squeeze %dma_wait3A_55 : memref<1x6x13x128xi32, #tpu.memory_space<hbm>> -> memref<6x13x128xi32, #tpu.memory_space<hbm>>
      %dma_wait3A_57 = arith.constant 0 : i32
      %dma_wait3A_58 = arith.constant 0 : i32
      %dma_wait3A_59 = arith.constant 0 : i32
      %dma_wait3A_60 = tpu.memref_slice %arg2[%add3A, %dma_wait3A_57, %dma_wait3A_58, %dma_wait3A_59] : memref<32x6x13x128xi32, #tpu.memory_space<hbm>> -> memref<1x6x13x128xi32, #tpu.memory_space<hbm>>
      %dma_wait3A_61 = tpu.memref_squeeze %dma_wait3A_60 : memref<1x6x13x128xi32, #tpu.memory_space<hbm>> -> memref<6x13x128xi32, #tpu.memory_space<hbm>>
      tpu.wait_dma2 semaphore(%run_scoped3A : memref<!tpu.dma_semaphore, #tpu.memory_space<semaphore_mem>>) src(%dma_wait3A_61 : memref<6x13x128xi32, #tpu.memory_space<hbm>>) dst(%arg5 : memref<6x13x128xi32, #tpu.memory_space<vmem>>)
      tpu.yield
    }) : () -> ()
    %barrier3A = arith.constant 0 : index
    tpu.barrier barrier_id(%barrier3A)
    %scan3A_34 = arith.constant 0 : i32
    %scan3A_35 = arith.constant 0 : i32
    %scan3A_36 = arith.constant 6 : i32
    %scan3A_37 = arith.addi %scan3A_35, %scan3A_36 : i32
    %scan3A_38 = arith.constant 1 : i32
    %scan3A_39 = scf.for %scan3A_44 = %scan3A_35 to %scan3A_37 step %scan3A_38 iter_args(%scan3A_45 = %scan3A_34) -> (i32)  : i32 {
      %scan3A_46 = arith.constant 0 : i32
      %scan3A_47 = arith.constant 0 : i32
      %scan3A_48 = arith.constant 13 : i32
      %scan3A_49 = arith.addi %scan3A_47, %scan3A_48 : i32
      %scan3A_50 = arith.constant 1 : i32
      %scan3A_51 = scf.for %scan3A_54 = %scan3A_47 to %scan3A_49 step %scan3A_50 iter_args(%scan3A_55 = %scan3A_46) -> (i32)  : i32 {
        "tpu.region"() ({
          %run_scoped3A = tpu.sem_alloc : memref<!tpu.dma_semaphore, #tpu.memory_space<semaphore_mem>>
          %dma_start3A = arith.constant 0 : i32
          %dma_start3A_57 = tpu.memref_slice %arg5[%scan3A_44, %scan3A_54, %dma_start3A] : memref<6x13x128xi32, #tpu.memory_space<vmem>> -> memref<1x1x128xi32, #tpu.memory_space<vmem>>
          %dma_start3A_58 = tpu.memref_squeeze %dma_start3A_57 : memref<1x1x128xi32, #tpu.memory_space<vmem>> -> memref<128xi32, #tpu.memory_space<vmem>>
          %dma_start3A_59 = arith.constant 0 : i32
          %dma_start3A_60 = arith.constant 0 : i32
          %dma_start3A_61 = tpu.memref_slice %arg8[%dma_start3A_59, %dma_start3A_60] : memref<10240x16xf32, #tpu.memory_space<vmem_shared>> -> memref<10240x16xf32, #tpu.memory_space<vmem_shared>>
          tpu.enqueue_indirect_dma source(%arg7 : memref<128x16xf32, #tpu.memory_space<vmem>>) target(%dma_start3A_61 : memref<10240x16xf32, #tpu.memory_space<vmem_shared>>) offsets(%dma_start3A_58 : memref<128xi32, #tpu.memory_space<vmem>>) semaphore(%run_scoped3A : memref<!tpu.dma_semaphore, #tpu.memory_space<semaphore_mem>>) {add = true}
          %dma_wait3A = arith.constant 0 : i32
          %dma_wait3A_62 = tpu.memref_slice %arg5[%scan3A_44, %scan3A_54, %dma_wait3A] : memref<6x13x128xi32, #tpu.memory_space<vmem>> -> memref<1x1x128xi32, #tpu.memory_space<vmem>>
          %dma_wait3A_63 = tpu.memref_squeeze %dma_wait3A_62 : memref<1x1x128xi32, #tpu.memory_space<vmem>> -> memref<128xi32, #tpu.memory_space<vmem>>
          %dma_wait3A_64 = arith.constant 0 : i32
          %dma_wait3A_65 = arith.constant 0 : i32
          %dma_wait3A_66 = tpu.memref_slice %arg8[%dma_wait3A_64, %dma_wait3A_65] : memref<10240x16xf32, #tpu.memory_space<vmem_shared>> -> memref<10240x16xf32, #tpu.memory_space<vmem_shared>>
          tpu.wait_indirect_dma semaphore(%run_scoped3A : memref<!tpu.dma_semaphore, #tpu.memory_space<semaphore_mem>>) src(%arg7 : memref<128x16xf32, #tpu.memory_space<vmem>>) dst(%dma_wait3A_66 : memref<10240x16xf32, #tpu.memory_space<vmem_shared>>)
          tpu.yield
        }) : () -> ()
        %scan3A_56 = arith.constant 0 : i32
        scf.yield %scan3A_56 : i32
      }
      %scan3A_52 = arith.constant 13 : i32
      %scan3A_53 = arith.constant 0 : i32
      scf.yield %scan3A_53 : i32
    }
    %scan3A_40 = arith.constant 6 : i32
    "tpu.region"() ({
      %run_scoped3A = tpu.sem_alloc : memref<!tpu.dma_semaphore, #tpu.memory_space<semaphore_mem>>
      %dma_start3A = arith.constant 0 : i32
      %dma_start3A_44 = tpu.memref_slice %arg3[%add3A, %dma_start3A] : memref<32x16xi32, #tpu.memory_space<hbm>> -> memref<1x16xi32, #tpu.memory_space<hbm>>
      %dma_start3A_45 = tpu.memref_squeeze %dma_start3A_44 : memref<1x16xi32, #tpu.memory_space<hbm>> -> memref<16xi32, #tpu.memory_space<hbm>>
      %dma_start3A_46 = arith.constant 0 : i32
      %dma_start3A_47 = tpu.memref_slice %arg3[%add3A, %dma_start3A_46] : memref<32x16xi32, #tpu.memory_space<hbm>> -> memref<1x16xi32, #tpu.memory_space<hbm>>
      %dma_start3A_48 = tpu.memref_squeeze %dma_start3A_47 : memref<1x16xi32, #tpu.memory_space<hbm>> -> memref<16xi32, #tpu.memory_space<hbm>>
      tpu.enqueue_dma source(%dma_start3A_48 : memref<16xi32, #tpu.memory_space<hbm>>) target(%arg6 : memref<16xi32, #tpu.memory_space<vmem>>) target_semaphore(%run_scoped3A : memref<!tpu.dma_semaphore, #tpu.memory_space<semaphore_mem>>)
      %dma_wait3A = arith.constant 0 : i32
      %dma_wait3A_49 = tpu.memref_slice %arg3[%add3A, %dma_wait3A] : memref<32x16xi32, #tpu.memory_space<hbm>> -> memref<1x16xi32, #tpu.memory_space<hbm>>
      %dma_wait3A_50 = tpu.memref_squeeze %dma_wait3A_49 : memref<1x16xi32, #tpu.memory_space<hbm>> -> memref<16xi32, #tpu.memory_space<hbm>>
      %dma_wait3A_51 = arith.constant 0 : i32
      %dma_wait3A_52 = tpu.memref_slice %arg3[%add3A, %dma_wait3A_51] : memref<32x16xi32, #tpu.memory_space<hbm>> -> memref<1x16xi32, #tpu.memory_space<hbm>>
      %dma_wait3A_53 = tpu.memref_squeeze %dma_wait3A_52 : memref<1x16xi32, #tpu.memory_space<hbm>> -> memref<16xi32, #tpu.memory_space<hbm>>
      tpu.wait_dma2 semaphore(%run_scoped3A : memref<!tpu.dma_semaphore, #tpu.memory_space<semaphore_mem>>) src(%dma_wait3A_53 : memref<16xi32, #tpu.memory_space<hbm>>) dst(%arg6 : memref<16xi32, #tpu.memory_space<vmem>>)
      tpu.yield
    }) : () -> ()
    "tpu.region"() ({
      %run_scoped3A = tpu.sem_alloc : memref<!tpu.dma_semaphore, #tpu.memory_space<semaphore_mem>>
      %dma_start3A = arith.constant 0 : i32
      %dma_start3A_44 = arith.constant 0 : i32
      %dma_start3A_45 = tpu.memref_slice %arg7[%dma_start3A, %dma_start3A_44] : memref<128x16xf32, #tpu.memory_space<vmem>> -> memref<16x16xf32, #tpu.memory_space<vmem>>
      %dma_start3A_46 = arith.constant 0 : i32
      %dma_start3A_47 = arith.constant 0 : i32
      %dma_start3A_48 = tpu.memref_slice %arg8[%dma_start3A_46, %dma_start3A_47] : memref<10240x16xf32, #tpu.memory_space<vmem_shared>> -> memref<10240x16xf32, #tpu.memory_space<vmem_shared>>
      tpu.enqueue_indirect_dma source(%dma_start3A_45 : memref<16x16xf32, #tpu.memory_space<vmem>>) target(%dma_start3A_48 : memref<10240x16xf32, #tpu.memory_space<vmem_shared>>) offsets(%arg6 : memref<16xi32, #tpu.memory_space<vmem>>) semaphore(%run_scoped3A : memref<!tpu.dma_semaphore, #tpu.memory_space<semaphore_mem>>) {add = true}
      %dma_wait3A = arith.constant 0 : i32
      %dma_wait3A_49 = arith.constant 0 : i32
      %dma_wait3A_50 = tpu.memref_slice %arg7[%dma_wait3A, %dma_wait3A_49] : memref<128x16xf32, #tpu.memory_space<vmem>> -> memref<16x16xf32, #tpu.memory_space<vmem>>
      %dma_wait3A_51 = arith.constant 0 : i32
      %dma_wait3A_52 = arith.constant 0 : i32
      %dma_wait3A_53 = tpu.memref_slice %arg8[%dma_wait3A_51, %dma_wait3A_52] : memref<10240x16xf32, #tpu.memory_space<vmem_shared>> -> memref<10240x16xf32, #tpu.memory_space<vmem_shared>>
      tpu.wait_indirect_dma semaphore(%run_scoped3A : memref<!tpu.dma_semaphore, #tpu.memory_space<semaphore_mem>>) src(%dma_wait3A_50 : memref<16x16xf32, #tpu.memory_space<vmem>>) dst(%dma_wait3A_53 : memref<10240x16xf32, #tpu.memory_space<vmem_shared>>)
      tpu.yield
    }) : () -> ()
    %barrier3A_41 = arith.constant 0 : index
    tpu.barrier barrier_id(%barrier3A_41)
    %mul3A_42 = arith.constant 640 : i32
    %mul3A_43 = arith.muli %arg1, %mul3A_42 : i32
    "tpu.region"() ({
      %run_scoped3A = tpu.sem_alloc : memref<!tpu.dma_semaphore, #tpu.memory_space<semaphore_mem>>
      %dma_start3A = arith.constant 0 : i32
      %dma_start3A_44 = tpu.memref_slice %arg4[%arg0, %mul3A_43, %dma_start3A] : memref<2x10240x16xf32, #tpu.memory_space<hbm>> -> memref<1x640x16xf32, #tpu.memory_space<hbm>>
      %dma_start3A_45 = tpu.memref_squeeze %dma_start3A_44 : memref<1x640x16xf32, #tpu.memory_space<hbm>> -> memref<640x16xf32, #tpu.memory_space<hbm>>
      %dma_start3A_46 = arith.constant 0 : i32
      %dma_start3A_47 = tpu.memref_slice %arg8[%mul3A_43, %dma_start3A_46] : memref<10240x16xf32, #tpu.memory_space<vmem_shared>> -> memref<640x16xf32, #tpu.memory_space<vmem_shared>>
      tpu.enqueue_dma source(%dma_start3A_47 : memref<640x16xf32, #tpu.memory_space<vmem_shared>>) target(%dma_start3A_45 : memref<640x16xf32, #tpu.memory_space<hbm>>) target_semaphore(%run_scoped3A : memref<!tpu.dma_semaphore, #tpu.memory_space<semaphore_mem>>)
      %dma_wait3A = arith.constant 0 : i32
      %dma_wait3A_48 = tpu.memref_slice %arg4[%arg0, %mul3A_43, %dma_wait3A] : memref<2x10240x16xf32, #tpu.memory_space<hbm>> -> memref<1x640x16xf32, #tpu.memory_space<hbm>>
      %dma_wait3A_49 = tpu.memref_squeeze %dma_wait3A_48 : memref<1x640x16xf32, #tpu.memory_space<hbm>> -> memref<640x16xf32, #tpu.memory_space<hbm>>
      %dma_wait3A_50 = arith.constant 0 : i32
      %dma_wait3A_51 = tpu.memref_slice %arg8[%mul3A_43, %dma_wait3A_50] : memref<10240x16xf32, #tpu.memory_space<vmem_shared>> -> memref<640x16xf32, #tpu.memory_space<vmem_shared>>
      tpu.wait_dma2 semaphore(%run_scoped3A : memref<!tpu.dma_semaphore, #tpu.memory_space<semaphore_mem>>) src(%dma_wait3A_51 : memref<640x16xf32, #tpu.memory_space<vmem_shared>>) dst(%dma_wait3A_49 : memref<640x16xf32, #tpu.memory_space<hbm>>)
      tpu.yield
    }) : () -> ()
    return
  }
}

#map = affine_map<(d0, d1) -> (0, 0)>
#map1 = affine_map<(d0, d1) -> (0, 0, 0, 0)>
#map2 = affine_map<(d0, d1) -> (0, 0, 0)>
module attributes {stable_mosaic.version = 14 : i64} {
  func.func @body(%arg0: i32, %arg1: i32, %arg2: memref<10240x128xf32, #tpu.memory_space<hbm>>, %arg3: memref<32x6x13x128xi32, #tpu.memory_space<hbm>>, %arg4: memref<32x6x13x128xi32, #tpu.memory_space<hbm>>, %arg5: memref<32x16xi32, #tpu.memory_space<hbm>>, %arg6: memref<32x16xi32, #tpu.memory_space<hbm>>, %arg7: memref<2x10240x128xf32, #tpu.memory_space<hbm>>, %arg8: memref<13x128xi32, #tpu.memory_space<vmem>>, %arg9: memref<13x128xi32, #tpu.memory_space<vmem>>, %arg10: memref<16xi32, #tpu.memory_space<vmem>>, %arg11: memref<16xi32, #tpu.memory_space<vmem>>, %arg12: memref<128x128xf32, #tpu.memory_space<vmem>>, %arg13: memref<10240x128xf32, #tpu.memory_space<vmem_shared>>, %arg14: memref<!tpu.dma_semaphore, #tpu.memory_space<semaphore_mem>>) attributes {dimension_semantics = [#tpu.dimension_semantics<core_parallel>, #tpu.dimension_semantics<subcore_parallel>], iteration_bounds = array<i64: 2, 16>, scalar_prefetch = 0 : i64, scratch_operands = 7 : i64, tpu.core_type = #tpu.core_type<sc_vector_subcore>, window_params = [{transform_indices = #map}, {transform_indices = #map1}, {transform_indices = #map1}, {transform_indices = #map}, {transform_indices = #map}, {transform_indices = #map2}]} {
    %mul3A = arith.constant 16 : i32
    %mul3A_0 = arith.muli %arg0, %mul3A : i32
    %add3A = arith.addi %mul3A_0, %arg1 : i32
    %scan3A = arith.constant 0 : i32
    %scan3A_1 = arith.constant 0 : i32
    %scan3A_2 = arith.constant 128 : i32
    %scan3A_3 = arith.addi %scan3A_1, %scan3A_2 : i32
    %scan3A_4 = arith.constant 1 : i32
    %scan3A_5 = scf.for %scan3A_47 = %scan3A_1 to %scan3A_3 step %scan3A_4 iter_args(%scan3A_48 = %scan3A) -> (i32)  : i32 {
      %broadcast_in_dim3A = arith.constant 0.000000e+00 : f32
      %broadcast_in_dim3A_49 = vector.broadcast %broadcast_in_dim3A : f32 to vector<16xf32>
      %swap3A = arith.index_cast %scan3A_47 : i32 to index
      %swap3A_50 = arith.constant 0 : index
      %swap3A_51 = tpu.vector_load %arg12[%swap3A, %swap3A_50] {strides = array<i32>} : memref<128x128xf32, #tpu.memory_space<vmem>>, vector<1x16xf32>,
      %swap3A_52 = vector.shape_cast %swap3A_51 : vector<1x16xf32> to vector<16xf32>
      %swap3A_53 = vector.shape_cast %broadcast_in_dim3A_49 : vector<16xf32> to vector<1x16xf32>
      tpu.vector_store %arg12[%swap3A, %swap3A_50], %swap3A_53 {strides = array<i32>} : memref<128x128xf32, #tpu.memory_space<vmem>>, vector<1x16xf32>,
      %broadcast_in_dim3A_54 = arith.constant 0.000000e+00 : f32
      %broadcast_in_dim3A_55 = vector.broadcast %broadcast_in_dim3A_54 : f32 to vector<16xf32>
      %swap3A_56 = arith.index_cast %scan3A_47 : i32 to index
      %swap3A_57 = arith.constant 16 : index
      %swap3A_58 = tpu.vector_load %arg12[%swap3A_56, %swap3A_57] {strides = array<i32>} : memref<128x128xf32, #tpu.memory_space<vmem>>, vector<1x16xf32>,
      %swap3A_59 = vector.shape_cast %swap3A_58 : vector<1x16xf32> to vector<16xf32>
      %swap3A_60 = vector.shape_cast %broadcast_in_dim3A_55 : vector<16xf32> to vector<1x16xf32>
      tpu.vector_store %arg12[%swap3A_56, %swap3A_57], %swap3A_60 {strides = array<i32>} : memref<128x128xf32, #tpu.memory_space<vmem>>, vector<1x16xf32>,
      %broadcast_in_dim3A_61 = arith.constant 0.000000e+00 : f32
      %broadcast_in_dim3A_62 = vector.broadcast %broadcast_in_dim3A_61 : f32 to vector<16xf32>
      %swap3A_63 = arith.index_cast %scan3A_47 : i32 to index
      %swap3A_64 = arith.constant 32 : index
      %swap3A_65 = tpu.vector_load %arg12[%swap3A_63, %swap3A_64] {strides = array<i32>} : memref<128x128xf32, #tpu.memory_space<vmem>>, vector<1x16xf32>,
      %swap3A_66 = vector.shape_cast %swap3A_65 : vector<1x16xf32> to vector<16xf32>
      %swap3A_67 = vector.shape_cast %broadcast_in_dim3A_62 : vector<16xf32> to vector<1x16xf32>
      tpu.vector_store %arg12[%swap3A_63, %swap3A_64], %swap3A_67 {strides = array<i32>} : memref<128x128xf32, #tpu.memory_space<vmem>>, vector<1x16xf32>,
      %broadcast_in_dim3A_68 = arith.constant 0.000000e+00 : f32
      %broadcast_in_dim3A_69 = vector.broadcast %broadcast_in_dim3A_68 : f32 to vector<16xf32>
      %swap3A_70 = arith.index_cast %scan3A_47 : i32 to index
      %swap3A_71 = arith.constant 48 : index
      %swap3A_72 = tpu.vector_load %arg12[%swap3A_70, %swap3A_71] {strides = array<i32>} : memref<128x128xf32, #tpu.memory_space<vmem>>, vector<1x16xf32>,
      %swap3A_73 = vector.shape_cast %swap3A_72 : vector<1x16xf32> to vector<16xf32>
      %swap3A_74 = vector.shape_cast %broadcast_in_dim3A_69 : vector<16xf32> to vector<1x16xf32>
      tpu.vector_store %arg12[%swap3A_70, %swap3A_71], %swap3A_74 {strides = array<i32>} : memref<128x128xf32, #tpu.memory_space<vmem>>, vector<1x16xf32>,
      %broadcast_in_dim3A_75 = arith.constant 0.000000e+00 : f32
      %broadcast_in_dim3A_76 = vector.broadcast %broadcast_in_dim3A_75 : f32 to vector<16xf32>
      %swap3A_77 = arith.index_cast %scan3A_47 : i32 to index
      %swap3A_78 = arith.constant 64 : index
      %swap3A_79 = tpu.vector_load %arg12[%swap3A_77, %swap3A_78] {strides = array<i32>} : memref<128x128xf32, #tpu.memory_space<vmem>>, vector<1x16xf32>,
      %swap3A_80 = vector.shape_cast %swap3A_79 : vector<1x16xf32> to vector<16xf32>
      %swap3A_81 = vector.shape_cast %broadcast_in_dim3A_76 : vector<16xf32> to vector<1x16xf32>
      tpu.vector_store %arg12[%swap3A_77, %swap3A_78], %swap3A_81 {strides = array<i32>} : memref<128x128xf32, #tpu.memory_space<vmem>>, vector<1x16xf32>,
      %broadcast_in_dim3A_82 = arith.constant 0.000000e+00 : f32
      %broadcast_in_dim3A_83 = vector.broadcast %broadcast_in_dim3A_82 : f32 to vector<16xf32>
      %swap3A_84 = arith.index_cast %scan3A_47 : i32 to index
      %swap3A_85 = arith.constant 80 : index
      %swap3A_86 = tpu.vector_load %arg12[%swap3A_84, %swap3A_85] {strides = array<i32>} : memref<128x128xf32, #tpu.memory_space<vmem>>, vector<1x16xf32>,
      %swap3A_87 = vector.shape_cast %swap3A_86 : vector<1x16xf32> to vector<16xf32>
      %swap3A_88 = vector.shape_cast %broadcast_in_dim3A_83 : vector<16xf32> to vector<1x16xf32>
      tpu.vector_store %arg12[%swap3A_84, %swap3A_85], %swap3A_88 {strides = array<i32>} : memref<128x128xf32, #tpu.memory_space<vmem>>, vector<1x16xf32>,
      %broadcast_in_dim3A_89 = arith.constant 0.000000e+00 : f32
      %broadcast_in_dim3A_90 = vector.broadcast %broadcast_in_dim3A_89 : f32 to vector<16xf32>
      %swap3A_91 = arith.index_cast %scan3A_47 : i32 to index
      %swap3A_92 = arith.constant 96 : index
      %swap3A_93 = tpu.vector_load %arg12[%swap3A_91, %swap3A_92] {strides = array<i32>} : memref<128x128xf32, #tpu.memory_space<vmem>>, vector<1x16xf32>,
      %swap3A_94 = vector.shape_cast %swap3A_93 : vector<1x16xf32> to vector<16xf32>
      %swap3A_95 = vector.shape_cast %broadcast_in_dim3A_90 : vector<16xf32> to vector<1x16xf32>
      tpu.vector_store %arg12[%swap3A_91, %swap3A_92], %swap3A_95 {strides = array<i32>} : memref<128x128xf32, #tpu.memory_space<vmem>>, vector<1x16xf32>,
      %broadcast_in_dim3A_96 = arith.constant 0.000000e+00 : f32
      %broadcast_in_dim3A_97 = vector.broadcast %broadcast_in_dim3A_96 : f32 to vector<16xf32>
      %swap3A_98 = arith.index_cast %scan3A_47 : i32 to index
      %swap3A_99 = arith.constant 112 : index
      %swap3A_100 = tpu.vector_load %arg12[%swap3A_98, %swap3A_99] {strides = array<i32>} : memref<128x128xf32, #tpu.memory_space<vmem>>, vector<1x16xf32>,
      %swap3A_101 = vector.shape_cast %swap3A_100 : vector<1x16xf32> to vector<16xf32>
      %swap3A_102 = vector.shape_cast %broadcast_in_dim3A_97 : vector<16xf32> to vector<1x16xf32>
      tpu.vector_store %arg12[%swap3A_98, %swap3A_99], %swap3A_102 {strides = array<i32>} : memref<128x128xf32, #tpu.memory_space<vmem>>, vector<1x16xf32>,
      %scan3A_103 = arith.constant 0 : i32
      scf.yield %scan3A_103 : i32
    }
    %scan3A_6 = arith.constant 128 : i32
    %mul3A_7 = arith.constant 640 : i32
    %mul3A_8 = arith.muli %arg1, %mul3A_7 : i32
    %add3A_9 = arith.constant 0 : i32
    %add3A_10 = arith.addi %mul3A_8, %add3A_9 : i32
    "tpu.region"() ({
      %run_scoped3A = tpu.sem_alloc : memref<!tpu.dma_semaphore, #tpu.memory_space<semaphore_mem>>
      %dma_start3A_47 = arith.constant 0 : i32
      %dma_start3A_48 = tpu.memref_slice %arg13[%add3A_10, %dma_start3A_47] : memref<10240x128xf32, #tpu.memory_space<vmem_shared>> -> memref<128x128xf32, #tpu.memory_space<vmem_shared>>
      %dma_start3A_49 = arith.constant 0 : i32
      %dma_start3A_50 = tpu.memref_slice %arg13[%add3A_10, %dma_start3A_49] : memref<10240x128xf32, #tpu.memory_space<vmem_shared>> -> memref<128x128xf32, #tpu.memory_space<vmem_shared>>
      tpu.enqueue_dma source(%arg12 : memref<128x128xf32, #tpu.memory_space<vmem>>) target(%dma_start3A_50 : memref<128x128xf32, #tpu.memory_space<vmem_shared>>) target_semaphore(%run_scoped3A : memref<!tpu.dma_semaphore, #tpu.memory_space<semaphore_mem>>)
      %dma_wait3A_51 = arith.constant 0 : i32
      %dma_wait3A_52 = tpu.memref_slice %arg13[%add3A_10, %dma_wait3A_51] : memref<10240x128xf32, #tpu.memory_space<vmem_shared>> -> memref<128x128xf32, #tpu.memory_space<vmem_shared>>
      %dma_wait3A_53 = arith.constant 0 : i32
      %dma_wait3A_54 = tpu.memref_slice %arg13[%add3A_10, %dma_wait3A_53] : memref<10240x128xf32, #tpu.memory_space<vmem_shared>> -> memref<128x128xf32, #tpu.memory_space<vmem_shared>>
      tpu.wait_dma2 semaphore(%run_scoped3A : memref<!tpu.dma_semaphore, #tpu.memory_space<semaphore_mem>>) src(%arg12 : memref<128x128xf32, #tpu.memory_space<vmem>>) dst(%dma_wait3A_54 : memref<128x128xf32, #tpu.memory_space<vmem_shared>>)
      tpu.yield
    }) : () -> ()
    %mul3A_11 = arith.constant 640 : i32
    %mul3A_12 = arith.muli %arg1, %mul3A_11 : i32
    %add3A_13 = arith.constant 128 : i32
    %add3A_14 = arith.addi %mul3A_12, %add3A_13 : i32
    "tpu.region"() ({
      %run_scoped3A = tpu.sem_alloc : memref<!tpu.dma_semaphore, #tpu.memory_space<semaphore_mem>>
      %dma_start3A_47 = arith.constant 0 : i32
      %dma_start3A_48 = tpu.memref_slice %arg13[%add3A_14, %dma_start3A_47] : memref<10240x128xf32, #tpu.memory_space<vmem_shared>> -> memref<128x128xf32, #tpu.memory_space<vmem_shared>>
      %dma_start3A_49 = arith.constant 0 : i32
      %dma_start3A_50 = tpu.memref_slice %arg13[%add3A_14, %dma_start3A_49] : memref<10240x128xf32, #tpu.memory_space<vmem_shared>> -> memref<128x128xf32, #tpu.memory_space<vmem_shared>>
      tpu.enqueue_dma source(%arg12 : memref<128x128xf32, #tpu.memory_space<vmem>>) target(%dma_start3A_50 : memref<128x128xf32, #tpu.memory_space<vmem_shared>>) target_semaphore(%run_scoped3A : memref<!tpu.dma_semaphore, #tpu.memory_space<semaphore_mem>>)
      %dma_wait3A_51 = arith.constant 0 : i32
      %dma_wait3A_52 = tpu.memref_slice %arg13[%add3A_14, %dma_wait3A_51] : memref<10240x128xf32, #tpu.memory_space<vmem_shared>> -> memref<128x128xf32, #tpu.memory_space<vmem_shared>>
      %dma_wait3A_53 = arith.constant 0 : i32
      %dma_wait3A_54 = tpu.memref_slice %arg13[%add3A_14, %dma_wait3A_53] : memref<10240x128xf32, #tpu.memory_space<vmem_shared>> -> memref<128x128xf32, #tpu.memory_space<vmem_shared>>
      tpu.wait_dma2 semaphore(%run_scoped3A : memref<!tpu.dma_semaphore, #tpu.memory_space<semaphore_mem>>) src(%arg12 : memref<128x128xf32, #tpu.memory_space<vmem>>) dst(%dma_wait3A_54 : memref<128x128xf32, #tpu.memory_space<vmem_shared>>)
      tpu.yield
    }) : () -> ()
    %mul3A_15 = arith.constant 640 : i32
    %mul3A_16 = arith.muli %arg1, %mul3A_15 : i32
    %add3A_17 = arith.constant 256 : i32
    %add3A_18 = arith.addi %mul3A_16, %add3A_17 : i32
    "tpu.region"() ({
      %run_scoped3A = tpu.sem_alloc : memref<!tpu.dma_semaphore, #tpu.memory_space<semaphore_mem>>
      %dma_start3A_47 = arith.constant 0 : i32
      %dma_start3A_48 = tpu.memref_slice %arg13[%add3A_18, %dma_start3A_47] : memref<10240x128xf32, #tpu.memory_space<vmem_shared>> -> memref<128x128xf32, #tpu.memory_space<vmem_shared>>
      %dma_start3A_49 = arith.constant 0 : i32
      %dma_start3A_50 = tpu.memref_slice %arg13[%add3A_18, %dma_start3A_49] : memref<10240x128xf32, #tpu.memory_space<vmem_shared>> -> memref<128x128xf32, #tpu.memory_space<vmem_shared>>
      tpu.enqueue_dma source(%arg12 : memref<128x128xf32, #tpu.memory_space<vmem>>) target(%dma_start3A_50 : memref<128x128xf32, #tpu.memory_space<vmem_shared>>) target_semaphore(%run_scoped3A : memref<!tpu.dma_semaphore, #tpu.memory_space<semaphore_mem>>)
      %dma_wait3A_51 = arith.constant 0 : i32
      %dma_wait3A_52 = tpu.memref_slice %arg13[%add3A_18, %dma_wait3A_51] : memref<10240x128xf32, #tpu.memory_space<vmem_shared>> -> memref<128x128xf32, #tpu.memory_space<vmem_shared>>
      %dma_wait3A_53 = arith.constant 0 : i32
      %dma_wait3A_54 = tpu.memref_slice %arg13[%add3A_18, %dma_wait3A_53] : memref<10240x128xf32, #tpu.memory_space<vmem_shared>> -> memref<128x128xf32, #tpu.memory_space<vmem_shared>>
      tpu.wait_dma2 semaphore(%run_scoped3A : memref<!tpu.dma_semaphore, #tpu.memory_space<semaphore_mem>>) src(%arg12 : memref<128x128xf32, #tpu.memory_space<vmem>>) dst(%dma_wait3A_54 : memref<128x128xf32, #tpu.memory_space<vmem_shared>>)
      tpu.yield
    }) : () -> ()
    %mul3A_19 = arith.constant 640 : i32
    %mul3A_20 = arith.muli %arg1, %mul3A_19 : i32
    %add3A_21 = arith.constant 384 : i32
    %add3A_22 = arith.addi %mul3A_20, %add3A_21 : i32
    "tpu.region"() ({
      %run_scoped3A = tpu.sem_alloc : memref<!tpu.dma_semaphore, #tpu.memory_space<semaphore_mem>>
      %dma_start3A_47 = arith.constant 0 : i32
      %dma_start3A_48 = tpu.memref_slice %arg13[%add3A_22, %dma_start3A_47] : memref<10240x128xf32, #tpu.memory_space<vmem_shared>> -> memref<128x128xf32, #tpu.memory_space<vmem_shared>>
      %dma_start3A_49 = arith.constant 0 : i32
      %dma_start3A_50 = tpu.memref_slice %arg13[%add3A_22, %dma_start3A_49] : memref<10240x128xf32, #tpu.memory_space<vmem_shared>> -> memref<128x128xf32, #tpu.memory_space<vmem_shared>>
      tpu.enqueue_dma source(%arg12 : memref<128x128xf32, #tpu.memory_space<vmem>>) target(%dma_start3A_50 : memref<128x128xf32, #tpu.memory_space<vmem_shared>>) target_semaphore(%run_scoped3A : memref<!tpu.dma_semaphore, #tpu.memory_space<semaphore_mem>>)
      %dma_wait3A_51 = arith.constant 0 : i32
      %dma_wait3A_52 = tpu.memref_slice %arg13[%add3A_22, %dma_wait3A_51] : memref<10240x128xf32, #tpu.memory_space<vmem_shared>> -> memref<128x128xf32, #tpu.memory_space<vmem_shared>>
      %dma_wait3A_53 = arith.constant 0 : i32
      %dma_wait3A_54 = tpu.memref_slice %arg13[%add3A_22, %dma_wait3A_53] : memref<10240x128xf32, #tpu.memory_space<vmem_shared>> -> memref<128x128xf32, #tpu.memory_space<vmem_shared>>
      tpu.wait_dma2 semaphore(%run_scoped3A : memref<!tpu.dma_semaphore, #tpu.memory_space<semaphore_mem>>) src(%arg12 : memref<128x128xf32, #tpu.memory_space<vmem>>) dst(%dma_wait3A_54 : memref<128x128xf32, #tpu.memory_space<vmem_shared>>)
      tpu.yield
    }) : () -> ()
    %mul3A_23 = arith.constant 640 : i32
    %mul3A_24 = arith.muli %arg1, %mul3A_23 : i32
    %add3A_25 = arith.constant 512 : i32
    %add3A_26 = arith.addi %mul3A_24, %add3A_25 : i32
    "tpu.region"() ({
      %run_scoped3A = tpu.sem_alloc : memref<!tpu.dma_semaphore, #tpu.memory_space<semaphore_mem>>
      %dma_start3A_47 = arith.constant 0 : i32
      %dma_start3A_48 = tpu.memref_slice %arg13[%add3A_26, %dma_start3A_47] : memref<10240x128xf32, #tpu.memory_space<vmem_shared>> -> memref<128x128xf32, #tpu.memory_space<vmem_shared>>
      %dma_start3A_49 = arith.constant 0 : i32
      %dma_start3A_50 = tpu.memref_slice %arg13[%add3A_26, %dma_start3A_49] : memref<10240x128xf32, #tpu.memory_space<vmem_shared>> -> memref<128x128xf32, #tpu.memory_space<vmem_shared>>
      tpu.enqueue_dma source(%arg12 : memref<128x128xf32, #tpu.memory_space<vmem>>) target(%dma_start3A_50 : memref<128x128xf32, #tpu.memory_space<vmem_shared>>) target_semaphore(%run_scoped3A : memref<!tpu.dma_semaphore, #tpu.memory_space<semaphore_mem>>)
      %dma_wait3A_51 = arith.constant 0 : i32
      %dma_wait3A_52 = tpu.memref_slice %arg13[%add3A_26, %dma_wait3A_51] : memref<10240x128xf32, #tpu.memory_space<vmem_shared>> -> memref<128x128xf32, #tpu.memory_space<vmem_shared>>
      %dma_wait3A_53 = arith.constant 0 : i32
      %dma_wait3A_54 = tpu.memref_slice %arg13[%add3A_26, %dma_wait3A_53] : memref<10240x128xf32, #tpu.memory_space<vmem_shared>> -> memref<128x128xf32, #tpu.memory_space<vmem_shared>>
      tpu.wait_dma2 semaphore(%run_scoped3A : memref<!tpu.dma_semaphore, #tpu.memory_space<semaphore_mem>>) src(%arg12 : memref<128x128xf32, #tpu.memory_space<vmem>>) dst(%dma_wait3A_54 : memref<128x128xf32, #tpu.memory_space<vmem_shared>>)
      tpu.yield
    }) : () -> ()
    %barrier3A = arith.constant 0 : index
    tpu.barrier barrier_id(%barrier3A)
    %scan3A_27 = arith.constant 0 : i32
    %scan3A_28 = arith.constant 0 : i32
    %scan3A_29 = arith.constant 6 : i32
    %scan3A_30 = arith.addi %scan3A_28, %scan3A_29 : i32
    %scan3A_31 = arith.constant 1 : i32
    %scan3A_32 = scf.for %scan3A_47 = %scan3A_28 to %scan3A_30 step %scan3A_31 iter_args(%scan3A_48 = %scan3A_27) -> (i32)  : i32 {
      "tpu.region"() ({
        %run_scoped3A = tpu.sem_alloc : memref<!tpu.dma_semaphore, #tpu.memory_space<semaphore_mem>>
        %dma_start3A_57 = arith.constant 0 : i32
        %dma_start3A_58 = arith.constant 0 : i32
        %dma_start3A_59 = tpu.memref_slice %arg3[%add3A, %scan3A_47, %dma_start3A_57, %dma_start3A_58] : memref<32x6x13x128xi32, #tpu.memory_space<hbm>> -> memref<1x1x13x128xi32, #tpu.memory_space<hbm>>
        %dma_start3A_60 = tpu.memref_squeeze %dma_start3A_59 : memref<1x1x13x128xi32, #tpu.memory_space<hbm>> -> memref<13x128xi32, #tpu.memory_space<hbm>>
        %dma_start3A_61 = arith.constant 0 : i32
        %dma_start3A_62 = arith.constant 0 : i32
        %dma_start3A_63 = tpu.memref_slice %arg3[%add3A, %scan3A_47, %dma_start3A_61, %dma_start3A_62] : memref<32x6x13x128xi32, #tpu.memory_space<hbm>> -> memref<1x1x13x128xi32, #tpu.memory_space<hbm>>
        %dma_start3A_64 = tpu.memref_squeeze %dma_start3A_63 : memref<1x1x13x128xi32, #tpu.memory_space<hbm>> -> memref<13x128xi32, #tpu.memory_space<hbm>>
        tpu.enqueue_dma source(%dma_start3A_64 : memref<13x128xi32, #tpu.memory_space<hbm>>) target(%arg8 : memref<13x128xi32, #tpu.memory_space<vmem>>) target_semaphore(%run_scoped3A : memref<!tpu.dma_semaphore, #tpu.memory_space<semaphore_mem>>)
        %dma_wait3A_65 = arith.constant 0 : i32
        %dma_wait3A_66 = arith.constant 0 : i32
        %dma_wait3A_67 = tpu.memref_slice %arg3[%add3A, %scan3A_47, %dma_wait3A_65, %dma_wait3A_66] : memref<32x6x13x128xi32, #tpu.memory_space<hbm>> -> memref<1x1x13x128xi32, #tpu.memory_space<hbm>>
        %dma_wait3A_68 = tpu.memref_squeeze %dma_wait3A_67 : memref<1x1x13x128xi32, #tpu.memory_space<hbm>> -> memref<13x128xi32, #tpu.memory_space<hbm>>
        %dma_wait3A_69 = arith.constant 0 : i32
        %dma_wait3A_70 = arith.constant 0 : i32
        %dma_wait3A_71 = tpu.memref_slice %arg3[%add3A, %scan3A_47, %dma_wait3A_69, %dma_wait3A_70] : memref<32x6x13x128xi32, #tpu.memory_space<hbm>> -> memref<1x1x13x128xi32, #tpu.memory_space<hbm>>
        %dma_wait3A_72 = tpu.memref_squeeze %dma_wait3A_71 : memref<1x1x13x128xi32, #tpu.memory_space<hbm>> -> memref<13x128xi32, #tpu.memory_space<hbm>>
        tpu.wait_dma2 semaphore(%run_scoped3A : memref<!tpu.dma_semaphore, #tpu.memory_space<semaphore_mem>>) src(%dma_wait3A_72 : memref<13x128xi32, #tpu.memory_space<hbm>>) dst(%arg8 : memref<13x128xi32, #tpu.memory_space<vmem>>)
        tpu.yield
      }) : () -> ()
      "tpu.region"() ({
        %run_scoped3A = tpu.sem_alloc : memref<!tpu.dma_semaphore, #tpu.memory_space<semaphore_mem>>
        %dma_start3A_57 = arith.constant 0 : i32
        %dma_start3A_58 = arith.constant 0 : i32
        %dma_start3A_59 = tpu.memref_slice %arg4[%add3A, %scan3A_47, %dma_start3A_57, %dma_start3A_58] : memref<32x6x13x128xi32, #tpu.memory_space<hbm>> -> memref<1x1x13x128xi32, #tpu.memory_space<hbm>>
        %dma_start3A_60 = tpu.memref_squeeze %dma_start3A_59 : memref<1x1x13x128xi32, #tpu.memory_space<hbm>> -> memref<13x128xi32, #tpu.memory_space<hbm>>
        %dma_start3A_61 = arith.constant 0 : i32
        %dma_start3A_62 = arith.constant 0 : i32
        %dma_start3A_63 = tpu.memref_slice %arg4[%add3A, %scan3A_47, %dma_start3A_61, %dma_start3A_62] : memref<32x6x13x128xi32, #tpu.memory_space<hbm>> -> memref<1x1x13x128xi32, #tpu.memory_space<hbm>>
        %dma_start3A_64 = tpu.memref_squeeze %dma_start3A_63 : memref<1x1x13x128xi32, #tpu.memory_space<hbm>> -> memref<13x128xi32, #tpu.memory_space<hbm>>
        tpu.enqueue_dma source(%dma_start3A_64 : memref<13x128xi32, #tpu.memory_space<hbm>>) target(%arg9 : memref<13x128xi32, #tpu.memory_space<vmem>>) target_semaphore(%run_scoped3A : memref<!tpu.dma_semaphore, #tpu.memory_space<semaphore_mem>>)
        %dma_wait3A_65 = arith.constant 0 : i32
        %dma_wait3A_66 = arith.constant 0 : i32
        %dma_wait3A_67 = tpu.memref_slice %arg4[%add3A, %scan3A_47, %dma_wait3A_65, %dma_wait3A_66] : memref<32x6x13x128xi32, #tpu.memory_space<hbm>> -> memref<1x1x13x128xi32, #tpu.memory_space<hbm>>
        %dma_wait3A_68 = tpu.memref_squeeze %dma_wait3A_67 : memref<1x1x13x128xi32, #tpu.memory_space<hbm>> -> memref<13x128xi32, #tpu.memory_space<hbm>>
        %dma_wait3A_69 = arith.constant 0 : i32
        %dma_wait3A_70 = arith.constant 0 : i32
        %dma_wait3A_71 = tpu.memref_slice %arg4[%add3A, %scan3A_47, %dma_wait3A_69, %dma_wait3A_70] : memref<32x6x13x128xi32, #tpu.memory_space<hbm>> -> memref<1x1x13x128xi32, #tpu.memory_space<hbm>>
        %dma_wait3A_72 = tpu.memref_squeeze %dma_wait3A_71 : memref<1x1x13x128xi32, #tpu.memory_space<hbm>> -> memref<13x128xi32, #tpu.memory_space<hbm>>
        tpu.wait_dma2 semaphore(%run_scoped3A : memref<!tpu.dma_semaphore, #tpu.memory_space<semaphore_mem>>) src(%dma_wait3A_72 : memref<13x128xi32, #tpu.memory_space<hbm>>) dst(%arg9 : memref<13x128xi32, #tpu.memory_space<vmem>>)
        tpu.yield
      }) : () -> ()
      %scan3A_49 = arith.constant 0 : i32
      %scan3A_50 = arith.constant 0 : i32
      %scan3A_51 = arith.constant 13 : i32
      %scan3A_52 = arith.addi %scan3A_50, %scan3A_51 : i32
      %scan3A_53 = arith.constant 1 : i32
      %scan3A_54 = scf.for %scan3A_57 = %scan3A_50 to %scan3A_52 step %scan3A_53 iter_args(%scan3A_58 = %scan3A_49) -> (i32)  : i32 {
        %dma_start3A_59 = arith.constant 0 : i32
        %dma_start3A_60 = tpu.memref_slice %arg9[%scan3A_57, %dma_start3A_59] : memref<13x128xi32, #tpu.memory_space<vmem>> -> memref<1x128xi32, #tpu.memory_space<vmem>>
        %dma_start3A_61 = tpu.memref_squeeze %dma_start3A_60 : memref<1x128xi32, #tpu.memory_space<vmem>> -> memref<128xi32, #tpu.memory_space<vmem>>
        %dma_start3A_62 = arith.constant 0 : i32
        %dma_start3A_63 = arith.constant 0 : i32
        %dma_start3A_64 = tpu.memref_slice %arg2[%dma_start3A_62, %dma_start3A_63] : memref<10240x128xf32, #tpu.memory_space<hbm>> -> memref<10240x128xf32, #tpu.memory_space<hbm>>
        tpu.enqueue_indirect_dma source(%dma_start3A_64 : memref<10240x128xf32, #tpu.memory_space<hbm>>) target(%arg12 : memref<128x128xf32, #tpu.memory_space<vmem>>) offsets(%dma_start3A_61 : memref<128xi32, #tpu.memory_space<vmem>>) semaphore(%arg14 : memref<!tpu.dma_semaphore, #tpu.memory_space<semaphore_mem>>)
        %dma_wait3A_65 = arith.constant 0 : i32
        %dma_wait3A_66 = tpu.memref_slice %arg9[%scan3A_57, %dma_wait3A_65] : memref<13x128xi32, #tpu.memory_space<vmem>> -> memref<1x128xi32, #tpu.memory_space<vmem>>
        %dma_wait3A_67 = tpu.memref_squeeze %dma_wait3A_66 : memref<1x128xi32, #tpu.memory_space<vmem>> -> memref<128xi32, #tpu.memory_space<vmem>>
        %dma_wait3A_68 = arith.constant 0 : i32
        %dma_wait3A_69 = arith.constant 0 : i32
        %dma_wait3A_70 = tpu.memref_slice %arg2[%dma_wait3A_68, %dma_wait3A_69] : memref<10240x128xf32, #tpu.memory_space<hbm>> -> memref<10240x128xf32, #tpu.memory_space<hbm>>
        tpu.wait_indirect_dma semaphore(%arg14 : memref<!tpu.dma_semaphore, #tpu.memory_space<semaphore_mem>>) src(%dma_wait3A_70 : memref<10240x128xf32, #tpu.memory_space<hbm>>) dst(%arg12 : memref<128x128xf32, #tpu.memory_space<vmem>>)
        "tpu.region"() ({
          %run_scoped3A = tpu.sem_alloc : memref<!tpu.dma_semaphore, #tpu.memory_space<semaphore_mem>>
          %dma_start3A_72 = arith.constant 0 : i32
          %dma_start3A_73 = tpu.memref_slice %arg8[%scan3A_57, %dma_start3A_72] : memref<13x128xi32, #tpu.memory_space<vmem>> -> memref<1x128xi32, #tpu.memory_space<vmem>>
          %dma_start3A_74 = tpu.memref_squeeze %dma_start3A_73 : memref<1x128xi32, #tpu.memory_space<vmem>> -> memref<128xi32, #tpu.memory_space<vmem>>
          %dma_start3A_75 = arith.constant 0 : i32
          %dma_start3A_76 = arith.constant 0 : i32
          %dma_start3A_77 = tpu.memref_slice %arg13[%dma_start3A_75, %dma_start3A_76] : memref<10240x128xf32, #tpu.memory_space<vmem_shared>> -> memref<10240x128xf32, #tpu.memory_space<vmem_shared>>
          tpu.enqueue_indirect_dma source(%arg12 : memref<128x128xf32, #tpu.memory_space<vmem>>) target(%dma_start3A_77 : memref<10240x128xf32, #tpu.memory_space<vmem_shared>>) offsets(%dma_start3A_74 : memref<128xi32, #tpu.memory_space<vmem>>) semaphore(%run_scoped3A : memref<!tpu.dma_semaphore, #tpu.memory_space<semaphore_mem>>) {add = true}
          %dma_wait3A_78 = arith.constant 0 : i32
          %dma_wait3A_79 = tpu.memref_slice %arg8[%scan3A_57, %dma_wait3A_78] : memref<13x128xi32, #tpu.memory_space<vmem>> -> memref<1x128xi32, #tpu.memory_space<vmem>>
          %dma_wait3A_80 = tpu.memref_squeeze %dma_wait3A_79 : memref<1x128xi32, #tpu.memory_space<vmem>> -> memref<128xi32, #tpu.memory_space<vmem>>
          %dma_wait3A_81 = arith.constant 0 : i32
          %dma_wait3A_82 = arith.constant 0 : i32
          %dma_wait3A_83 = tpu.memref_slice %arg13[%dma_wait3A_81, %dma_wait3A_82] : memref<10240x128xf32, #tpu.memory_space<vmem_shared>> -> memref<10240x128xf32, #tpu.memory_space<vmem_shared>>
          tpu.wait_indirect_dma semaphore(%run_scoped3A : memref<!tpu.dma_semaphore, #tpu.memory_space<semaphore_mem>>) src(%arg12 : memref<128x128xf32, #tpu.memory_space<vmem>>) dst(%dma_wait3A_83 : memref<10240x128xf32, #tpu.memory_space<vmem_shared>>)
          tpu.yield
        }) : () -> ()
        %scan3A_71 = arith.constant 0 : i32
        scf.yield %scan3A_71 : i32
      }
      %scan3A_55 = arith.constant 13 : i32
      %scan3A_56 = arith.constant 0 : i32
      scf.yield %scan3A_56 : i32
    }
    %scan3A_33 = arith.constant 6 : i32
    "tpu.region"() ({
      %run_scoped3A = tpu.sem_alloc : memref<!tpu.dma_semaphore, #tpu.memory_space<semaphore_mem>>
      %dma_start3A_47 = arith.constant 0 : i32
      %dma_start3A_48 = tpu.memref_slice %arg5[%add3A, %dma_start3A_47] : memref<32x16xi32, #tpu.memory_space<hbm>> -> memref<1x16xi32, #tpu.memory_space<hbm>>
      %dma_start3A_49 = tpu.memref_squeeze %dma_start3A_48 : memref<1x16xi32, #tpu.memory_space<hbm>> -> memref<16xi32, #tpu.memory_space<hbm>>
      %dma_start3A_50 = arith.constant 0 : i32
      %dma_start3A_51 = tpu.memref_slice %arg5[%add3A, %dma_start3A_50] : memref<32x16xi32, #tpu.memory_space<hbm>> -> memref<1x16xi32, #tpu.memory_space<hbm>>
      %dma_start3A_52 = tpu.memref_squeeze %dma_start3A_51 : memref<1x16xi32, #tpu.memory_space<hbm>> -> memref<16xi32, #tpu.memory_space<hbm>>
      tpu.enqueue_dma source(%dma_start3A_52 : memref<16xi32, #tpu.memory_space<hbm>>) target(%arg10 : memref<16xi32, #tpu.memory_space<vmem>>) target_semaphore(%run_scoped3A : memref<!tpu.dma_semaphore, #tpu.memory_space<semaphore_mem>>)
      %dma_wait3A_53 = arith.constant 0 : i32
      %dma_wait3A_54 = tpu.memref_slice %arg5[%add3A, %dma_wait3A_53] : memref<32x16xi32, #tpu.memory_space<hbm>> -> memref<1x16xi32, #tpu.memory_space<hbm>>
      %dma_wait3A_55 = tpu.memref_squeeze %dma_wait3A_54 : memref<1x16xi32, #tpu.memory_space<hbm>> -> memref<16xi32, #tpu.memory_space<hbm>>
      %dma_wait3A_56 = arith.constant 0 : i32
      %dma_wait3A_57 = tpu.memref_slice %arg5[%add3A, %dma_wait3A_56] : memref<32x16xi32, #tpu.memory_space<hbm>> -> memref<1x16xi32, #tpu.memory_space<hbm>>
      %dma_wait3A_58 = tpu.memref_squeeze %dma_wait3A_57 : memref<1x16xi32, #tpu.memory_space<hbm>> -> memref<16xi32, #tpu.memory_space<hbm>>
      tpu.wait_dma2 semaphore(%run_scoped3A : memref<!tpu.dma_semaphore, #tpu.memory_space<semaphore_mem>>) src(%dma_wait3A_58 : memref<16xi32, #tpu.memory_space<hbm>>) dst(%arg10 : memref<16xi32, #tpu.memory_space<vmem>>)
      tpu.yield
    }) : () -> ()
    "tpu.region"() ({
      %run_scoped3A = tpu.sem_alloc : memref<!tpu.dma_semaphore, #tpu.memory_space<semaphore_mem>>
      %dma_start3A_47 = arith.constant 0 : i32
      %dma_start3A_48 = tpu.memref_slice %arg6[%add3A, %dma_start3A_47] : memref<32x16xi32, #tpu.memory_space<hbm>> -> memref<1x16xi32, #tpu.memory_space<hbm>>
      %dma_start3A_49 = tpu.memref_squeeze %dma_start3A_48 : memref<1x16xi32, #tpu.memory_space<hbm>> -> memref<16xi32, #tpu.memory_space<hbm>>
      %dma_start3A_50 = arith.constant 0 : i32
      %dma_start3A_51 = tpu.memref_slice %arg6[%add3A, %dma_start3A_50] : memref<32x16xi32, #tpu.memory_space<hbm>> -> memref<1x16xi32, #tpu.memory_space<hbm>>
      %dma_start3A_52 = tpu.memref_squeeze %dma_start3A_51 : memref<1x16xi32, #tpu.memory_space<hbm>> -> memref<16xi32, #tpu.memory_space<hbm>>
      tpu.enqueue_dma source(%dma_start3A_52 : memref<16xi32, #tpu.memory_space<hbm>>) target(%arg11 : memref<16xi32, #tpu.memory_space<vmem>>) target_semaphore(%run_scoped3A : memref<!tpu.dma_semaphore, #tpu.memory_space<semaphore_mem>>)
      %dma_wait3A_53 = arith.constant 0 : i32
      %dma_wait3A_54 = tpu.memref_slice %arg6[%add3A, %dma_wait3A_53] : memref<32x16xi32, #tpu.memory_space<hbm>> -> memref<1x16xi32, #tpu.memory_space<hbm>>
      %dma_wait3A_55 = tpu.memref_squeeze %dma_wait3A_54 : memref<1x16xi32, #tpu.memory_space<hbm>> -> memref<16xi32, #tpu.memory_space<hbm>>
      %dma_wait3A_56 = arith.constant 0 : i32
      %dma_wait3A_57 = tpu.memref_slice %arg6[%add3A, %dma_wait3A_56] : memref<32x16xi32, #tpu.memory_space<hbm>> -> memref<1x16xi32, #tpu.memory_space<hbm>>
      %dma_wait3A_58 = tpu.memref_squeeze %dma_wait3A_57 : memref<1x16xi32, #tpu.memory_space<hbm>> -> memref<16xi32, #tpu.memory_space<hbm>>
      tpu.wait_dma2 semaphore(%run_scoped3A : memref<!tpu.dma_semaphore, #tpu.memory_space<semaphore_mem>>) src(%dma_wait3A_58 : memref<16xi32, #tpu.memory_space<hbm>>) dst(%arg11 : memref<16xi32, #tpu.memory_space<vmem>>)
      tpu.yield
    }) : () -> ()
    %dma_start3A = arith.constant 0 : i32
    %dma_start3A_34 = arith.constant 0 : i32
    %dma_start3A_35 = tpu.memref_slice %arg12[%dma_start3A, %dma_start3A_34] : memref<128x128xf32, #tpu.memory_space<vmem>> -> memref<16x128xf32, #tpu.memory_space<vmem>>
    %dma_start3A_36 = arith.constant 0 : i32
    %dma_start3A_37 = arith.constant 0 : i32
    %dma_start3A_38 = tpu.memref_slice %arg2[%dma_start3A_36, %dma_start3A_37] : memref<10240x128xf32, #tpu.memory_space<hbm>> -> memref<10240x128xf32, #tpu.memory_space<hbm>>
    tpu.enqueue_indirect_dma source(%dma_start3A_38 : memref<10240x128xf32, #tpu.memory_space<hbm>>) target(%dma_start3A_35 : memref<16x128xf32, #tpu.memory_space<vmem>>) offsets(%arg11 : memref<16xi32, #tpu.memory_space<vmem>>) semaphore(%arg14 : memref<!tpu.dma_semaphore, #tpu.memory_space<semaphore_mem>>)
    %dma_wait3A = arith.constant 0 : i32
    %dma_wait3A_39 = arith.constant 0 : i32
    %dma_wait3A_40 = tpu.memref_slice %arg12[%dma_wait3A, %dma_wait3A_39] : memref<128x128xf32, #tpu.memory_space<vmem>> -> memref<16x128xf32, #tpu.memory_space<vmem>>
    %dma_wait3A_41 = arith.constant 0 : i32
    %dma_wait3A_42 = arith.constant 0 : i32
    %dma_wait3A_43 = tpu.memref_slice %arg2[%dma_wait3A_41, %dma_wait3A_42] : memref<10240x128xf32, #tpu.memory_space<hbm>> -> memref<10240x128xf32, #tpu.memory_space<hbm>>
    tpu.wait_indirect_dma semaphore(%arg14 : memref<!tpu.dma_semaphore, #tpu.memory_space<semaphore_mem>>) src(%dma_wait3A_43 : memref<10240x128xf32, #tpu.memory_space<hbm>>) dst(%dma_wait3A_40 : memref<16x128xf32, #tpu.memory_space<vmem>>)
    "tpu.region"() ({
      %run_scoped3A = tpu.sem_alloc : memref<!tpu.dma_semaphore, #tpu.memory_space<semaphore_mem>>
      %dma_start3A_47 = arith.constant 0 : i32
      %dma_start3A_48 = arith.constant 0 : i32
      %dma_start3A_49 = tpu.memref_slice %arg12[%dma_start3A_47, %dma_start3A_48] : memref<128x128xf32, #tpu.memory_space<vmem>> -> memref<16x128xf32, #tpu.memory_space<vmem>>
      %dma_start3A_50 = arith.constant 0 : i32
      %dma_start3A_51 = arith.constant 0 : i32
      %dma_start3A_52 = tpu.memref_slice %arg13[%dma_start3A_50, %dma_start3A_51] : memref<10240x128xf32, #tpu.memory_space<vmem_shared>> -> memref<10240x128xf32, #tpu.memory_space<vmem_shared>>
      tpu.enqueue_indirect_dma source(%dma_start3A_49 : memref<16x128xf32, #tpu.memory_space<vmem>>) target(%dma_start3A_52 : memref<10240x128xf32, #tpu.memory_space<vmem_shared>>) offsets(%arg10 : memref<16xi32, #tpu.memory_space<vmem>>) semaphore(%run_scoped3A : memref<!tpu.dma_semaphore, #tpu.memory_space<semaphore_mem>>) {add = true}
      %dma_wait3A_53 = arith.constant 0 : i32
      %dma_wait3A_54 = arith.constant 0 : i32
      %dma_wait3A_55 = tpu.memref_slice %arg12[%dma_wait3A_53, %dma_wait3A_54] : memref<128x128xf32, #tpu.memory_space<vmem>> -> memref<16x128xf32, #tpu.memory_space<vmem>>
      %dma_wait3A_56 = arith.constant 0 : i32
      %dma_wait3A_57 = arith.constant 0 : i32
      %dma_wait3A_58 = tpu.memref_slice %arg13[%dma_wait3A_56, %dma_wait3A_57] : memref<10240x128xf32, #tpu.memory_space<vmem_shared>> -> memref<10240x128xf32, #tpu.memory_space<vmem_shared>>
      tpu.wait_indirect_dma semaphore(%run_scoped3A : memref<!tpu.dma_semaphore, #tpu.memory_space<semaphore_mem>>) src(%dma_wait3A_55 : memref<16x128xf32, #tpu.memory_space<vmem>>) dst(%dma_wait3A_58 : memref<10240x128xf32, #tpu.memory_space<vmem_shared>>)
      tpu.yield
    }) : () -> ()
    %barrier3A_44 = arith.constant 0 : index
    tpu.barrier barrier_id(%barrier3A_44)
    %mul3A_45 = arith.constant 640 : i32
    %mul3A_46 = arith.muli %arg1, %mul3A_45 : i32
    "tpu.region"() ({
      %run_scoped3A = tpu.sem_alloc : memref<!tpu.dma_semaphore, #tpu.memory_space<semaphore_mem>>
      %dma_start3A_47 = arith.constant 0 : i32
      %dma_start3A_48 = tpu.memref_slice %arg7[%arg0, %mul3A_46, %dma_start3A_47] : memref<2x10240x128xf32, #tpu.memory_space<hbm>> -> memref<1x640x128xf32, #tpu.memory_space<hbm>>
      %dma_start3A_49 = tpu.memref_squeeze %dma_start3A_48 : memref<1x640x128xf32, #tpu.memory_space<hbm>> -> memref<640x128xf32, #tpu.memory_space<hbm>>
      %dma_start3A_50 = arith.constant 0 : i32
      %dma_start3A_51 = tpu.memref_slice %arg13[%mul3A_46, %dma_start3A_50] : memref<10240x128xf32, #tpu.memory_space<vmem_shared>> -> memref<640x128xf32, #tpu.memory_space<vmem_shared>>
      tpu.enqueue_dma source(%dma_start3A_51 : memref<640x128xf32, #tpu.memory_space<vmem_shared>>) target(%dma_start3A_49 : memref<640x128xf32, #tpu.memory_space<hbm>>) target_semaphore(%run_scoped3A : memref<!tpu.dma_semaphore, #tpu.memory_space<semaphore_mem>>)
      %dma_wait3A_52 = arith.constant 0 : i32
      %dma_wait3A_53 = tpu.memref_slice %arg7[%arg0, %mul3A_46, %dma_wait3A_52] : memref<2x10240x128xf32, #tpu.memory_space<hbm>> -> memref<1x640x128xf32, #tpu.memory_space<hbm>>
      %dma_wait3A_54 = tpu.memref_squeeze %dma_wait3A_53 : memref<1x640x128xf32, #tpu.memory_space<hbm>> -> memref<640x128xf32, #tpu.memory_space<hbm>>
      %dma_wait3A_55 = arith.constant 0 : i32
      %dma_wait3A_56 = tpu.memref_slice %arg13[%mul3A_46, %dma_wait3A_55] : memref<10240x128xf32, #tpu.memory_space<vmem_shared>> -> memref<640x128xf32, #tpu.memory_space<vmem_shared>>
      tpu.wait_dma2 semaphore(%run_scoped3A : memref<!tpu.dma_semaphore, #tpu.memory_space<semaphore_mem>>) src(%dma_wait3A_56 : memref<640x128xf32, #tpu.memory_space<vmem_shared>>) dst(%dma_wait3A_54 : memref<640x128xf32, #tpu.memory_space<hbm>>)
      tpu.yield
    }) : () -> ()
    return
  }
}

module attributes {stable_mosaic.version = 14 : i64} {
  func.func @body(%arg0: i32, %arg1: memref<2x1024x128xf32, #tpu.memory_space<vmem>>, %arg2: memref<2x1024x16xf32, #tpu.memory_space<vmem>>, %arg3: memref<1024x128xf32, #tpu.memory_space<vmem>>, %arg4: memref<128x128xf32, #tpu.memory_space<vmem>>, %arg5: memref<1x128xf32, #tpu.memory_space<vmem>>, %arg6: memref<128x128xf32, #tpu.memory_space<vmem>>, %arg7: memref<128x128xf32, #tpu.memory_space<vmem>>, %arg8: memref<1x128xf32, #tpu.memory_space<vmem>>, %arg9: memref<1024x128xf32, #tpu.memory_space<vmem>>) attributes {dimension_semantics = [#tpu.dimension_semantics<arbitrary>], iteration_bounds = array<i64: 10>, scalar_prefetch = 0 : i64, scratch_operands = 0 : i64, tpu.core_type = #tpu.core_type<tc>, window_params = [{transform_indices = @transform_0, window_bounds = array<i64: 2, 1024, 128>}, {transform_indices = @transform_1, window_bounds = array<i64: 2, 1024, 16>}, {transform_indices = @transform_2, window_bounds = array<i64: 1024, 128>}, {pipeline_mode = #tpu.pipeline_mode<synchronous>, transform_indices = @transform_3, window_bounds = array<i64: 128, 128>}, {pipeline_mode = #tpu.pipeline_mode<synchronous>, transform_indices = @transform_4, window_bounds = array<i64: 1, 128>}, {pipeline_mode = #tpu.pipeline_mode<synchronous>, transform_indices = @transform_5, window_bounds = array<i64: 128, 128>}, {pipeline_mode = #tpu.pipeline_mode<synchronous>, transform_indices = @transform_6, window_bounds = array<i64: 128, 128>}, {pipeline_mode = #tpu.pipeline_mode<synchronous>, transform_indices = @transform_7, window_bounds = array<i64: 1, 128>}, {transform_indices = @transform_8, window_bounds = array<i64: 1024, 128>}]} {
    %get3A = arith.constant 0 : index
    %get3A_0 = arith.constant 0 : index
    %get3A_1 = arith.constant 0 : index
    %get3A_2 = vector.load %arg1[%get3A, %get3A_0, %get3A_1] : memref<2x1024x128xf32, #tpu.memory_space<vmem>>, vector<1x1024x128xf32>
    %get3A_3 = vector.shape_cast %get3A_2 : vector<1x1024x128xf32> to vector<1024x128xf32>
    %get3A_4 = arith.constant 1 : index
    %get3A_5 = arith.constant 0 : index
    %get3A_6 = arith.constant 0 : index
    %get3A_7 = vector.load %arg1[%get3A_4, %get3A_5, %get3A_6] : memref<2x1024x128xf32, #tpu.memory_space<vmem>>, vector<1x1024x128xf32>
    %get3A_8 = vector.shape_cast %get3A_7 : vector<1x1024x128xf32> to vector<1024x128xf32>
    %add3A = arith.addf %get3A_3, %get3A_8 : vector<1024x128xf32>
    %get3A_9 = arith.constant 0 : index
    %get3A_10 = arith.constant 0 : index
    %get3A_11 = arith.constant 0 : index
    %get3A_12 = vector.load %arg2[%get3A_9, %get3A_10, %get3A_11] : memref<2x1024x16xf32, #tpu.memory_space<vmem>>, vector<1x1024x1xf32>
    %get3A_13 = vector.shape_cast %get3A_12 : vector<1x1024x1xf32> to vector<1024x1xf32>
    %get3A_14 = arith.constant 1 : index
    %get3A_15 = arith.constant 0 : index
    %get3A_16 = arith.constant 0 : index
    %get3A_17 = vector.load %arg2[%get3A_14, %get3A_15, %get3A_16] : memref<2x1024x16xf32, #tpu.memory_space<vmem>>, vector<1x1024x1xf32>
    %get3A_18 = vector.shape_cast %get3A_17 : vector<1x1024x1xf32> to vector<1024x1xf32>
    %add3A_19 = arith.addf %get3A_13, %get3A_18 : vector<1024x1xf32>
    %get3A_20 = arith.constant 0 : index
    %get3A_21 = arith.constant 0 : index
    %get3A_22 = vector.load %arg4[%get3A_20, %get3A_21] : memref<128x128xf32, #tpu.memory_space<vmem>>, vector<128x128xf32>
    %dot_general3A = arith.constant dense<0.000000e+00> : vector<1024x128xf32>
    %dot_general3A_23 = tpu.matmul %add3A, %get3A_22, %dot_general3A {dimension_numbers = #tpu.dot_dimension_numbers<[1], [0], [0], [1], [0, 0, 1, 1], [], []>, transpose_lhs_hint = false} : vector<1024x128xf32>, vector<128x128xf32>, vector<1024x128xf32> -> vector<1024x128xf32>
    %get3A_24 = arith.constant 0 : index
    %get3A_25 = arith.constant 0 : index
    %get3A_26 = vector.load %arg5[%get3A_24, %get3A_25] : memref<1x128xf32, #tpu.memory_space<vmem>>, vector<1x128xf32>
    %mul3A = vector.broadcast %add3A_19 : vector<1024x1xf32> to vector<1024x128xf32>
    %mul3A_27 = vector.broadcast %get3A_26 : vector<1x128xf32> to vector<1024x128xf32>
    %mul3A_28 = arith.mulf %mul3A, %mul3A_27 : vector<1024x128xf32>
    %add3A_29 = arith.addf %dot_general3A_23, %mul3A_28 : vector<1024x128xf32>
    %get3A_30 = arith.constant 0 : index
    %get3A_31 = arith.constant 0 : index
    %get3A_32 = vector.load %arg3[%get3A_30, %get3A_31] : memref<1024x128xf32, #tpu.memory_space<vmem>>, vector<1024x128xf32>
    %get3A_33 = arith.constant 0 : index
    %get3A_34 = arith.constant 0 : index
    %get3A_35 = vector.load %arg6[%get3A_33, %get3A_34] : memref<128x128xf32, #tpu.memory_space<vmem>>, vector<128x128xf32>
    %dot_general3A_36 = arith.constant dense<0.000000e+00> : vector<1024x128xf32>
    %dot_general3A_37 = tpu.matmul %get3A_32, %get3A_35, %dot_general3A_36 {dimension_numbers = #tpu.dot_dimension_numbers<[1], [0], [0], [1], [0, 0, 1, 1], [], []>, transpose_lhs_hint = false} : vector<1024x128xf32>, vector<128x128xf32>, vector<1024x128xf32> -> vector<1024x128xf32>
    %get3A_38 = arith.constant 0 : index
    %get3A_39 = arith.constant 0 : index
    %get3A_40 = vector.load %arg7[%get3A_38, %get3A_39] : memref<128x128xf32, #tpu.memory_space<vmem>>, vector<128x128xf32>
    %dot_general3A_41 = arith.constant dense<0.000000e+00> : vector<1024x128xf32>
    %dot_general3A_42 = tpu.matmul %add3A_29, %get3A_40, %dot_general3A_41 {dimension_numbers = #tpu.dot_dimension_numbers<[1], [0], [0], [1], [0, 0, 1, 1], [], []>, transpose_lhs_hint = false} : vector<1024x128xf32>, vector<128x128xf32>, vector<1024x128xf32> -> vector<1024x128xf32>
    %add3A_43 = arith.addf %dot_general3A_37, %dot_general3A_42 : vector<1024x128xf32>
    %get3A_44 = arith.constant 0 : index
    %get3A_45 = arith.constant 0 : index
    %get3A_46 = vector.load %arg8[%get3A_44, %get3A_45] : memref<1x128xf32, #tpu.memory_space<vmem>>, vector<1x128xf32>
    %add3A_47 = vector.broadcast %get3A_46 : vector<1x128xf32> to vector<1024x128xf32>
    %add3A_48 = arith.addf %add3A_43, %add3A_47 : vector<1024x128xf32>
    %max3A = arith.constant 0.000000e+00 : f32
    %max3A_49 = vector.broadcast %max3A : f32 to vector<1024x128xf32>
    %max3A_50 = arith.maximumf %add3A_48, %max3A_49 : vector<1024x128xf32>
    %swap3A = arith.constant 0 : index
    %swap3A_51 = arith.constant 0 : index
    %swap3A_52 = vector.load %arg9[%swap3A, %swap3A_51] : memref<1024x128xf32, #tpu.memory_space<vmem>>, vector<1024x128xf32>
    tpu.vector_store %arg9[%swap3A, %swap3A_51], %max3A_50 {strides = array<i32>} : memref<1024x128xf32, #tpu.memory_space<vmem>>, vector<1024x128xf32>,
    return
  }
  func.func @transform_0(%arg0: i32) -> (i32, i32, i32) {
    %c0_i32 = arith.constant 0 : i32
    %c0_i32_0 = arith.constant 0 : i32
    %c0_i32_1 = arith.constant 0 : i32
    return %c0_i32, %arg0, %c0_i32_0 : i32, i32, i32
  }
  func.func @transform_1(%arg0: i32) -> (i32, i32, i32) {
    %c0_i32 = arith.constant 0 : i32
    %c0_i32_0 = arith.constant 0 : i32
    %c0_i32_1 = arith.constant 0 : i32
    return %c0_i32, %arg0, %c0_i32_0 : i32, i32, i32
  }
  func.func @transform_2(%arg0: i32) -> (i32, i32) {
    %c0_i32 = arith.constant 0 : i32
    %c0_i32_0 = arith.constant 0 : i32
    return %arg0, %c0_i32 : i32, i32
  }
  func.func @transform_3(%arg0: i32) -> (i32, i32) {
    %c0_i32 = arith.constant 0 : i32
    %c0_i32_0 = arith.constant 0 : i32
    %c0_i32_1 = arith.constant 0 : i32
    return %c0_i32, %c0_i32_0 : i32, i32
  }
  func.func @transform_4(%arg0: i32) -> (i32, i32) {
    %c0_i32 = arith.constant 0 : i32
    %c0_i32_0 = arith.constant 0 : i32
    %c0_i32_1 = arith.constant 0 : i32
    return %c0_i32, %c0_i32_0 : i32, i32
  }
  func.func @transform_5(%arg0: i32) -> (i32, i32) {
    %c0_i32 = arith.constant 0 : i32
    %c0_i32_0 = arith.constant 0 : i32
    %c0_i32_1 = arith.constant 0 : i32
    return %c0_i32, %c0_i32_0 : i32, i32
  }
  func.func @transform_6(%arg0: i32) -> (i32, i32) {
    %c0_i32 = arith.constant 0 : i32
    %c0_i32_0 = arith.constant 0 : i32
    %c0_i32_1 = arith.constant 0 : i32
    return %c0_i32, %c0_i32_0 : i32, i32
  }
  func.func @transform_7(%arg0: i32) -> (i32, i32) {
    %c0_i32 = arith.constant 0 : i32
    %c0_i32_0 = arith.constant 0 : i32
    %c0_i32_1 = arith.constant 0 : i32
    return %c0_i32, %c0_i32_0 : i32, i32
  }
  func.func @transform_8(%arg0: i32) -> (i32, i32) {
    %c0_i32 = arith.constant 0 : i32
    %c0_i32_0 = arith.constant 0 : i32
    return %arg0, %c0_i32 : i32, i32
  }
}

module attributes {stable_mosaic.version = 14 : i64} {
  func.func @body(%arg0: memref<2x64x128xf32, #tpu.memory_space<vmem>>, %arg1: memref<2x64x16xf32, #tpu.memory_space<vmem>>, %arg2: memref<128x128xf32, #tpu.memory_space<vmem>>, %arg3: memref<1x128xf32, #tpu.memory_space<vmem>>, %arg4: memref<64x128xf32, #tpu.memory_space<vmem>>) attributes {dimension_semantics = [], scalar_prefetch = 0 : i64, scratch_operands = 0 : i64, tpu.core_type = #tpu.core_type<tc>} {
    %get3A = arith.constant 0 : index
    %get3A_0 = arith.constant 0 : index
    %get3A_1 = arith.constant 0 : index
    %get3A_2 = vector.load %arg0[%get3A, %get3A_0, %get3A_1] : memref<2x64x128xf32, #tpu.memory_space<vmem>>, vector<1x64x128xf32>
    %get3A_3 = vector.shape_cast %get3A_2 : vector<1x64x128xf32> to vector<64x128xf32>
    %get3A_4 = arith.constant 1 : index
    %get3A_5 = arith.constant 0 : index
    %get3A_6 = arith.constant 0 : index
    %get3A_7 = vector.load %arg0[%get3A_4, %get3A_5, %get3A_6] : memref<2x64x128xf32, #tpu.memory_space<vmem>>, vector<1x64x128xf32>
    %get3A_8 = vector.shape_cast %get3A_7 : vector<1x64x128xf32> to vector<64x128xf32>
    %add3A = arith.addf %get3A_3, %get3A_8 : vector<64x128xf32>
    %get3A_9 = arith.constant 0 : index
    %get3A_10 = arith.constant 0 : index
    %get3A_11 = arith.constant 0 : index
    %get3A_12 = vector.load %arg1[%get3A_9, %get3A_10, %get3A_11] : memref<2x64x16xf32, #tpu.memory_space<vmem>>, vector<1x64x1xf32>
    %get3A_13 = vector.shape_cast %get3A_12 : vector<1x64x1xf32> to vector<64x1xf32>
    %get3A_14 = arith.constant 1 : index
    %get3A_15 = arith.constant 0 : index
    %get3A_16 = arith.constant 0 : index
    %get3A_17 = vector.load %arg1[%get3A_14, %get3A_15, %get3A_16] : memref<2x64x16xf32, #tpu.memory_space<vmem>>, vector<1x64x1xf32>
    %get3A_18 = vector.shape_cast %get3A_17 : vector<1x64x1xf32> to vector<64x1xf32>
    %add3A_19 = arith.addf %get3A_13, %get3A_18 : vector<64x1xf32>
    %div3A = vector.broadcast %add3A_19 : vector<64x1xf32> to vector<64x128xf32>
    %div3A_20 = arith.divf %add3A, %div3A : vector<64x128xf32>
    %get3A_21 = arith.constant 0 : index
    %get3A_22 = arith.constant 0 : index
    %get3A_23 = vector.load %arg2[%get3A_21, %get3A_22] : memref<128x128xf32, #tpu.memory_space<vmem>>, vector<128x128xf32>
    %dot_general3A = arith.constant dense<0.000000e+00> : vector<64x128xf32>
    %dot_general3A_24 = tpu.matmul %div3A_20, %get3A_23, %dot_general3A {dimension_numbers = #tpu.dot_dimension_numbers<[1], [0], [0], [1], [0, 0, 1, 1], [], []>, transpose_lhs_hint = false} : vector<64x128xf32>, vector<128x128xf32>, vector<64x128xf32> -> vector<64x128xf32>
    %get3A_25 = arith.constant 0 : index
    %get3A_26 = arith.constant 0 : index
    %get3A_27 = vector.load %arg3[%get3A_25, %get3A_26] : memref<1x128xf32, #tpu.memory_space<vmem>>, vector<1x128xf32>
    %add3A_28 = vector.broadcast %get3A_27 : vector<1x128xf32> to vector<64x128xf32>
    %add3A_29 = arith.addf %dot_general3A_24, %add3A_28 : vector<64x128xf32>
    %swap3A = arith.constant 0 : index
    %swap3A_30 = arith.constant 0 : index
    %swap3A_31 = vector.load %arg4[%swap3A, %swap3A_30] : memref<64x128xf32, #tpu.memory_space<vmem>>, vector<64x128xf32>
    tpu.vector_store %arg4[%swap3A, %swap3A_30], %add3A_29 {strides = array<i32>} : memref<64x128xf32, #tpu.memory_space<vmem>>, vector<64x128xf32>,
    return
  }
}

</mosaic_0001>

<sc_bundles>
// kernel: kernel.12.cloned.1.call-start
scs
__scs_entry_jumppad:
0x0: {  	(pc) =	sbr.rel $0x88, $3  }
0x1: {  	(tag) =	ssettag $0x0;
	lr =	simm.s32 $0x1  }
0x2: {  	[smem:$0x3F94] =	sst lr;
	_ =	strace $0xD0000000  }
0x3: {  	_ = 	snop  }
0x4: {  	_ = 	snop  }
0x5: {  	_ = 	snop  }
0x6: {  	_ = 	snop  }
0x7: {  	_ = 	snop  }
__scs_overlays_trampoline_lowered:
0x8: {  	[smem:$0x3FA3] =	sst s0  }
0x9: {  	[smem:$0x3FA4] =	sst s1  }
0xa: {  	[smem:$0x3FA5] =	sst s2  }
0xb: {  	[smem:$0x3FA6] =	sst s3  }
0xc: {  	[smem:$0x3FA7] =	sst s4  }
0xd: {  	[smem:$0x3FA8] =	sst s5  }
0xe: {  	[smem:$0x3FA9] =	sst s6  }
0xf: {  	[smem:$0x3FAA] =	sst s7  }
0x10: {  	[smem:$0x3FAB] =	sst s8  }
0x11: {  	[smem:$0x3FAC] =	sst s9;
	s0 =	simm.s32 @!p0 $0x0  }
0x12: {  	s1 =	sld [smem:$0x3F92];
	s0 =	simm.s32 @p0 $0x1  }
0x13: {  	[smem:$0x3FAD] =	sst s0;
	s0 =	simm.s32 @!p1 $0x0  }
0x14: {  	s2 =	sld [smem:$0x3F91];
	s0 =	simm.s32 @p1 $0x1  }
0x15: {  	[smem:$0x3FAE] =	sst s0;
	s0 =	simm.s32 @!p2 $0x0  }
0x16: {  	s3 =	sld [smem:$0x3FDB];
	s0 =	simm.s32 @p2 $0x1  }
0x17: {  	s4 =	simm.s32 $0x1BF5;
	[smem:$0x3FB0] =	sst s0  }
0x18: {  	s0 =	sld [smem:$0x3F93];
	_ =	swait.ge [sflag:s4], $0x0  }
0x19: {  	s7 =	sld [smem:$0x3F94]  }
0x1a: {  	s8 =	sadd.s32 $0xFFFFE003, lr  }
0x1b: {  	s9 =	sadd.s32 $0xFFFFFEF7, lr;
	s5 =	simm.s32 $0xFFFFFFFF;
	p2 =	slt.u32 s8, $0xFFFFF086  }
0x1c: {  	p1 =	slt.u32 s9, $0xF7A;
	s5 =	simm.s32 @!p2 $0x0  }
0x1d: {  	s5 =	simm.s32 @p1 $0x1;
	p0 =	seq.s32 s7, s2  }
0x1e: {  	s7 =	smul.u32 @!p0 $0xF7A, s2;
	p2 =	seq.s32 @!p0 s5, $0x0  }
0x1f: {  	s9 =	smul.u32 $0xF7A, s1;
	s8 =	simm.s32 @!p0 $0x1BF5;
	p2 =	por !p2, p0  }
0x20: {  	[sflag:s8] =	ssyncset.s32 @!p0 $0xFFFFF086;
	s6 =	sadd.s32 @!p0 s3, s7;
	s7 =	simm.s32 @!p0 $0x108  }
0x21: {  	s3 =	sadd.s32 s3, s9;
	s6 =	sadd.s32 @!p0 $0x88, s6;
	s7 =	simm.s32 @p2 $0x1082  }
0x22: {  	[simem:s7], [sflag:s8] =	dma.local @!p0 [hbm:s6], $0xF7A  }
0x23: {  	s9 =	sor.u32 $0xD0000000, s2;
	s6 =	simm.s32 $0x108;
	_ =	swait.ge @!p0 [sflag:s8], $0x0  }
0x24: {  	s3 =	sadd.s32 $0x88, s3;
	s6 =	simm.s32 @!p1 $0x1082;
	[sflag:s4] =	ssyncset.s32 $0xFFFFF086  }
0x25: {  	[simem:s6], [sflag:s4] =	dma.local [hbm:s3], $0xF7A  }
0x26: {  	[smem:$0x3F94] =	sst s1;
	(tag) =	ssettag s2;
	_ =	strace s9  }
0x27: {  	s1 =	sld [smem:$0x3FA4]  }
0x28: {  	s2 =	sld [smem:$0x3FA5]  }
0x29: {  	s4 =	sld [smem:$0x3FA7]  }
0x2a: {  	p0 =	seq.s32 s5, $0x0;
	s5 =	sld [smem:$0x3FA8]  }
0x2b: {  	s6 =	sld [smem:$0x3FA9]  }
0x2c: {  	s7 =	sld [smem:$0x3FAA]  }
0x2d: {  	s3 =	simm.s32 $0x108;
	s8 =	sld [smem:$0x3FAB]  }
0x2e: {  	s3 =	simm.s32 @!p0 $0x1082;
	s9 =	sld [smem:$0x3FAC]  }
0x2f: {  	lr =	sadd.s32 s0, s3;
	s0 =	sld [smem:$0x3FA3]  }
0x30: {  	s3 =	sld [smem:$0x3FA6]  }
0x31: {  	[smem:$0x3FAF] =	sst s10  }
0x32: {  	s10 =	sld [smem:$0x3FAD];
	_ =	sdelay $0x3  }
0x33: {  	p0 =	seq.s32 s10, $0x1;
	s10 =	sld [smem:$0x3FAF];
	_ =	sdelay $0x3  }
0x34: {  	[smem:$0x3FAF] =	sst s10  }
0x35: {  	s10 =	sld [smem:$0x3FAE];
	_ =	sdelay $0x3  }
0x36: {  	p1 =	seq.s32 s10, $0x1;
	s10 =	sld [smem:$0x3FAF];
	_ =	sdelay $0x3  }
0x37: {  	[smem:$0x3FAF] =	sst s10  }
0x38: {  	s10 =	sld [smem:$0x3FB0]  }
0x39: {  	_ = 	snop;
	(pc) =	sbr.ind lr, $3  }
0x3a: {  	_ = 	snop  }
0x3b: {  	_ = 	snop  }
0x3c: {  	p2 =	seq.s32 s10, $0x1;
	s10 =	sld [smem:$0x3FAF]  }
0x3d: {  	_ =	shalt  }
0x3e: {  	_ =	shalt  }
0x3f: {  	_ =	shalt  }
0x40: {  	_ =	shalt  }
0x41: {  	_ =	shalt  }
0x42: {  	_ =	shalt  }
0x43: {  	_ =	shalt  }
0x44: {  	_ =	shalt  }
0x45: {  	_ =	shalt  }
0x46: {  	_ =	shalt  }
0x47: {  	_ =	shalt  }
0x48: {  	_ =	shalt  }
0x49: {  	_ =	shalt  }
0x4a: {  	_ =	shalt  }
0x4b: {  	_ =	shalt  }
0x4c: {  	_ =	shalt  }
0x4d: {  	_ =	shalt  }
0x4e: {  	_ =	shalt  }
0x4f: {  	_ =	shalt  }
0x50: {  	_ =	shalt  }
0x51: {  	_ =	shalt  }
0x52: {  	_ =	shalt  }
0x53: {  	_ =	shalt  }
0x54: {  	_ =	shalt  }
0x55: {  	_ =	shalt  }
0x56: {  	_ =	shalt  }
0x57: {  	_ =	shalt  }
0x58: {  	_ =	shalt  }
0x59: {  	_ =	shalt  }
0x5a: {  	_ =	shalt  }
0x5b: {  	_ =	shalt  }
0x5c: {  	_ =	shalt  }
0x5d: {  	_ =	shalt  }
0x5e: {  	_ =	shalt  }
0x5f: {  	_ =	shalt  }
0x60: {  	_ =	shalt  }
0x61: {  	_ =	shalt  }
0x62: {  	_ =	shalt  }
0x63: {  	_ =	shalt  }
0x64: {  	_ =	shalt  }
0x65: {  	_ =	shalt  }
0x66: {  	_ =	shalt  }
0x67: {  	_ =	shalt  }
0x68: {  	_ =	shalt  }
0x69: {  	_ =	shalt  }
0x6a: {  	_ =	shalt  }
0x6b: {  	_ =	shalt  }
0x6c: {  	_ =	shalt  }
0x6d: {  	_ =	shalt  }
0x6e: {  	_ =	shalt  }
0x6f: {  	_ =	shalt  }
0x70: {  	_ =	shalt  }
0x71: {  	_ =	shalt  }
0x72: {  	_ =	shalt  }
0x73: {  	_ =	shalt  }
0x74: {  	_ =	shalt  }
0x75: {  	_ =	shalt  }
0x76: {  	_ =	shalt  }
0x77: {  	_ =	shalt  }
0x78: {  	_ =	shalt  }
0x79: {  	_ =	shalt  }
0x7a: {  	_ =	shalt  }
0x7b: {  	_ =	shalt  }
0x7c: {  	_ =	shalt  }
0x7d: {  	_ =	shalt  }
0x7e: {  	_ =	shalt  }
0x7f: {  	_ =	shalt  }
0x80: {  	_ =	shalt  }
0x81: {  	_ =	shalt  }
0x82: {  	_ =	shalt  }
0x83: {  	_ =	shalt  }
0x84: {  	_ =	shalt  }
0x85: {  	_ =	shalt  }
0x86: {  	_ =	shalt  }
0x87: {  	_ =	shalt  }
.Lfunc_end0:
.L_simem_size_0:
called_computation.1_lowered:
.L_overlay_start_0:
0x88: {  	s2 =	sld [smem:$0x3FD9]  }
0x89: {  	s3 =	sld [smem:$0x3FFE];
	_ =	sdelay $0x1  }
0x8a: {  	s1 =	srdreg.scid  }
0x8b: {  	s0 =	sand.u32 $0x1, s1  }
0x8c: {  	s16 =	sshll.u32 s0, $0xA;
	s2 =	sadd.s32 s3, s2  }
0x8d: {  	s2 =	sadd.s32 s2, s16  }
0x8e: {  	[smem:$0x3FBB] =	sst s2  }
0x8f: {  	_ = 	snop  }
0x90: {  	(tm) =	ssettm $0x1  }
0x91: {  	s17 =	sld [smem:$0x3FFB];
	_ =	sdelay $0x3  }
0x92: {  	_ =	strace s17  }
0x93: {  	s2 =	sld [smem:$0x3FFC];
	_ =	sdelay $0x3  }
0x94: {  	_ =	strace s2  }
0x95: {  	s2 =	sld [smem:$0x3FFD];
	_ =	sdelay $0x3  }
0x96: {  	_ =	strace s2  }
0x97: {  	_ =	strace $0x8FFFFFFF  }
0x98: {  	s18 =	sld [smem:$0x3FDB];
	_ =	sdelay $0x1  }
0x99: {  	s19 =	simm.s32 $_scs_section_size  }
0x9a: {  	s4 =	simm.s32 $_size__tile_overlayer_lowered;
	s5 =	simm.s32 $_tile_overlayer_lowered  }
0x9b: {  	s22 =	simm.s32 $0x1BFF;
	s21 =	sshll.u32 s5, $0x1;
	s2 =	sadd.s32 s19, s18  }
0x9c: {  	s6 =	simm.s32 $0x0;
	s20 =	sshll.u32 s4, $0x1;
	s4 =	sadd.s32 s21, s2  }
0x9d: {  	[timem:s6], [sflag:s22] =	dma.local [hbm:s4], s20  }
0x9e: {  	_ =	swait.ge [sflag:s22], s20  }
0x9f: {  	s3 =	ssub.s32 $0x0, s20;
	[sflag:s22] =	ssyncset.done $0x0  }
0xa0: {  	[sflag:s22] =	ssyncadd.s32 s3;
	_ =	sdelay $0x1  }
0xa1: {  	s23 =	simm.s32 $0x1B8B  }
0xa2: {  	_ =	swait.ge [sflag:s23], $0x1  }
0xa3: {  	[sflag:s23] =	ssyncset.done $0x0  }
0xa4: {  	s25 =	simm.s32 $0x1B8E;
	s24 =	sld [smem:$0x3FFE];
	[sflag:s23] =	ssyncadd.s32 $0xFFFFFFFF  }
0xa5: {  	s26 =	simm.s32 $execute0_lowered;
	[smem:$0x3FD2] =	sst s25  }
0xa6: {  	s4 =	sshll.u32 s26, $0x1;
	_ =	strace $0x80000046;
	[dreg:$0x1] =	wrdreg $0xFFFFFFFF  }
0xa7: {  	s28 =	simm.s32 $_size_execute0_lowered;
	s2 =	sadd.s32 s2, s4;
	[dreg:$0x0] =	wrdreg $0x0  }
0xa8: {  	s4 =	sshll.u32 s28, $0x1;
	[dreg:$0x2] =	wrdreg s2  }
0xa9: {  	[dreg:$0x3] =	wrdreg s4  }
0xaa: {  	[dreg:$0x4] =	wrdreg $0xC0  }
0xab: {  	_ =	task [dreg:s6], $0x5FFFF  }
0xac: {  	[dreg:$0x1] =	wrdreg $0xFFFFFFFF  }
0xad: {  	[dreg:$0x0] =	wrdreg $0x60  }
0xae: {  	[dreg:$0x2] =	wrdreg s24  }
0xaf: {  	[dreg:$0x3] =	wrdreg $0x51000  }
0xb0: {  	[dreg:$0x4] =	wrdreg $0xA  }
0xb1: {  	_ =	task.clear_ibuf [dreg:s6], $0x5FFFF;
	_ =	strace $0x90000046  }
0xb2: {  	s29 =	simm.s32 $0xA;
	_ =	strace $0x80000048  }
0xb3: {  	_ =	swait.ge [sflag:s29], $0x1  }
0xb4: {  	[sflag:s29] =	ssyncadd.s32 $0xFFFFFFFF  }
0xb5: {  	_ =	strace $0x90000048  }
0xb6: {  	_ =	sfence  }
0xb7: {  	s30 =	sld [smem:$0x0];
	_ =	sdelay $0x2  }
0xb8: {  	s31 =	sshll.u32 s1, $0xD;
	s1 =	sshrl.u32 s1, $0x2  }
0xb9: {  	s3 =	sand.u32 $0x4000, s31;
	s1 =	sadd.s32 s1, s30  }
0xba: {  	s0 =	sor.u32 s3, s0;
	s1 =	sshll.u32 s1, $0x11  }
0xbb: {  	s0 =	sor.u32 s1, s0  }
0xbc: {  	s0 =	sadd.s32 $0x8F2B, s0  }
0xbd: {  	[sflag:s0] =	ssyncadd.remote.s32 $0x1  }
0xbe: {  	_ =	sfence.sel $0xFFFF  }
0xbf: {  	[dreg:$0x0] =	wrdreg $0xFFFFFFFF;
	(pc) =	sbr.abs _section_cstart, $3  }
0xc0: {  	[dreg:$0x1] =	wrdreg $0xFFFFFFFF  }
0xc1: {  	_ =	task.clear_ibuf [dreg:s6], $0x2FFFF;
	_ =	strace $0x9FFFFFFF  }
0xc2: {  	(tm) =	ssettm $0x7FFFFFFF  }
0xc3: {  	_ =	shalt  }
tec
execute0_lowered:
.L_overlay_start_1:
0x0: {  	(tag) =	ssettag $0x1  }
0x1: {  	s7 =	rddreg [dreg:$0x0]  }
0x2: {  	s1 =	rddreg [dreg:$0x1];
	s2 =	simm.s32 $0x0  }
0x3: {  	s3 =	srdreg.scid;
	s0 =	stileid.u32;
	s17 =	simm.s32 $0x1100  }
0x4: {  	s18 =	simm.s32 $0x2;
	s19 =	simm.s32 $0x800;
	s20 =	simm.s32 $0x80  }
0x5: {  	s21 =	simm.s32 $0x1;
	s22 =	simm.s32 $0x1000;
	s23 =	simm.s32 $0x1080  }
0x6: {  	s24 =	simm.s32 $0x10;
	s25 =	simm.s32 $0x0;
	[smem:$0x7FF] =	sst s2  }
0x7: {  	s8 =	sand.u32 $0x1, s3;
	s4 =	sadd.s32 $0x1C200, s7;
	s13 =	smul.u32 $0x14000, s0  }
0x8: {  	s5 =	sadd.s32 $0x4200, s7;
	s9 =	sshll.u32 s0, $0x4;
	s29 =	smul.u32 $0x50000, s0  }
0x9: {  	_ =	strace $0x80000047;
	s6 =	sshll.u32 s8, $0x4;
	s10 =	smul.u32 $0x140000, s8  }
0xa: {  	s9 =	sand.u32 $0x70, s9;
	s8 =	ssub.s32 $0x2, s8;
	s12 =	sor.u32 s0, s6  }
0xb: {  	s31 =	sshrl.u32 s8, $0x1;
	s6 =	sshll.u32 s12, $0x4;
	s30 =	sadd.s32 s13, s10  }
0xc: {  	s16 =	ssub.s32 s8, s31;
	s12 =	smul.u32 $0x3000, s12;
	s11 =	sand.u32 $0x180, s6  }
0xd: {  	s6 =	sadd.s32 $0x10200, s7;
	s16 =	smax.u32 s16, $0x1;
	s9 =	sor.u32 s9, s11  }
0xe: {  	s11 =	sshrl.u32 s29, $0x2;
	s14 =	sadd.s32 s9, s7;
	s9 =	sshrl.u32 s30, $0x3  }
0xf: {  	s15 =	sadd.s32 s9, s7;
	s7 =	sadd.s32 s11, s1;
	s13 =	sadd.s32 $0x3E00, s14  }
0x10: {  	s14 =	sadd.s32 $0x4000, s14;
	s8 =	sadd.s32 $0x4000, s7;
	s9 =	sadd.s32 $0x8000, s7  }
0x11: {  	v0 =	vimm.f32 $0.0e+00;
	s10 =	sadd.s32 $0xC000, s7;
	s11 =	sadd.s32 $0x10000, s7;
	s15 =	sadd.s32 $0x44200, s15  }
.LBB2_1:
0x12: {  	s26 =	simm.s32 $0x0;
	s28 =	simm.s32 $0x200  }
.LBB2_2:
0x13: {  	p0 =	sne.s32 s28, $0xFE00;
	[tilespmem:s26+$0x1170] =	vst v0  }
0x14: {  	[tilespmem:s26+$0x1100] =	vst v0  }
0x15: {  	[tilespmem:s26+$0x1110] =	vst v0  }
.Ltmp0:
0x16: {  	[tilespmem:s26+$0x1120] =	vst v0;
	(pc) =	sbr.rel @p0 .LBB2_2-.Ltmp0, $4  }
0x17: {  	[tilespmem:s26+$0x1130] =	vst v0  }
0x18: {  	[tilespmem:s26+$0x1140] =	vst v0  }
0x19: {  	[tilespmem:s26+$0x1150] =	vst v0  }
0x1a: {  	[tilespmem:s26+$0x1160] =	vst v0;
	s26 =	sshra.s32 s28, $0x2;
	s28 =	sadd.s32 $0x200, s28  }
0x1b: {  	[tilespmem:s26+$0x1170] =	vst v0  }
0x1c: {  	[tilespmem:s26+$0x1100] =	vst v0  }
0x1d: {  	[tilespmem:s26+$0x1110] =	vst v0  }
0x1e: {  	[tilespmem:s26+$0x1120] =	vst v0  }
0x1f: {  	[tilespmem:s26+$0x1130] =	vst v0  }
0x20: {  	[tilespmem:s26+$0x1140] =	vst v0  }
0x21: {  	[tilespmem:s26+$0x1150] =	vst v0  }
0x22: {  	[tilespmem:s26+$0x1160] =	vst v0  }
0x23: {  	[spmem:s7] =	stream.linear.scatter [tilespmem:s17], [sflag:$0x2], $0x4000, $0x38;
	[tilespmem:$0x19100] =	vst v63  }
0x24: {  	_ =	swait.ge [sflag:s18], $0x4000  }
0x25: {  	[sflag:s18] =	ssyncset.done $0x0  }
0x26: {  	[sflag:s18] =	ssyncadd.s32 $0xFFFFC000  }
0x27: {  	[spmem:s8] =	stream.linear.scatter [tilespmem:s17], [sflag:$0x2], $0x4000, $0x38;
	[tilespmem:$0x19100] =	vst v63  }
0x28: {  	_ =	swait.ge [sflag:s18], $0x4000  }
0x29: {  	[sflag:s18] =	ssyncset.done $0x0  }
0x2a: {  	[sflag:s18] =	ssyncadd.s32 $0xFFFFC000  }
0x2b: {  	[spmem:s9] =	stream.linear.scatter [tilespmem:s17], [sflag:$0x2], $0x4000, $0x38;
	[tilespmem:$0x19100] =	vst v63  }
0x2c: {  	_ =	swait.ge [sflag:s18], $0x4000  }
0x2d: {  	[sflag:s18] =	ssyncset.done $0x0  }
0x2e: {  	[sflag:s18] =	ssyncadd.s32 $0xFFFFC000  }
0x2f: {  	[spmem:s10] =	stream.linear.scatter [tilespmem:s17], [sflag:$0x2], $0x4000, $0x38;
	[tilespmem:$0x19100] =	vst v63  }
0x30: {  	_ =	swait.ge [sflag:s18], $0x4000  }
0x31: {  	[sflag:s18] =	ssyncset.done $0x0  }
0x32: {  	[sflag:s18] =	ssyncadd.s32 $0xFFFFC000  }
0x33: {  	[spmem:s11] =	stream.linear.scatter [tilespmem:s17], [sflag:$0x2], $0x4000, $0x38;
	[tilespmem:$0x19100] =	vst v63  }
0x34: {  	_ =	swait.ge [sflag:s18], $0x4000  }
0x35: {  	[sflag:s18] =	ssyncset.done $0x0  }
0x36: {  	[sflag:s18] =	ssyncadd.s32 $0xFFFFC000  }
0x37: {  	s26 =	simm.s32 $0x0;
	s28 =	simm.s32 $0x0;
	[bflag:$0x0] =	sbarrier.arrive $0xFFFF  }
.LBB2_4:
0x38: {  	s29 =	sshll.u32 s28, $0xB  }
0x39: {  	s29 =	sadd.s32 s12, s29  }
0x3a: {  	s29 =	sshrl.u32 s29, $0x3  }
0x3b: {  	s30 =	sadd.s32 s5, s29  }
0x3c: {  	[tilespmem:s26], [sflag:$0x2] =	stream.linear.gather [hbm4b:s30+s26], $0x680, $0x38;
	[tilespmem:$0x19100] =	vst v63  }
0x3d: {  	_ =	swait.ge [sflag:s18], $0x680  }
0x3e: {  	[sflag:s18] =	ssyncset.done $0x0  }
0x3f: {  	s29 =	sadd.s32 s6, s29;
	[sflag:s18] =	ssyncadd.s32 $0xFFFFF980  }
0x40: {  	[tilespmem:s19], [sflag:$0x2] =	stream.linear.gather [hbm4b:s29+s26], $0x680, $0x38;
	[tilespmem:$0x19100] =	vst v63  }
0x41: {  	_ =	swait.ge [sflag:s18], $0x680  }
0x42: {  	[sflag:s18] =	ssyncset.done $0x0  }
0x43: {  	s29 =	simm.s32 $0x800;
	[sflag:s18] =	ssyncadd.s32 $0xFFFFF980  }
0x44: {  	[tilespmem:s17], [sflag:$0x1] =	stream.indirect.gather [hbm4b:s4+s20], $0x80, s29, s20, $0xb8;
	[tilespmem:$0x19100] =	vst v63  }
0x45: {  	_ =	swait.ge [sflag:s21], $0x4000  }
0x46: {  	[sflag:s21] =	ssyncset.done $0x0  }
0x47: {  	s29 =	simm.s32 $0x0;
	[sflag:s21] =	ssyncadd.s32 $0xFFFFC000  }
0x48: {  	[spmem:s1] =	stream.indirect.scatter.add.f32 [tilespmem:s17], [sflag:$0x2], $0x80, s29, s20, $0xb8;
	[tilespmem:$0x19100] =	vst v63  }
0x49: {  	_ =	swait.ge [sflag:s18], $0x4000  }
0x4a: {  	s30 =	simm.s32 $0x400;
	s29 =	simm.s32 $0x80;
	[sflag:s18] =	ssyncset.done $0x0  }
.LBB2_5:
0x4b: {  	s31 =	sadd.s32 $0x800, s29  }
0x4c: {  	[sflag:s18] =	ssyncadd.s32 $0xFFFFC000;
	s0 =	smov.u32 s30;
	s3 =	sadd.s32 $0x200, s30  }
0x4d: {  	[tilespmem:s17], [sflag:$0x1] =	stream.indirect.gather [hbm4b:s4+s20], $0x80, s31, s20, $0xb8;
	[tilespmem:$0x19100] =	vst v63  }
0x4e: {  	p0 =	sne.s32 s30, $0x1800;
	_ =	swait.ge [sflag:s21], $0x4000  }
.Ltmp1:
0x4f: {  	[sflag:s21] =	ssyncset.done $0x0;
	(pc) =	sbr.rel @p0 .LBB2_5-.Ltmp1, $4  }
0x50: {  	[sflag:s21] =	ssyncadd.s32 $0xFFFFC000  }
0x51: {  	[spmem:s1] =	stream.indirect.scatter.add.f32 [tilespmem:s17], [sflag:$0x2], $0x80, s29, s20, $0xb8;
	[tilespmem:$0x19100] =	vst v63  }
0x52: {  	_ =	swait.ge [sflag:s18], $0x4000  }
0x53: {  	s30 =	smov.u32 s3;
	s29 =	sshra.s32 s0, $0x2;
	[sflag:s18] =	ssyncset.done $0x0  }
0x54: {  	s0 =	sadd.s32 $0x800, s29;
	[sflag:s18] =	ssyncadd.s32 $0xFFFFC000  }
0x55: {  	[tilespmem:s17], [sflag:$0x1] =	stream.indirect.gather [hbm4b:s4+s20], $0x80, s0, s20, $0xb8;
	[tilespmem:$0x19100] =	vst v63  }
0x56: {  	s28 =	sadd.s32 $0x1, s28;
	_ =	swait.ge [sflag:s21], $0x4000  }
0x57: {  	p0 =	sne.s32 s28, $0x6;
	[sflag:s21] =	ssyncset.done $0x0  }
.Ltmp2:
0x58: {  	[sflag:s21] =	ssyncadd.s32 $0xFFFFC000;
	(pc) =	sbr.rel @p0 .LBB2_4-.Ltmp2, $4  }
0x59: {  	[spmem:s1] =	stream.indirect.scatter.add.f32 [tilespmem:s17], [sflag:$0x2], $0x80, s29, s20, $0xb8;
	[tilespmem:$0x19100] =	vst v63  }
0x5a: {  	_ =	swait.ge [sflag:s18], $0x4000  }
0x5b: {  	[sflag:s18] =	ssyncset.done $0x0  }
0x5c: {  	[sflag:s18] =	ssyncadd.s32 $0xFFFFC000  }
0x5d: {  	[tilespmem:s22], [sflag:$0x2] =	stream.linear.gather [hbm4b:s13+s2], $0x80, $0x38;
	[tilespmem:$0x19100] =	vst v63  }
0x5e: {  	_ =	swait.ge [sflag:s18], $0x80  }
0x5f: {  	[sflag:s18] =	ssyncset.done $0x0  }
0x60: {  	[sflag:s18] =	ssyncadd.s32 $0xFFFFFF80  }
0x61: {  	[tilespmem:s23], [sflag:$0x2] =	stream.linear.gather [hbm4b:s14+s2], $0x80, $0x38;
	[tilespmem:$0x19100] =	vst v63  }
0x62: {  	_ =	swait.ge [sflag:s18], $0x80  }
0x63: {  	[sflag:s18] =	ssyncset.done $0x0  }
0x64: {  	[sflag:s18] =	ssyncadd.s32 $0xFFFFFF80  }
0x65: {  	[tilespmem:s17], [sflag:$0x1] =	stream.indirect.gather [hbm4b:s4+s24], $0x80, s23, s24, $0xb8;
	[tilespmem:$0x19100] =	vst v63  }
0x66: {  	_ =	swait.ge [sflag:s21], $0x800  }
0x67: {  	[sflag:s21] =	ssyncset.done $0x0  }
0x68: {  	[sflag:s21] =	ssyncadd.s32 $0xFFFFF800  }
0x69: {  	[spmem:s1] =	stream.indirect.scatter.add.f32 [tilespmem:s17], [sflag:$0x2], $0x80, s22, s24, $0xb8;
	[tilespmem:$0x19100] =	vst v63  }
0x6a: {  	s0 =	stileid.u32;
	_ =	swait.ge [sflag:s18], $0x800  }
0x6b: {  	s3 =	sshrl.u32 s7, $0x3;
	s25 =	sadd.s32 $0x1, s25;
	[sflag:s18] =	ssyncset.done $0x0  }
0x6c: {  	s0 =	sshll.u32 s0, $0x6;
	p0 =	sne.s32 s25, s16;
	[sflag:s18] =	ssyncadd.s32 $0xFFFFF800  }
.Ltmp3:
0x6d: {  	s0 =	sor.u32 $0x1C02, s0;
	[bflag:$0x0] =	sbarrier.arrive $0xFFFF;
	(pc) =	sbr.rel @p0 .LBB2_1-.Ltmp3, $4  }
0x6e: {  	[hbm:s15], [sflag:s0] =	dma.local [spmem:s3], $0x2800  }
0x6f: {  	_ =	swait.ge [sflag:s18], $0x2800  }
0x70: {  	[sflag:s18] =	ssyncset.done $0x0  }
0x71: {  	[sflag:s18] =	ssyncadd.s32 $0xFFFFD800  }
0x72: {  	_ =	sfence.sel $0x180000  }
0x73: {  	[bflag:$0x0] =	sbarrier.arrive $0xFFFF  }
0x74: {  	_ =	strace $0x90000047  }
0x75: {  	s0 =	stileid.u32;
	[bflag:$0x2] =	sbarrier.arrive $0xFFFF  }
0x76: {  	p0 =	sne.s32 s0, $0x0;
	s0 =	rddreg [dreg:$0x2]  }
0x77: {  	s0 =	sadd.s32 @!p0 $0x100000, s0  }
0x78: {  	[sflag:s0] =	ssyncadd.tile.s32 @!p0 $0x1;
	_ =	shalt  }
.Lfunc_end2:
_tile_overlayer_lowered:
.L_overlay_start_2:
0x79: {  	(tag) =	ssettag $0x2  }
0x7a: {  	s0 =	rddreg [dreg:$0x0];
	s2 =	stileid.u32  }
0x7b: {  	s1 =	rddreg [dreg:$0x1];
	p0 =	sne.s32 s2, $0x0  }
0x7c: {  	s3 =	rddreg [dreg:$0x2];
	[bflag:$0x3] =	sbarrier.arrive $0xFFFF;
	s2 =	simm.s32 @!p0 $0x1C02  }
0x7d: {  	[timem:s3], [sflag:s2] =	dma.local @!p0 [hbm:s0], s1  }
0x7e: {  	s0 =	simm.s32 @!p0 $0x2  }
0x7f: {  	_ =	swait.ge @!p0 [sflag:s0], s1  }
0x80: {  	s1 =	ssub.s32 @!p0 $0x0, s1;
	[sflag:s0] =	ssyncset.done @!p0 $0x0  }
0x81: {  	[sflag:s0] =	ssyncadd.s32 @!p0 s1  }
0x82: {  	[bflag:$0x3] =	sbarrier.arrive $0xFFFF  }
0x83: {  	_ =	shalt  }

// kernel: kernel.15.cloned.1.call-start
scs
__scs_entry_jumppad:
0x0: {  	(pc) =	sbr.rel $0x88, $3  }
0x1: {  	(tag) =	ssettag $0x0;
	lr =	simm.s32 $0x1  }
0x2: {  	[smem:$0x3F94] =	sst lr;
	_ =	strace $0xD0000000  }
0x3: {  	_ = 	snop  }
0x4: {  	_ = 	snop  }
0x5: {  	_ = 	snop  }
0x6: {  	_ = 	snop  }
0x7: {  	_ = 	snop  }
__scs_overlays_trampoline_lowered:
0x8: {  	[smem:$0x3FA3] =	sst s0  }
0x9: {  	[smem:$0x3FA4] =	sst s1  }
0xa: {  	[smem:$0x3FA5] =	sst s2  }
0xb: {  	[smem:$0x3FA6] =	sst s3  }
0xc: {  	[smem:$0x3FA7] =	sst s4  }
0xd: {  	[smem:$0x3FA8] =	sst s5  }
0xe: {  	[smem:$0x3FA9] =	sst s6  }
0xf: {  	[smem:$0x3FAA] =	sst s7  }
0x10: {  	[smem:$0x3FAB] =	sst s8  }
0x11: {  	[smem:$0x3FAC] =	sst s9;
	s0 =	simm.s32 @!p0 $0x0  }
0x12: {  	s1 =	sld [smem:$0x3F92];
	s0 =	simm.s32 @p0 $0x1  }
0x13: {  	[smem:$0x3FAD] =	sst s0;
	s0 =	simm.s32 @!p1 $0x0  }
0x14: {  	s2 =	sld [smem:$0x3F91];
	s0 =	simm.s32 @p1 $0x1  }
0x15: {  	[smem:$0x3FAE] =	sst s0;
	s0 =	simm.s32 @!p2 $0x0  }
0x16: {  	s3 =	sld [smem:$0x3FDB];
	s0 =	simm.s32 @p2 $0x1  }
0x17: {  	s4 =	simm.s32 $0x1BF5;
	[smem:$0x3FB0] =	sst s0  }
0x18: {  	s0 =	sld [smem:$0x3F93];
	_ =	swait.ge [sflag:s4], $0x0  }
0x19: {  	s7 =	sld [smem:$0x3F94]  }
0x1a: {  	s8 =	sadd.s32 $0xFFFFE003, lr  }
0x1b: {  	s9 =	sadd.s32 $0xFFFFFEF7, lr;
	s5 =	simm.s32 $0xFFFFFFFF;
	p2 =	slt.u32 s8, $0xFFFFF086  }
0x1c: {  	p1 =	slt.u32 s9, $0xF7A;
	s5 =	simm.s32 @!p2 $0x0  }
0x1d: {  	s5 =	simm.s32 @p1 $0x1;
	p0 =	seq.s32 s7, s2  }
0x1e: {  	s7 =	smul.u32 @!p0 $0xF7A, s2;
	p2 =	seq.s32 @!p0 s5, $0x0  }
0x1f: {  	s9 =	smul.u32 $0xF7A, s1;
	s8 =	simm.s32 @!p0 $0x1BF5;
	p2 =	por !p2, p0  }
0x20: {  	[sflag:s8] =	ssyncset.s32 @!p0 $0xFFFFF086;
	s6 =	sadd.s32 @!p0 s3, s7;
	s7 =	simm.s32 @!p0 $0x108  }
0x21: {  	s3 =	sadd.s32 s3, s9;
	s6 =	sadd.s32 @!p0 $0x88, s6;
	s7 =	simm.s32 @p2 $0x1082  }
0x22: {  	[simem:s7], [sflag:s8] =	dma.local @!p0 [hbm:s6], $0xF7A  }
0x23: {  	s9 =	sor.u32 $0xD0000000, s2;
	s6 =	simm.s32 $0x108;
	_ =	swait.ge @!p0 [sflag:s8], $0x0  }
0x24: {  	s3 =	sadd.s32 $0x88, s3;
	s6 =	simm.s32 @!p1 $0x1082;
	[sflag:s4] =	ssyncset.s32 $0xFFFFF086  }
0x25: {  	[simem:s6], [sflag:s4] =	dma.local [hbm:s3], $0xF7A  }
0x26: {  	[smem:$0x3F94] =	sst s1;
	(tag) =	ssettag s2;
	_ =	strace s9  }
0x27: {  	s1 =	sld [smem:$0x3FA4]  }
0x28: {  	s2 =	sld [smem:$0x3FA5]  }
0x29: {  	s4 =	sld [smem:$0x3FA7]  }
0x2a: {  	p0 =	seq.s32 s5, $0x0;
	s5 =	sld [smem:$0x3FA8]  }
0x2b: {  	s6 =	sld [smem:$0x3FA9]  }
0x2c: {  	s7 =	sld [smem:$0x3FAA]  }
0x2d: {  	s3 =	simm.s32 $0x108;
	s8 =	sld [smem:$0x3FAB]  }
0x2e: {  	s3 =	simm.s32 @!p0 $0x1082;
	s9 =	sld [smem:$0x3FAC]  }
0x2f: {  	lr =	sadd.s32 s0, s3;
	s0 =	sld [smem:$0x3FA3]  }
0x30: {  	s3 =	sld [smem:$0x3FA6]  }
0x31: {  	[smem:$0x3FAF] =	sst s10  }
0x32: {  	s10 =	sld [smem:$0x3FAD];
	_ =	sdelay $0x3  }
0x33: {  	p0 =	seq.s32 s10, $0x1;
	s10 =	sld [smem:$0x3FAF];
	_ =	sdelay $0x3  }
0x34: {  	[smem:$0x3FAF] =	sst s10  }
0x35: {  	s10 =	sld [smem:$0x3FAE];
	_ =	sdelay $0x3  }
0x36: {  	p1 =	seq.s32 s10, $0x1;
	s10 =	sld [smem:$0x3FAF];
	_ =	sdelay $0x3  }
0x37: {  	[smem:$0x3FAF] =	sst s10  }
0x38: {  	s10 =	sld [smem:$0x3FB0]  }
0x39: {  	_ = 	snop;
	(pc) =	sbr.ind lr, $3  }
0x3a: {  	_ = 	snop  }
0x3b: {  	_ = 	snop  }
0x3c: {  	p2 =	seq.s32 s10, $0x1;
	s10 =	sld [smem:$0x3FAF]  }
0x3d: {  	_ =	shalt  }
0x3e: {  	_ =	shalt  }
0x3f: {  	_ =	shalt  }
0x40: {  	_ =	shalt  }
0x41: {  	_ =	shalt  }
0x42: {  	_ =	shalt  }
0x43: {  	_ =	shalt  }
0x44: {  	_ =	shalt  }
0x45: {  	_ =	shalt  }
0x46: {  	_ =	shalt  }
0x47: {  	_ =	shalt  }
0x48: {  	_ =	shalt  }
0x49: {  	_ =	shalt  }
0x4a: {  	_ =	shalt  }
0x4b: {  	_ =	shalt  }
0x4c: {  	_ =	shalt  }
0x4d: {  	_ =	shalt  }
0x4e: {  	_ =	shalt  }
0x4f: {  	_ =	shalt  }
0x50: {  	_ =	shalt  }
0x51: {  	_ =	shalt  }
0x52: {  	_ =	shalt  }
0x53: {  	_ =	shalt  }
0x54: {  	_ =	shalt  }
0x55: {  	_ =	shalt  }
0x56: {  	_ =	shalt  }
0x57: {  	_ =	shalt  }
0x58: {  	_ =	shalt  }
0x59: {  	_ =	shalt  }
0x5a: {  	_ =	shalt  }
0x5b: {  	_ =	shalt  }
0x5c: {  	_ =	shalt  }
0x5d: {  	_ =	shalt  }
0x5e: {  	_ =	shalt  }
0x5f: {  	_ =	shalt  }
0x60: {  	_ =	shalt  }
0x61: {  	_ =	shalt  }
0x62: {  	_ =	shalt  }
0x63: {  	_ =	shalt  }
0x64: {  	_ =	shalt  }
0x65: {  	_ =	shalt  }
0x66: {  	_ =	shalt  }
0x67: {  	_ =	shalt  }
0x68: {  	_ =	shalt  }
0x69: {  	_ =	shalt  }
0x6a: {  	_ =	shalt  }
0x6b: {  	_ =	shalt  }
0x6c: {  	_ =	shalt  }
0x6d: {  	_ =	shalt  }
0x6e: {  	_ =	shalt  }
0x6f: {  	_ =	shalt  }
0x70: {  	_ =	shalt  }
0x71: {  	_ =	shalt  }
0x72: {  	_ =	shalt  }
0x73: {  	_ =	shalt  }
0x74: {  	_ =	shalt  }
0x75: {  	_ =	shalt  }
0x76: {  	_ =	shalt  }
0x77: {  	_ =	shalt  }
0x78: {  	_ =	shalt  }
0x79: {  	_ =	shalt  }
0x7a: {  	_ =	shalt  }
0x7b: {  	_ =	shalt  }
0x7c: {  	_ =	shalt  }
0x7d: {  	_ =	shalt  }
0x7e: {  	_ =	shalt  }
0x7f: {  	_ =	shalt  }
0x80: {  	_ =	shalt  }
0x81: {  	_ =	shalt  }
0x82: {  	_ =	shalt  }
0x83: {  	_ =	shalt  }
0x84: {  	_ =	shalt  }
0x85: {  	_ =	shalt  }
0x86: {  	_ =	shalt  }
0x87: {  	_ =	shalt  }
.Lfunc_end0:
.L_simem_size_0:
called_computation.2_lowered:
.L_overlay_start_0:
0x88: {  	s2 =	sld [smem:$0x3FD9]  }
0x89: {  	s3 =	sld [smem:$0x3FFE];
	_ =	sdelay $0x1  }
0x8a: {  	s1 =	srdreg.scid  }
0x8b: {  	s0 =	sand.u32 $0x1, s1  }
0x8c: {  	s16 =	sshll.u32 s0, $0xA;
	s2 =	sadd.s32 s3, s2  }
0x8d: {  	s2 =	sadd.s32 s2, s16  }
0x8e: {  	[smem:$0x3FBB] =	sst s2  }
0x8f: {  	_ = 	snop  }
0x90: {  	(tm) =	ssettm $0x1  }
0x91: {  	s17 =	sld [smem:$0x3FFB];
	_ =	sdelay $0x3  }
0x92: {  	_ =	strace s17  }
0x93: {  	s2 =	sld [smem:$0x3FFC];
	_ =	sdelay $0x3  }
0x94: {  	_ =	strace s2  }
0x95: {  	s2 =	sld [smem:$0x3FFD];
	_ =	sdelay $0x3  }
0x96: {  	_ =	strace s2  }
0x97: {  	_ =	strace $0x8FFFFFFF  }
0x98: {  	s18 =	sld [smem:$0x3FDB];
	_ =	sdelay $0x1  }
0x99: {  	s19 =	simm.s32 $_scs_section_size  }
0x9a: {  	s4 =	simm.s32 $_size__tile_overlayer_lowered;
	s5 =	simm.s32 $_tile_overlayer_lowered  }
0x9b: {  	s22 =	simm.s32 $0x1BFF;
	s21 =	sshll.u32 s5, $0x1;
	s2 =	sadd.s32 s19, s18  }
0x9c: {  	s6 =	simm.s32 $0x0;
	s20 =	sshll.u32 s4, $0x1;
	s4 =	sadd.s32 s21, s2  }
0x9d: {  	[timem:s6], [sflag:s22] =	dma.local [hbm:s4], s20  }
0x9e: {  	_ =	swait.ge [sflag:s22], s20  }
0x9f: {  	s3 =	ssub.s32 $0x0, s20;
	[sflag:s22] =	ssyncset.done $0x0  }
0xa0: {  	[sflag:s22] =	ssyncadd.s32 s3;
	_ =	sdelay $0x1  }
0xa1: {  	s23 =	simm.s32 $0x1B8B  }
0xa2: {  	_ =	swait.ge [sflag:s23], $0x1  }
0xa3: {  	[sflag:s23] =	ssyncset.done $0x0  }
0xa4: {  	s25 =	simm.s32 $0x1B8E;
	s24 =	sld [smem:$0x3FFE];
	[sflag:s23] =	ssyncadd.s32 $0xFFFFFFFF  }
0xa5: {  	s26 =	simm.s32 $execute0_lowered;
	[smem:$0x3FD2] =	sst s25  }
0xa6: {  	s4 =	sshll.u32 s26, $0x1;
	_ =	strace $0x8000004C;
	[dreg:$0x1] =	wrdreg $0xFFFFFFFF  }
0xa7: {  	s28 =	simm.s32 $_size_execute0_lowered;
	s2 =	sadd.s32 s2, s4;
	[dreg:$0x0] =	wrdreg $0x0  }
0xa8: {  	s4 =	sshll.u32 s28, $0x1;
	[dreg:$0x2] =	wrdreg s2  }
0xa9: {  	[dreg:$0x3] =	wrdreg s4  }
0xaa: {  	[dreg:$0x4] =	wrdreg $0xC0  }
0xab: {  	_ =	task [dreg:s6], $0x5FFFF  }
0xac: {  	[dreg:$0x1] =	wrdreg $0xFFFFFFFF  }
0xad: {  	[dreg:$0x0] =	wrdreg $0x60  }
0xae: {  	[dreg:$0x2] =	wrdreg s24  }
0xaf: {  	[dreg:$0x3] =	wrdreg $0x51000  }
0xb0: {  	[dreg:$0x4] =	wrdreg $0x9  }
0xb1: {  	_ =	task.clear_ibuf [dreg:s6], $0x5FFFF;
	_ =	strace $0x9000004C  }
0xb2: {  	s29 =	simm.s32 $0x9;
	_ =	strace $0x8000004E  }
0xb3: {  	_ =	swait.ge [sflag:s29], $0x1  }
0xb4: {  	[sflag:s29] =	ssyncadd.s32 $0xFFFFFFFF  }
0xb5: {  	_ =	strace $0x9000004E  }
0xb6: {  	_ =	sfence  }
0xb7: {  	s30 =	sld [smem:$0x0];
	_ =	sdelay $0x2  }
0xb8: {  	s31 =	sshll.u32 s1, $0xD;
	s1 =	sshrl.u32 s1, $0x2  }
0xb9: {  	s3 =	sand.u32 $0x4000, s31;
	s1 =	sadd.s32 s1, s30  }
0xba: {  	s0 =	sor.u32 s3, s0;
	s1 =	sshll.u32 s1, $0x11  }
0xbb: {  	s0 =	sor.u32 s1, s0  }
0xbc: {  	s0 =	sadd.s32 $0x8F2B, s0  }
0xbd: {  	[sflag:s0] =	ssyncadd.remote.s32 $0x1  }
0xbe: {  	_ =	sfence.sel $0xFFFF  }
0xbf: {  	[dreg:$0x0] =	wrdreg $0xFFFFFFFF;
	(pc) =	sbr.abs _section_cstart, $3  }
0xc0: {  	[dreg:$0x1] =	wrdreg $0xFFFFFFFF  }
0xc1: {  	_ =	task.clear_ibuf [dreg:s6], $0x2FFFF;
	_ =	strace $0x9FFFFFFF  }
0xc2: {  	(tm) =	ssettm $0x7FFFFFFF  }
0xc3: {  	_ =	shalt  }
tec
execute0_lowered:
.L_overlay_start_1:
0x0: {  	(tag) =	ssettag $0x1  }
0x1: {  	s7 =	rddreg [dreg:$0x0]  }
0x2: {  	s1 =	rddreg [dreg:$0x1];
	s2 =	simm.s32 $0x0  }
0x3: {  	s3 =	srdreg.scid;
	s0 =	stileid.u32;
	s17 =	simm.s32 $0x1100  }
0x4: {  	s18 =	simm.s32 $0x2;
	s19 =	simm.s32 $0x800;
	s20 =	simm.s32 $0x80  }
0x5: {  	s21 =	simm.s32 $0x1;
	s22 =	simm.s32 $0x1000;
	s23 =	simm.s32 $0x1080  }
0x6: {  	s24 =	simm.s32 $0x10;
	s25 =	simm.s32 $0x0;
	[smem:$0x7FF] =	sst s2  }
0x7: {  	s8 =	sand.u32 $0x1, s3;
	s4 =	sadd.s32 $0x1C200, s7;
	s13 =	smul.u32 $0x14000, s0  }
0x8: {  	s5 =	sadd.s32 $0x4200, s7;
	s9 =	sshll.u32 s0, $0x4;
	s29 =	smul.u32 $0x50000, s0  }
0x9: {  	_ =	strace $0x8000004D;
	s6 =	sshll.u32 s8, $0x4;
	s10 =	smul.u32 $0x140000, s8  }
0xa: {  	s9 =	sand.u32 $0x70, s9;
	s8 =	ssub.s32 $0x2, s8;
	s12 =	sor.u32 s0, s6  }
0xb: {  	s31 =	sshrl.u32 s8, $0x1;
	s6 =	sshll.u32 s12, $0x4;
	s30 =	sadd.s32 s13, s10  }
0xc: {  	s16 =	ssub.s32 s8, s31;
	s12 =	smul.u32 $0x3000, s12;
	s11 =	sand.u32 $0x180, s6  }
0xd: {  	s6 =	sadd.s32 $0x10200, s7;
	s16 =	smax.u32 s16, $0x1;
	s9 =	sor.u32 s9, s11  }
0xe: {  	s11 =	sshrl.u32 s29, $0x2;
	s14 =	sadd.s32 s9, s7;
	s9 =	sshrl.u32 s30, $0x3  }
0xf: {  	s15 =	sadd.s32 s9, s7;
	s7 =	sadd.s32 s11, s1;
	s13 =	sadd.s32 $0x3E00, s14  }
0x10: {  	s14 =	sadd.s32 $0x4000, s14;
	s8 =	sadd.s32 $0x4000, s7;
	s9 =	sadd.s32 $0x8000, s7  }
0x11: {  	v0 =	vimm.f32 $0.0e+00;
	s10 =	sadd.s32 $0xC000, s7;
	s11 =	sadd.s32 $0x10000, s7;
	s15 =	sadd.s32 $0x44200, s15  }
.LBB2_1:
0x12: {  	s26 =	simm.s32 $0x0;
	s28 =	simm.s32 $0x200  }
.LBB2_2:
0x13: {  	p0 =	sne.s32 s28, $0xFE00;
	[tilespmem:s26+$0x1170] =	vst v0  }
0x14: {  	[tilespmem:s26+$0x1100] =	vst v0  }
0x15: {  	[tilespmem:s26+$0x1110] =	vst v0  }
.Ltmp0:
0x16: {  	[tilespmem:s26+$0x1120] =	vst v0;
	(pc) =	sbr.rel @p0 .LBB2_2-.Ltmp0, $4  }
0x17: {  	[tilespmem:s26+$0x1130] =	vst v0  }
0x18: {  	[tilespmem:s26+$0x1140] =	vst v0  }
0x19: {  	[tilespmem:s26+$0x1150] =	vst v0  }
0x1a: {  	[tilespmem:s26+$0x1160] =	vst v0;
	s26 =	sshra.s32 s28, $0x2;
	s28 =	sadd.s32 $0x200, s28  }
0x1b: {  	[tilespmem:s26+$0x1170] =	vst v0  }
0x1c: {  	[tilespmem:s26+$0x1100] =	vst v0  }
0x1d: {  	[tilespmem:s26+$0x1110] =	vst v0  }
0x1e: {  	[tilespmem:s26+$0x1120] =	vst v0  }
0x1f: {  	[tilespmem:s26+$0x1130] =	vst v0  }
0x20: {  	[tilespmem:s26+$0x1140] =	vst v0  }
0x21: {  	[tilespmem:s26+$0x1150] =	vst v0  }
0x22: {  	[tilespmem:s26+$0x1160] =	vst v0  }
0x23: {  	[spmem:s7] =	stream.linear.scatter [tilespmem:s17], [sflag:$0x2], $0x4000, $0x38;
	[tilespmem:$0x19100] =	vst v63  }
0x24: {  	_ =	swait.ge [sflag:s18], $0x4000  }
0x25: {  	[sflag:s18] =	ssyncset.done $0x0  }
0x26: {  	[sflag:s18] =	ssyncadd.s32 $0xFFFFC000  }
0x27: {  	[spmem:s8] =	stream.linear.scatter [tilespmem:s17], [sflag:$0x2], $0x4000, $0x38;
	[tilespmem:$0x19100] =	vst v63  }
0x28: {  	_ =	swait.ge [sflag:s18], $0x4000  }
0x29: {  	[sflag:s18] =	ssyncset.done $0x0  }
0x2a: {  	[sflag:s18] =	ssyncadd.s32 $0xFFFFC000  }
0x2b: {  	[spmem:s9] =	stream.linear.scatter [tilespmem:s17], [sflag:$0x2], $0x4000, $0x38;
	[tilespmem:$0x19100] =	vst v63  }
0x2c: {  	_ =	swait.ge [sflag:s18], $0x4000  }
0x2d: {  	[sflag:s18] =	ssyncset.done $0x0  }
0x2e: {  	[sflag:s18] =	ssyncadd.s32 $0xFFFFC000  }
0x2f: {  	[spmem:s10] =	stream.linear.scatter [tilespmem:s17], [sflag:$0x2], $0x4000, $0x38;
	[tilespmem:$0x19100] =	vst v63  }
0x30: {  	_ =	swait.ge [sflag:s18], $0x4000  }
0x31: {  	[sflag:s18] =	ssyncset.done $0x0  }
0x32: {  	[sflag:s18] =	ssyncadd.s32 $0xFFFFC000  }
0x33: {  	[spmem:s11] =	stream.linear.scatter [tilespmem:s17], [sflag:$0x2], $0x4000, $0x38;
	[tilespmem:$0x19100] =	vst v63  }
0x34: {  	_ =	swait.ge [sflag:s18], $0x4000  }
0x35: {  	[sflag:s18] =	ssyncset.done $0x0  }
0x36: {  	[sflag:s18] =	ssyncadd.s32 $0xFFFFC000  }
0x37: {  	s26 =	simm.s32 $0x0;
	s28 =	simm.s32 $0x0;
	[bflag:$0x0] =	sbarrier.arrive $0xFFFF  }
.LBB2_4:
0x38: {  	s29 =	sshll.u32 s28, $0xB  }
0x39: {  	s29 =	sadd.s32 s12, s29  }
0x3a: {  	s29 =	sshrl.u32 s29, $0x3  }
0x3b: {  	s30 =	sadd.s32 s5, s29  }
0x3c: {  	[tilespmem:s26], [sflag:$0x2] =	stream.linear.gather [hbm4b:s30+s26], $0x680, $0x38;
	[tilespmem:$0x19100] =	vst v63  }
0x3d: {  	_ =	swait.ge [sflag:s18], $0x680  }
0x3e: {  	[sflag:s18] =	ssyncset.done $0x0  }
0x3f: {  	s29 =	sadd.s32 s6, s29;
	[sflag:s18] =	ssyncadd.s32 $0xFFFFF980  }
0x40: {  	[tilespmem:s19], [sflag:$0x2] =	stream.linear.gather [hbm4b:s29+s26], $0x680, $0x38;
	[tilespmem:$0x19100] =	vst v63  }
0x41: {  	_ =	swait.ge [sflag:s18], $0x680  }
0x42: {  	[sflag:s18] =	ssyncset.done $0x0  }
0x43: {  	s29 =	simm.s32 $0x800;
	[sflag:s18] =	ssyncadd.s32 $0xFFFFF980  }
0x44: {  	[tilespmem:s17], [sflag:$0x1] =	stream.indirect.gather [hbm4b:s4+s20], $0x80, s29, s20, $0xb8;
	[tilespmem:$0x19100] =	vst v63  }
0x45: {  	_ =	swait.ge [sflag:s21], $0x4000  }
0x46: {  	[sflag:s21] =	ssyncset.done $0x0  }
0x47: {  	s29 =	simm.s32 $0x0;
	[sflag:s21] =	ssyncadd.s32 $0xFFFFC000  }
0x48: {  	[spmem:s1] =	stream.indirect.scatter.add.f32 [tilespmem:s17], [sflag:$0x2], $0x80, s29, s20, $0xb8;
	[tilespmem:$0x19100] =	vst v63  }
0x49: {  	_ =	swait.ge [sflag:s18], $0x4000  }
0x4a: {  	s30 =	simm.s32 $0x400;
	s29 =	simm.s32 $0x80;
	[sflag:s18] =	ssyncset.done $0x0  }
.LBB2_5:
0x4b: {  	s31 =	sadd.s32 $0x800, s29  }
0x4c: {  	[sflag:s18] =	ssyncadd.s32 $0xFFFFC000;
	s0 =	smov.u32 s30;
	s3 =	sadd.s32 $0x200, s30  }
0x4d: {  	[tilespmem:s17], [sflag:$0x1] =	stream.indirect.gather [hbm4b:s4+s20], $0x80, s31, s20, $0xb8;
	[tilespmem:$0x19100] =	vst v63  }
0x4e: {  	p0 =	sne.s32 s30, $0x1800;
	_ =	swait.ge [sflag:s21], $0x4000  }
.Ltmp1:
0x4f: {  	[sflag:s21] =	ssyncset.done $0x0;
	(pc) =	sbr.rel @p0 .LBB2_5-.Ltmp1, $4  }
0x50: {  	[sflag:s21] =	ssyncadd.s32 $0xFFFFC000  }
0x51: {  	[spmem:s1] =	stream.indirect.scatter.add.f32 [tilespmem:s17], [sflag:$0x2], $0x80, s29, s20, $0xb8;
	[tilespmem:$0x19100] =	vst v63  }
0x52: {  	_ =	swait.ge [sflag:s18], $0x4000  }
0x53: {  	s30 =	smov.u32 s3;
	s29 =	sshra.s32 s0, $0x2;
	[sflag:s18] =	ssyncset.done $0x0  }
0x54: {  	s0 =	sadd.s32 $0x800, s29;
	[sflag:s18] =	ssyncadd.s32 $0xFFFFC000  }
0x55: {  	[tilespmem:s17], [sflag:$0x1] =	stream.indirect.gather [hbm4b:s4+s20], $0x80, s0, s20, $0xb8;
	[tilespmem:$0x19100] =	vst v63  }
0x56: {  	s28 =	sadd.s32 $0x1, s28;
	_ =	swait.ge [sflag:s21], $0x4000  }
0x57: {  	p0 =	sne.s32 s28, $0x6;
	[sflag:s21] =	ssyncset.done $0x0  }
.Ltmp2:
0x58: {  	[sflag:s21] =	ssyncadd.s32 $0xFFFFC000;
	(pc) =	sbr.rel @p0 .LBB2_4-.Ltmp2, $4  }
0x59: {  	[spmem:s1] =	stream.indirect.scatter.add.f32 [tilespmem:s17], [sflag:$0x2], $0x80, s29, s20, $0xb8;
	[tilespmem:$0x19100] =	vst v63  }
0x5a: {  	_ =	swait.ge [sflag:s18], $0x4000  }
0x5b: {  	[sflag:s18] =	ssyncset.done $0x0  }
0x5c: {  	[sflag:s18] =	ssyncadd.s32 $0xFFFFC000  }
0x5d: {  	[tilespmem:s22], [sflag:$0x2] =	stream.linear.gather [hbm4b:s13+s2], $0x80, $0x38;
	[tilespmem:$0x19100] =	vst v63  }
0x5e: {  	_ =	swait.ge [sflag:s18], $0x80  }
0x5f: {  	[sflag:s18] =	ssyncset.done $0x0  }
0x60: {  	[sflag:s18] =	ssyncadd.s32 $0xFFFFFF80  }
0x61: {  	[tilespmem:s23], [sflag:$0x2] =	stream.linear.gather [hbm4b:s14+s2], $0x80, $0x38;
	[tilespmem:$0x19100] =	vst v63  }
0x62: {  	_ =	swait.ge [sflag:s18], $0x80  }
0x63: {  	[sflag:s18] =	ssyncset.done $0x0  }
0x64: {  	[sflag:s18] =	ssyncadd.s32 $0xFFFFFF80  }
0x65: {  	[tilespmem:s17], [sflag:$0x1] =	stream.indirect.gather [hbm4b:s4+s24], $0x80, s23, s24, $0xb8;
	[tilespmem:$0x19100] =	vst v63  }
0x66: {  	_ =	swait.ge [sflag:s21], $0x800  }
0x67: {  	[sflag:s21] =	ssyncset.done $0x0  }
0x68: {  	[sflag:s21] =	ssyncadd.s32 $0xFFFFF800  }
0x69: {  	[spmem:s1] =	stream.indirect.scatter.add.f32 [tilespmem:s17], [sflag:$0x2], $0x80, s22, s24, $0xb8;
	[tilespmem:$0x19100] =	vst v63  }
0x6a: {  	s0 =	stileid.u32;
	_ =	swait.ge [sflag:s18], $0x800  }
0x6b: {  	s3 =	sshrl.u32 s7, $0x3;
	s25 =	sadd.s32 $0x1, s25;
	[sflag:s18] =	ssyncset.done $0x0  }
0x6c: {  	s0 =	sshll.u32 s0, $0x6;
	p0 =	sne.s32 s25, s16;
	[sflag:s18] =	ssyncadd.s32 $0xFFFFF800  }
.Ltmp3:
0x6d: {  	s0 =	sor.u32 $0x1C02, s0;
	[bflag:$0x0] =	sbarrier.arrive $0xFFFF;
	(pc) =	sbr.rel @p0 .LBB2_1-.Ltmp3, $4  }
0x6e: {  	[hbm:s15], [sflag:s0] =	dma.local [spmem:s3], $0x2800  }
0x6f: {  	_ =	swait.ge [sflag:s18], $0x2800  }
0x70: {  	[sflag:s18] =	ssyncset.done $0x0  }
0x71: {  	[sflag:s18] =	ssyncadd.s32 $0xFFFFD800  }
0x72: {  	_ =	sfence.sel $0x180000  }
0x73: {  	[bflag:$0x0] =	sbarrier.arrive $0xFFFF  }
0x74: {  	_ =	strace $0x9000004D  }
0x75: {  	s0 =	stileid.u32;
	[bflag:$0x2] =	sbarrier.arrive $0xFFFF  }
0x76: {  	p0 =	sne.s32 s0, $0x0;
	s0 =	rddreg [dreg:$0x2]  }
0x77: {  	s0 =	sadd.s32 @!p0 $0x100000, s0  }
0x78: {  	[sflag:s0] =	ssyncadd.tile.s32 @!p0 $0x1;
	_ =	shalt  }
.Lfunc_end2:
_tile_overlayer_lowered:
.L_overlay_start_2:
0x79: {  	(tag) =	ssettag $0x2  }
0x7a: {  	s0 =	rddreg [dreg:$0x0];
	s2 =	stileid.u32  }
0x7b: {  	s1 =	rddreg [dreg:$0x1];
	p0 =	sne.s32 s2, $0x0  }
0x7c: {  	s3 =	rddreg [dreg:$0x2];
	[bflag:$0x3] =	sbarrier.arrive $0xFFFF;
	s2 =	simm.s32 @!p0 $0x1C02  }
0x7d: {  	[timem:s3], [sflag:s2] =	dma.local @!p0 [hbm:s0], s1  }
0x7e: {  	s0 =	simm.s32 @!p0 $0x2  }
0x7f: {  	_ =	swait.ge @!p0 [sflag:s0], s1  }
0x80: {  	s1 =	ssub.s32 @!p0 $0x0, s1;
	[sflag:s0] =	ssyncset.done @!p0 $0x0  }
0x81: {  	[sflag:s0] =	ssyncadd.s32 @!p0 s1  }
0x82: {  	[bflag:$0x3] =	sbarrier.arrive $0xFFFF  }
0x83: {  	_ =	shalt  }

// kernel: kernel.18.cloned.1.call-start
scs
__scs_entry_jumppad:
0x0: {  	(pc) =	sbr.rel $0x88, $3  }
0x1: {  	(tag) =	ssettag $0x0;
	lr =	simm.s32 $0x1  }
0x2: {  	[smem:$0x3F94] =	sst lr;
	_ =	strace $0xD0000000  }
0x3: {  	_ = 	snop  }
0x4: {  	_ = 	snop  }
0x5: {  	_ = 	snop  }
0x6: {  	_ = 	snop  }
0x7: {  	_ = 	snop  }
__scs_overlays_trampoline_lowered:
0x8: {  	[smem:$0x3FA3] =	sst s0  }
0x9: {  	[smem:$0x3FA4] =	sst s1  }
0xa: {  	[smem:$0x3FA5] =	sst s2  }
0xb: {  	[smem:$0x3FA6] =	sst s3  }
0xc: {  	[smem:$0x3FA7] =	sst s4  }
0xd: {  	[smem:$0x3FA8] =	sst s5  }
0xe: {  	[smem:$0x3FA9] =	sst s6  }
0xf: {  	[smem:$0x3FAA] =	sst s7  }
0x10: {  	[smem:$0x3FAB] =	sst s8  }
0x11: {  	[smem:$0x3FAC] =	sst s9;
	s0 =	simm.s32 @!p0 $0x0  }
0x12: {  	s1 =	sld [smem:$0x3F92];
	s0 =	simm.s32 @p0 $0x1  }
0x13: {  	[smem:$0x3FAD] =	sst s0;
	s0 =	simm.s32 @!p1 $0x0  }
0x14: {  	s2 =	sld [smem:$0x3F91];
	s0 =	simm.s32 @p1 $0x1  }
0x15: {  	[smem:$0x3FAE] =	sst s0;
	s0 =	simm.s32 @!p2 $0x0  }
0x16: {  	s3 =	sld [smem:$0x3FDB];
	s0 =	simm.s32 @p2 $0x1  }
0x17: {  	s4 =	simm.s32 $0x1BF5;
	[smem:$0x3FB0] =	sst s0  }
0x18: {  	s0 =	sld [smem:$0x3F93];
	_ =	swait.ge [sflag:s4], $0x0  }
0x19: {  	s7 =	sld [smem:$0x3F94]  }
0x1a: {  	s8 =	sadd.s32 $0xFFFFE003, lr  }
0x1b: {  	s9 =	sadd.s32 $0xFFFFFEF7, lr;
	s5 =	simm.s32 $0xFFFFFFFF;
	p2 =	slt.u32 s8, $0xFFFFF086  }
0x1c: {  	p1 =	slt.u32 s9, $0xF7A;
	s5 =	simm.s32 @!p2 $0x0  }
0x1d: {  	s5 =	simm.s32 @p1 $0x1;
	p0 =	seq.s32 s7, s2  }
0x1e: {  	s7 =	smul.u32 @!p0 $0xF7A, s2;
	p2 =	seq.s32 @!p0 s5, $0x0  }
0x1f: {  	s9 =	smul.u32 $0xF7A, s1;
	s8 =	simm.s32 @!p0 $0x1BF5;
	p2 =	por !p2, p0  }
0x20: {  	[sflag:s8] =	ssyncset.s32 @!p0 $0xFFFFF086;
	s6 =	sadd.s32 @!p0 s3, s7;
	s7 =	simm.s32 @!p0 $0x108  }
0x21: {  	s3 =	sadd.s32 s3, s9;
	s6 =	sadd.s32 @!p0 $0x88, s6;
	s7 =	simm.s32 @p2 $0x1082  }
0x22: {  	[simem:s7], [sflag:s8] =	dma.local @!p0 [hbm:s6], $0xF7A  }
0x23: {  	s9 =	sor.u32 $0xD0000000, s2;
	s6 =	simm.s32 $0x108;
	_ =	swait.ge @!p0 [sflag:s8], $0x0  }
0x24: {  	s3 =	sadd.s32 $0x88, s3;
	s6 =	simm.s32 @!p1 $0x1082;
	[sflag:s4] =	ssyncset.s32 $0xFFFFF086  }
0x25: {  	[simem:s6], [sflag:s4] =	dma.local [hbm:s3], $0xF7A  }
0x26: {  	[smem:$0x3F94] =	sst s1;
	(tag) =	ssettag s2;
	_ =	strace s9  }
0x27: {  	s1 =	sld [smem:$0x3FA4]  }
0x28: {  	s2 =	sld [smem:$0x3FA5]  }
0x29: {  	s4 =	sld [smem:$0x3FA7]  }
0x2a: {  	p0 =	seq.s32 s5, $0x0;
	s5 =	sld [smem:$0x3FA8]  }
0x2b: {  	s6 =	sld [smem:$0x3FA9]  }
0x2c: {  	s7 =	sld [smem:$0x3FAA]  }
0x2d: {  	s3 =	simm.s32 $0x108;
	s8 =	sld [smem:$0x3FAB]  }
0x2e: {  	s3 =	simm.s32 @!p0 $0x1082;
	s9 =	sld [smem:$0x3FAC]  }
0x2f: {  	lr =	sadd.s32 s0, s3;
	s0 =	sld [smem:$0x3FA3]  }
0x30: {  	s3 =	sld [smem:$0x3FA6]  }
0x31: {  	[smem:$0x3FAF] =	sst s10  }
0x32: {  	s10 =	sld [smem:$0x3FAD];
	_ =	sdelay $0x3  }
0x33: {  	p0 =	seq.s32 s10, $0x1;
	s10 =	sld [smem:$0x3FAF];
	_ =	sdelay $0x3  }
0x34: {  	[smem:$0x3FAF] =	sst s10  }
0x35: {  	s10 =	sld [smem:$0x3FAE];
	_ =	sdelay $0x3  }
0x36: {  	p1 =	seq.s32 s10, $0x1;
	s10 =	sld [smem:$0x3FAF];
	_ =	sdelay $0x3  }
0x37: {  	[smem:$0x3FAF] =	sst s10  }
0x38: {  	s10 =	sld [smem:$0x3FB0]  }
0x39: {  	_ = 	snop;
	(pc) =	sbr.ind lr, $3  }
0x3a: {  	_ = 	snop  }
0x3b: {  	_ = 	snop  }
0x3c: {  	p2 =	seq.s32 s10, $0x1;
	s10 =	sld [smem:$0x3FAF]  }
0x3d: {  	_ =	shalt  }
0x3e: {  	_ =	shalt  }
0x3f: {  	_ =	shalt  }
0x40: {  	_ =	shalt  }
0x41: {  	_ =	shalt  }
0x42: {  	_ =	shalt  }
0x43: {  	_ =	shalt  }
0x44: {  	_ =	shalt  }
0x45: {  	_ =	shalt  }
0x46: {  	_ =	shalt  }
0x47: {  	_ =	shalt  }
0x48: {  	_ =	shalt  }
0x49: {  	_ =	shalt  }
0x4a: {  	_ =	shalt  }
0x4b: {  	_ =	shalt  }
0x4c: {  	_ =	shalt  }
0x4d: {  	_ =	shalt  }
0x4e: {  	_ =	shalt  }
0x4f: {  	_ =	shalt  }
0x50: {  	_ =	shalt  }
0x51: {  	_ =	shalt  }
0x52: {  	_ =	shalt  }
0x53: {  	_ =	shalt  }
0x54: {  	_ =	shalt  }
0x55: {  	_ =	shalt  }
0x56: {  	_ =	shalt  }
0x57: {  	_ =	shalt  }
0x58: {  	_ =	shalt  }
0x59: {  	_ =	shalt  }
0x5a: {  	_ =	shalt  }
0x5b: {  	_ =	shalt  }
0x5c: {  	_ =	shalt  }
0x5d: {  	_ =	shalt  }
0x5e: {  	_ =	shalt  }
0x5f: {  	_ =	shalt  }
0x60: {  	_ =	shalt  }
0x61: {  	_ =	shalt  }
0x62: {  	_ =	shalt  }
0x63: {  	_ =	shalt  }
0x64: {  	_ =	shalt  }
0x65: {  	_ =	shalt  }
0x66: {  	_ =	shalt  }
0x67: {  	_ =	shalt  }
0x68: {  	_ =	shalt  }
0x69: {  	_ =	shalt  }
0x6a: {  	_ =	shalt  }
0x6b: {  	_ =	shalt  }
0x6c: {  	_ =	shalt  }
0x6d: {  	_ =	shalt  }
0x6e: {  	_ =	shalt  }
0x6f: {  	_ =	shalt  }
0x70: {  	_ =	shalt  }
0x71: {  	_ =	shalt  }
0x72: {  	_ =	shalt  }
0x73: {  	_ =	shalt  }
0x74: {  	_ =	shalt  }
0x75: {  	_ =	shalt  }
0x76: {  	_ =	shalt  }
0x77: {  	_ =	shalt  }
0x78: {  	_ =	shalt  }
0x79: {  	_ =	shalt  }
0x7a: {  	_ =	shalt  }
0x7b: {  	_ =	shalt  }
0x7c: {  	_ =	shalt  }
0x7d: {  	_ =	shalt  }
0x7e: {  	_ =	shalt  }
0x7f: {  	_ =	shalt  }
0x80: {  	_ =	shalt  }
0x81: {  	_ =	shalt  }
0x82: {  	_ =	shalt  }
0x83: {  	_ =	shalt  }
0x84: {  	_ =	shalt  }
0x85: {  	_ =	shalt  }
0x86: {  	_ =	shalt  }
0x87: {  	_ =	shalt  }
.Lfunc_end0:
.L_simem_size_0:
called_computation.3_lowered:
.L_overlay_start_0:
0x88: {  	s2 =	sld [smem:$0x3FD9]  }
0x89: {  	s3 =	sld [smem:$0x3FFE];
	_ =	sdelay $0x1  }
0x8a: {  	s1 =	srdreg.scid  }
0x8b: {  	s0 =	sand.u32 $0x1, s1  }
0x8c: {  	s16 =	sshll.u32 s0, $0xA;
	s2 =	sadd.s32 s3, s2  }
0x8d: {  	s2 =	sadd.s32 s2, s16  }
0x8e: {  	[smem:$0x3FBB] =	sst s2  }
0x8f: {  	_ = 	snop  }
0x90: {  	(tm) =	ssettm $0x1  }
0x91: {  	s17 =	sld [smem:$0x3FFB];
	_ =	sdelay $0x3  }
0x92: {  	_ =	strace s17  }
0x93: {  	s2 =	sld [smem:$0x3FFC];
	_ =	sdelay $0x3  }
0x94: {  	_ =	strace s2  }
0x95: {  	s2 =	sld [smem:$0x3FFD];
	_ =	sdelay $0x3  }
0x96: {  	_ =	strace s2  }
0x97: {  	_ =	strace $0x8FFFFFFF  }
0x98: {  	s18 =	sld [smem:$0x3FDB];
	_ =	sdelay $0x1  }
0x99: {  	s19 =	simm.s32 $_scs_section_size  }
0x9a: {  	s4 =	simm.s32 $_size__tile_overlayer_lowered;
	s5 =	simm.s32 $_tile_overlayer_lowered  }
0x9b: {  	s22 =	simm.s32 $0x1BFF;
	s21 =	sshll.u32 s5, $0x1;
	s2 =	sadd.s32 s19, s18  }
0x9c: {  	s6 =	simm.s32 $0x0;
	s20 =	sshll.u32 s4, $0x1;
	s4 =	sadd.s32 s21, s2  }
0x9d: {  	[timem:s6], [sflag:s22] =	dma.local [hbm:s4], s20  }
0x9e: {  	_ =	swait.ge [sflag:s22], s20  }
0x9f: {  	s3 =	ssub.s32 $0x0, s20;
	[sflag:s22] =	ssyncset.done $0x0  }
0xa0: {  	[sflag:s22] =	ssyncadd.s32 s3;
	_ =	sdelay $0x1  }
0xa1: {  	s23 =	simm.s32 $0x1B8B  }
0xa2: {  	_ =	swait.ge [sflag:s23], $0x1  }
0xa3: {  	[sflag:s23] =	ssyncset.done $0x0  }
0xa4: {  	s25 =	simm.s32 $0x1B8E;
	s24 =	sld [smem:$0x3FFE];
	[sflag:s23] =	ssyncadd.s32 $0xFFFFFFFF  }
0xa5: {  	s26 =	simm.s32 $execute0_lowered;
	[smem:$0x3FD2] =	sst s25  }
0xa6: {  	s4 =	sshll.u32 s26, $0x1;
	_ =	strace $0x8000004F;
	[dreg:$0x1] =	wrdreg $0xFFFFFFFF  }
0xa7: {  	s28 =	simm.s32 $_size_execute0_lowered;
	s2 =	sadd.s32 s2, s4;
	[dreg:$0x0] =	wrdreg $0x0  }
0xa8: {  	s4 =	sshll.u32 s28, $0x1;
	[dreg:$0x2] =	wrdreg s2  }
0xa9: {  	[dreg:$0x3] =	wrdreg s4  }
0xaa: {  	[dreg:$0x4] =	wrdreg $0xC0  }
0xab: {  	_ =	task [dreg:s6], $0x5FFFF  }
0xac: {  	[dreg:$0x1] =	wrdreg $0xFFFFFFFF  }
0xad: {  	[dreg:$0x0] =	wrdreg $0x60  }
0xae: {  	[dreg:$0x2] =	wrdreg s24  }
0xaf: {  	[dreg:$0x3] =	wrdreg $0x94000  }
0xb0: {  	[dreg:$0x4] =	wrdreg $0x96000  }
0xb1: {  	[dreg:$0x5] =	wrdreg $0x9  }
0xb2: {  	_ =	task.clear_ibuf [dreg:s6], $0x6FFFF;
	_ =	strace $0x9000004F  }
0xb3: {  	s29 =	simm.s32 $0x9;
	_ =	strace $0x80000051  }
0xb4: {  	_ =	swait.ge [sflag:s29], $0x1  }
0xb5: {  	[sflag:s29] =	ssyncadd.s32 $0xFFFFFFFF  }
0xb6: {  	_ =	strace $0x90000051  }
0xb7: {  	_ =	sfence  }
0xb8: {  	s30 =	sld [smem:$0x0];
	_ =	sdelay $0x2  }
0xb9: {  	s31 =	sshll.u32 s1, $0xD;
	s1 =	sshrl.u32 s1, $0x2  }
0xba: {  	s3 =	sand.u32 $0x4000, s31;
	s1 =	sadd.s32 s1, s30  }
0xbb: {  	s0 =	sor.u32 s3, s0;
	s1 =	sshll.u32 s1, $0x11  }
0xbc: {  	s0 =	sor.u32 s1, s0  }
0xbd: {  	s0 =	sadd.s32 $0x8F2B, s0  }
0xbe: {  	[sflag:s0] =	ssyncadd.remote.s32 $0x1  }
0xbf: {  	_ =	sfence.sel $0xFFFF  }
0xc0: {  	[dreg:$0x0] =	wrdreg $0xFFFFFFFF;
	(pc) =	sbr.abs _section_cstart, $3  }
0xc1: {  	[dreg:$0x1] =	wrdreg $0xFFFFFFFF  }
0xc2: {  	_ =	task.clear_ibuf [dreg:s6], $0x2FFFF;
	_ =	strace $0x9FFFFFFF  }
0xc3: {  	(tm) =	ssettm $0x7FFFFFFF  }
tec
execute0_lowered:
.L_overlay_start_1:
0x0: {  	(tag) =	ssettag $0x1  }
0x1: {  	s4 =	rddreg [dreg:$0x0]  }
0x2: {  	s0 =	srdreg.scid;
	s1 =	rddreg [dreg:$0x1]  }
0x3: {  	s13 =	stileid.u32;
	s2 =	rddreg [dreg:$0x2];
	s3 =	simm.s32 $0x0  }
0x4: {  	s14 =	simm.s32 $0x2;
	s15 =	simm.s32 $0x7400;
	s17 =	simm.s32 $0x1  }
0x5: {  	s18 =	simm.s32 $0x50;
	s19 =	simm.s32 $0x2C00;
	s20 =	simm.s32 $0x80  }
0x6: {  	s21 =	simm.s32 $0x100;
	s22 =	simm.s32 $0x180;
	s23 =	simm.s32 $0x200  }
0x7: {  	s24 =	simm.s32 $0x0;
	s5 =	sand.u32 $0x1, s0;
	s0 =	rddreg [dreg:$0x3]  }
0x8: {  	s29 =	sshll.u32 s13, $0x1;
	[smem:$0x7FF] =	sst s3;
	p0 =	sne.s32 s13, $0x0  }
0x9: {  	s13 =	simm.s32 $0x5400;
	s16 =	sor.u32 s5, s29;
	_ =	strace $0x80000050  }
0xa: {  	s7 =	sshll.u32 s5, $0xA;
	s5 =	ssub.s32 $0x2, s5;
	s6 =	smul.u32 $0x1900, s16  }
0xb: {  	s30 =	sshll.u32 s16, $0x7;
	s7 =	sadd.s32 s7, s4;
	s31 =	sshrl.u32 s5, $0x1  }
.Ltmp0:
0xc: {  	p1 =	sgt.u32 s16, $0x18;
	s16 =	simm.s32 $0x400;
	(pc) =	sbr.rel .LBB2_1-.Ltmp0, $4  }
0xd: {  	s8 =	ssub.s32 s5, s31;
	s12 =	sadd.s32 s6, s4;
	s6 =	sadd.s32 s30, s4  }
0xe: {  	s5 =	sadd.s32 $0x2BE00, s7;
	s4 =	sadd.s32 $0xE4200, s6;
	s6 =	sadd.s32 $0x2C600, s7  }
0xf: {  	s7 =	smax.u32 s8, $0x1;
	s8 =	sadd.s32 $0x3E00, s12;
	s9 =	sadd.s32 $0x4300, s12  }
0x10: {  	v0 =	vimm.f32 $0.0e+00;
	v1 =	vimm.f32 $1.000000000e+00;
	s10 =	sadd.s32 $0x4800, s12;
	s11 =	sadd.s32 $0x4D00, s12;
	s12 =	sadd.s32 $0x5200, s12  }
.LBB2_10:
0x11: {  	[tilespmem:s26+$0x2C00] =	vst v1  }
0x12: {  	[tilespmem:s3], [sflag:$0x2] =	stream.linear.gather [hbm4b:s4+s3], $0x280, $0x38;
	[tilespmem:$0x9640] =	vst v63  }
0x13: {  	_ =	swait.ge [sflag:s14], $0x280  }
0x14: {  	[sflag:s14] =	ssyncset.done $0x0  }
0x15: {  	[sflag:s14] =	ssyncadd.s32 $0xFFFFFD80  }
0x16: {  	[tilespmem:s16], [sflag:$0x1] =	stream.linear.gather [hbm4b:s8+s3], $0x2800, $0x38;
	[tilespmem:$0x9640] =	vst v63  }
0x17: {  	_ =	swait.ge [sflag:s17], $0x2800  }
0x18: {  	[sflag:s17] =	ssyncset.done $0x0  }
0x19: {  	[sflag:s17] =	ssyncadd.s32 $0xFFFFD800  }
0x1a: {  	[spmem:s1] =	stream.indirect.scatter.add.f32 [tilespmem:s16], [sflag:$0x2], $0x80, s3, s18, $0xb8;
	[tilespmem:$0x9640] =	vst v63  }
0x1b: {  	_ =	swait.ge [sflag:s14], $0x2800  }
0x1c: {  	[sflag:s14] =	ssyncset.done $0x0  }
0x1d: {  	[sflag:s14] =	ssyncadd.s32 $0xFFFFD800  }
0x1e: {  	[spmem:s2] =	stream.indirect.scatter.add.f32 [tilespmem:s19], [sflag:$0x2], $0x10, s3, s18, $0xb8;
	[tilespmem:$0x9640] =	vst v63  }
0x1f: {  	_ =	swait.ge [sflag:s14], $0x500  }
0x20: {  	[sflag:s14] =	ssyncset.done $0x0  }
0x21: {  	[sflag:s14] =	ssyncadd.s32 $0xFFFFFB00  }
0x22: {  	[tilespmem:s16], [sflag:$0x1] =	stream.linear.gather [hbm4b:s9+s3], $0x2800, $0x38;
	[tilespmem:$0x9640] =	vst v63  }
0x23: {  	_ =	swait.ge [sflag:s17], $0x2800  }
0x24: {  	[sflag:s17] =	ssyncset.done $0x0  }
0x25: {  	[sflag:s17] =	ssyncadd.s32 $0xFFFFD800  }
0x26: {  	[spmem:s1] =	stream.indirect.scatter.add.f32 [tilespmem:s16], [sflag:$0x2], $0x80, s20, s18, $0xb8;
	[tilespmem:$0x9640] =	vst v63  }
0x27: {  	_ =	swait.ge [sflag:s14], $0x2800  }
0x28: {  	[sflag:s14] =	ssyncset.done $0x0  }
0x29: {  	[sflag:s14] =	ssyncadd.s32 $0xFFFFD800  }
0x2a: {  	[spmem:s2] =	stream.indirect.scatter.add.f32 [tilespmem:s19], [sflag:$0x2], $0x10, s20, s18, $0xb8;
	[tilespmem:$0x9640] =	vst v63  }
0x2b: {  	_ =	swait.ge [sflag:s14], $0x500  }
0x2c: {  	[sflag:s14] =	ssyncset.done $0x0  }
0x2d: {  	[sflag:s14] =	ssyncadd.s32 $0xFFFFFB00  }
0x2e: {  	[tilespmem:s16], [sflag:$0x1] =	stream.linear.gather [hbm4b:s10+s3], $0x2800, $0x38;
	[tilespmem:$0x9640] =	vst v63  }
0x2f: {  	_ =	swait.ge [sflag:s17], $0x2800  }
0x30: {  	[sflag:s17] =	ssyncset.done $0x0  }
0x31: {  	[sflag:s17] =	ssyncadd.s32 $0xFFFFD800  }
0x32: {  	[spmem:s1] =	stream.indirect.scatter.add.f32 [tilespmem:s16], [sflag:$0x2], $0x80, s21, s18, $0xb8;
	[tilespmem:$0x9640] =	vst v63  }
0x33: {  	_ =	swait.ge [sflag:s14], $0x2800  }
0x34: {  	[sflag:s14] =	ssyncset.done $0x0  }
0x35: {  	[sflag:s14] =	ssyncadd.s32 $0xFFFFD800  }
0x36: {  	[spmem:s2] =	stream.indirect.scatter.add.f32 [tilespmem:s19], [sflag:$0x2], $0x10, s21, s18, $0xb8;
	[tilespmem:$0x9640] =	vst v63  }
0x37: {  	_ =	swait.ge [sflag:s14], $0x500  }
0x38: {  	[sflag:s14] =	ssyncset.done $0x0  }
0x39: {  	[sflag:s14] =	ssyncadd.s32 $0xFFFFFB00  }
0x3a: {  	[tilespmem:s16], [sflag:$0x1] =	stream.linear.gather [hbm4b:s11+s3], $0x2800, $0x38;
	[tilespmem:$0x9640] =	vst v63  }
0x3b: {  	_ =	swait.ge [sflag:s17], $0x2800  }
0x3c: {  	[sflag:s17] =	ssyncset.done $0x0  }
0x3d: {  	[sflag:s17] =	ssyncadd.s32 $0xFFFFD800  }
0x3e: {  	[spmem:s1] =	stream.indirect.scatter.add.f32 [tilespmem:s16], [sflag:$0x2], $0x80, s22, s18, $0xb8;
	[tilespmem:$0x9640] =	vst v63  }
0x3f: {  	_ =	swait.ge [sflag:s14], $0x2800  }
0x40: {  	[sflag:s14] =	ssyncset.done $0x0  }
0x41: {  	[sflag:s14] =	ssyncadd.s32 $0xFFFFD800  }
0x42: {  	[spmem:s2] =	stream.indirect.scatter.add.f32 [tilespmem:s19], [sflag:$0x2], $0x10, s22, s18, $0xb8;
	[tilespmem:$0x9640] =	vst v63  }
0x43: {  	_ =	swait.ge [sflag:s14], $0x500  }
0x44: {  	[sflag:s14] =	ssyncset.done $0x0  }
0x45: {  	[sflag:s14] =	ssyncadd.s32 $0xFFFFFB00  }
0x46: {  	[tilespmem:s16], [sflag:$0x1] =	stream.linear.gather [hbm4b:s12+s3], $0x2800, $0x38;
	[tilespmem:$0x9640] =	vst v63  }
0x47: {  	_ =	swait.ge [sflag:s17], $0x2800  }
0x48: {  	[sflag:s17] =	ssyncset.done $0x0  }
0x49: {  	[sflag:s17] =	ssyncadd.s32 $0xFFFFD800  }
0x4a: {  	[spmem:s1] =	stream.indirect.scatter.add.f32 [tilespmem:s16], [sflag:$0x2], $0x80, s23, s18, $0xb8;
	[tilespmem:$0x9640] =	vst v63  }
0x4b: {  	_ =	swait.ge [sflag:s14], $0x2800  }
0x4c: {  	[sflag:s14] =	ssyncset.done $0x0  }
0x4d: {  	[sflag:s14] =	ssyncadd.s32 $0xFFFFD800  }
0x4e: {  	[spmem:s2] =	stream.indirect.scatter.add.f32 [tilespmem:s19], [sflag:$0x2], $0x10, s23, s18, $0xb8;
	[tilespmem:$0x9640] =	vst v63  }
0x4f: {  	_ =	swait.ge [sflag:s14], $0x500  }
0x50: {  	[sflag:s14] =	ssyncset.done $0x0  }
0x51: {  	[sflag:s14] =	ssyncadd.s32 $0xFFFFFB00  }
.LBB2_11:
0x52: {  	[bflag:$0x0] =	sbarrier.arrive $0xFFFF;
	s25 =	sshrl.u32 @!p0 s1, $0x3;
	s26 =	simm.s32 @!p0 $0x1C02  }
0x53: {  	[hbm:s5], [sflag:s26] =	dma.local @!p0 [spmem:s25], $0x400  }
0x54: {  	s25 =	simm.s32 @!p0 $0x2  }
0x55: {  	s24 =	sadd.s32 $0x1, s24;
	_ =	swait.ge @!p0 [sflag:s25], $0x400  }
0x56: {  	p2 =	sne.s32 s24, s7;
	[sflag:s25] =	ssyncset.done @!p0 $0x0  }
.Ltmp1:
0x57: {  	s28 =	sshrl.u32 @!p0 s2, $0x3;
	[sflag:s25] =	ssyncadd.s32 @!p0 $0xFFFFFC00;
	(pc) =	sbr.rel @!p2 .LBB2_12-.Ltmp1, $4  }
0x58: {  	[hbm:s6], [sflag:s26] =	dma.local @!p0 [spmem:s28], $0x400  }
0x59: {  	_ =	swait.ge @!p0 [sflag:s25], $0x400  }
0x5a: {  	[sflag:s25] =	ssyncset.done @!p0 $0x0  }
0x5b: {  	[sflag:s25] =	ssyncadd.s32 @!p0 $0xFFFFFC00  }
.LBB2_1:
.Ltmp2:
0x5c: {  	(pc) =	sbr.rel @p0 .LBB2_7-.Ltmp2, $1  }
0x5d: {  	_ =	sdelay $0x3  }
0x5e: {  	s25 =	sshra.s32 s3, $0x2;
	s26 =	sadd.s32 $0x200, s3  }
.LBB2_3:
0x5f: {  	p2 =	sne.s32 s26, $0x7E00;
	[tilespmem:s25+$0x5470] =	vst v0  }
0x60: {  	[tilespmem:s25+$0x5400] =	vst v0  }
0x61: {  	[tilespmem:s25+$0x5410] =	vst v0  }
.Ltmp3:
0x62: {  	[tilespmem:s25+$0x5420] =	vst v0;
	(pc) =	sbr.rel @p2 .LBB2_3-.Ltmp3, $4  }
0x63: {  	[tilespmem:s25+$0x5430] =	vst v0  }
0x64: {  	[tilespmem:s25+$0x5440] =	vst v0  }
0x65: {  	[tilespmem:s25+$0x5450] =	vst v0  }
0x66: {  	[tilespmem:s25+$0x5460] =	vst v0;
	s25 =	sshra.s32 s26, $0x2;
	s26 =	sadd.s32 $0x200, s26  }
0x67: {  	[tilespmem:s25+$0x5470] =	vst v0  }
0x68: {  	[tilespmem:s25+$0x5400] =	vst v0  }
0x69: {  	[tilespmem:s25+$0x5410] =	vst v0  }
0x6a: {  	[tilespmem:s25+$0x5420] =	vst v0  }
0x6b: {  	[tilespmem:s25+$0x5430] =	vst v0  }
0x6c: {  	[tilespmem:s25+$0x5440] =	vst v0  }
0x6d: {  	[tilespmem:s25+$0x5450] =	vst v0  }
0x6e: {  	[tilespmem:s25+$0x5460] =	vst v0;
	s25 =	simm.s32 $0x200;
	s26 =	simm.s32 $0x0  }
.LBB2_5:
0x6f: {  	p2 =	sne.s32 s25, $0x7E00;
	[tilespmem:s26+$0x7400] =	vst v0;
	s26 =	smov.u32 s25;
	s25 =	sadd.s32 $0x200, s25  }
.Ltmp4:
0x70: {  	(pc) =	sbr.rel @p2 .LBB2_5-.Ltmp4, $2  }
0x71: {  	_ =	sdelay $0x2  }
0x72: {  	s26 =	sshra.s32 s26, $0x2  }
0x73: {  	[tilespmem:s26+$0x7400] =	vst v0  }
0x74: {  	[spmem:s1] =	stream.linear.scatter [tilespmem:s13], [sflag:$0x2], $0x2000, $0x38;
	[tilespmem:$0x9640] =	vst v63  }
0x75: {  	_ =	swait.ge [sflag:s14], $0x2000  }
0x76: {  	[sflag:s14] =	ssyncset.done $0x0  }
0x77: {  	[sflag:s14] =	ssyncadd.s32 $0xFFFFE000  }
0x78: {  	[spmem:s2] =	stream.linear.scatter [tilespmem:s15], [sflag:$0x2], $0x2000, $0x38;
	[tilespmem:$0x9640] =	vst v63  }
0x79: {  	_ =	swait.ge [sflag:s14], $0x2000  }
0x7a: {  	[sflag:s14] =	ssyncset.done $0x0  }
0x7b: {  	[sflag:s14] =	ssyncadd.s32 $0xFFFFE000  }
.LBB2_7:
.Ltmp5:
0x7c: {  	(pc) =	sbr.rel @p1 .LBB2_11-.Ltmp5, $2  }
0x7d: {  	_ =	sdelay $0x1  }
0x7e: {  	[bflag:$0x0] =	sbarrier.arrive $0xFFFF;
	_ =	sdelay $0x1  }
0x7f: {  	s25 =	simm.s32 $0x200;
	s26 =	simm.s32 $0x0  }
.LBB2_9:
0x80: {  	p2 =	sne.s32 s25, $0x9E00;
	[tilespmem:s26+$0x2C00] =	vst v1;
	s26 =	smov.u32 s25;
	s25 =	sadd.s32 $0x200, s25  }
.Ltmp6:
0x81: {  	(pc) =	sbr.rel @p2 .LBB2_9-.Ltmp6, $2  }
0x82: {  	_ =	sdelay $0x2  }
0x83: {  	s26 =	sshra.s32 s26, $0x2  }
.Ltmp7:
0x84: {  	_ = 	snop;
	(pc) =	sbr.rel .LBB2_10-.Ltmp7, $1  }
0x85: {  	_ =	sdelay $0x3  }
.LBB2_12:
0x86: {  	_ =	sfence.sel $0x180000  }
0x87: {  	[bflag:$0x0] =	sbarrier.arrive $0xFFFF  }
0x88: {  	_ =	strace $0x90000050  }
0x89: {  	s0 =	sadd.s32 @!p0 $0x100000, s0;
	[bflag:$0x2] =	sbarrier.arrive $0xFFFF  }
0x8a: {  	[sflag:s0] =	ssyncadd.tile.s32 @!p0 $0x1;
	_ =	shalt  }
.Lfunc_end2:
_tile_overlayer_lowered:
.L_overlay_start_2:
0x8b: {  	(tag) =	ssettag $0x2  }
0x8c: {  	s0 =	rddreg [dreg:$0x0];
	s2 =	stileid.u32  }
0x8d: {  	s1 =	rddreg [dreg:$0x1];
	p0 =	sne.s32 s2, $0x0  }
0x8e: {  	s3 =	rddreg [dreg:$0x2];
	[bflag:$0x3] =	sbarrier.arrive $0xFFFF;
	s2 =	simm.s32 @!p0 $0x1C02  }
0x8f: {  	[timem:s3], [sflag:s2] =	dma.local @!p0 [hbm:s0], s1  }
0x90: {  	s0 =	simm.s32 @!p0 $0x2  }
0x91: {  	_ =	swait.ge @!p0 [sflag:s0], s1  }
0x92: {  	s1 =	ssub.s32 @!p0 $0x0, s1;
	[sflag:s0] =	ssyncset.done @!p0 $0x0  }
0x93: {  	[sflag:s0] =	ssyncadd.s32 @!p0 s1  }
0x94: {  	[bflag:$0x3] =	sbarrier.arrive $0xFFFF  }
0x95: {  	_ =	shalt  }

// kernel: kernel.9.cloned.1.call-start
scs
__scs_entry_jumppad:
0x0: {  	(pc) =	sbr.rel $0x88, $3  }
0x1: {  	(tag) =	ssettag $0x0;
	lr =	simm.s32 $0x1  }
0x2: {  	[smem:$0x3F94] =	sst lr;
	_ =	strace $0xD0000000  }
0x3: {  	_ = 	snop  }
0x4: {  	_ = 	snop  }
0x5: {  	_ = 	snop  }
0x6: {  	_ = 	snop  }
0x7: {  	_ = 	snop  }
__scs_overlays_trampoline_lowered:
0x8: {  	[smem:$0x3FA3] =	sst s0  }
0x9: {  	[smem:$0x3FA4] =	sst s1  }
0xa: {  	[smem:$0x3FA5] =	sst s2  }
0xb: {  	[smem:$0x3FA6] =	sst s3  }
0xc: {  	[smem:$0x3FA7] =	sst s4  }
0xd: {  	[smem:$0x3FA8] =	sst s5  }
0xe: {  	[smem:$0x3FA9] =	sst s6  }
0xf: {  	[smem:$0x3FAA] =	sst s7  }
0x10: {  	[smem:$0x3FAB] =	sst s8  }
0x11: {  	[smem:$0x3FAC] =	sst s9;
	s0 =	simm.s32 @!p0 $0x0  }
0x12: {  	s1 =	sld [smem:$0x3F92];
	s0 =	simm.s32 @p0 $0x1  }
0x13: {  	[smem:$0x3FAD] =	sst s0;
	s0 =	simm.s32 @!p1 $0x0  }
0x14: {  	s2 =	sld [smem:$0x3F91];
	s0 =	simm.s32 @p1 $0x1  }
0x15: {  	[smem:$0x3FAE] =	sst s0;
	s0 =	simm.s32 @!p2 $0x0  }
0x16: {  	s3 =	sld [smem:$0x3FDB];
	s0 =	simm.s32 @p2 $0x1  }
0x17: {  	s4 =	simm.s32 $0x1BF5;
	[smem:$0x3FB0] =	sst s0  }
0x18: {  	s0 =	sld [smem:$0x3F93];
	_ =	swait.ge [sflag:s4], $0x0  }
0x19: {  	s7 =	sld [smem:$0x3F94]  }
0x1a: {  	s8 =	sadd.s32 $0xFFFFE003, lr  }
0x1b: {  	s9 =	sadd.s32 $0xFFFFFEF7, lr;
	s5 =	simm.s32 $0xFFFFFFFF;
	p2 =	slt.u32 s8, $0xFFFFF086  }
0x1c: {  	p1 =	slt.u32 s9, $0xF7A;
	s5 =	simm.s32 @!p2 $0x0  }
0x1d: {  	s5 =	simm.s32 @p1 $0x1;
	p0 =	seq.s32 s7, s2  }
0x1e: {  	s7 =	smul.u32 @!p0 $0xF7A, s2;
	p2 =	seq.s32 @!p0 s5, $0x0  }
0x1f: {  	s9 =	smul.u32 $0xF7A, s1;
	s8 =	simm.s32 @!p0 $0x1BF5;
	p2 =	por !p2, p0  }
0x20: {  	[sflag:s8] =	ssyncset.s32 @!p0 $0xFFFFF086;
	s6 =	sadd.s32 @!p0 s3, s7;
	s7 =	simm.s32 @!p0 $0x108  }
0x21: {  	s3 =	sadd.s32 s3, s9;
	s6 =	sadd.s32 @!p0 $0x88, s6;
	s7 =	simm.s32 @p2 $0x1082  }
0x22: {  	[simem:s7], [sflag:s8] =	dma.local @!p0 [hbm:s6], $0xF7A  }
0x23: {  	s9 =	sor.u32 $0xD0000000, s2;
	s6 =	simm.s32 $0x108;
	_ =	swait.ge @!p0 [sflag:s8], $0x0  }
0x24: {  	s3 =	sadd.s32 $0x88, s3;
	s6 =	simm.s32 @!p1 $0x1082;
	[sflag:s4] =	ssyncset.s32 $0xFFFFF086  }
0x25: {  	[simem:s6], [sflag:s4] =	dma.local [hbm:s3], $0xF7A  }
0x26: {  	[smem:$0x3F94] =	sst s1;
	(tag) =	ssettag s2;
	_ =	strace s9  }
0x27: {  	s1 =	sld [smem:$0x3FA4]  }
0x28: {  	s2 =	sld [smem:$0x3FA5]  }
0x29: {  	s4 =	sld [smem:$0x3FA7]  }
0x2a: {  	p0 =	seq.s32 s5, $0x0;
	s5 =	sld [smem:$0x3FA8]  }
0x2b: {  	s6 =	sld [smem:$0x3FA9]  }
0x2c: {  	s7 =	sld [smem:$0x3FAA]  }
0x2d: {  	s3 =	simm.s32 $0x108;
	s8 =	sld [smem:$0x3FAB]  }
0x2e: {  	s3 =	simm.s32 @!p0 $0x1082;
	s9 =	sld [smem:$0x3FAC]  }
0x2f: {  	lr =	sadd.s32 s0, s3;
	s0 =	sld [smem:$0x3FA3]  }
0x30: {  	s3 =	sld [smem:$0x3FA6]  }
0x31: {  	[smem:$0x3FAF] =	sst s10  }
0x32: {  	s10 =	sld [smem:$0x3FAD];
	_ =	sdelay $0x3  }
0x33: {  	p0 =	seq.s32 s10, $0x1;
	s10 =	sld [smem:$0x3FAF];
	_ =	sdelay $0x3  }
0x34: {  	[smem:$0x3FAF] =	sst s10  }
0x35: {  	s10 =	sld [smem:$0x3FAE];
	_ =	sdelay $0x3  }
0x36: {  	p1 =	seq.s32 s10, $0x1;
	s10 =	sld [smem:$0x3FAF];
	_ =	sdelay $0x3  }
0x37: {  	[smem:$0x3FAF] =	sst s10  }
0x38: {  	s10 =	sld [smem:$0x3FB0]  }
0x39: {  	_ = 	snop;
	(pc) =	sbr.ind lr, $3  }
0x3a: {  	_ = 	snop  }
0x3b: {  	_ = 	snop  }
0x3c: {  	p2 =	seq.s32 s10, $0x1;
	s10 =	sld [smem:$0x3FAF]  }
0x3d: {  	_ =	shalt  }
0x3e: {  	_ =	shalt  }
0x3f: {  	_ =	shalt  }
0x40: {  	_ =	shalt  }
0x41: {  	_ =	shalt  }
0x42: {  	_ =	shalt  }
0x43: {  	_ =	shalt  }
0x44: {  	_ =	shalt  }
0x45: {  	_ =	shalt  }
0x46: {  	_ =	shalt  }
0x47: {  	_ =	shalt  }
0x48: {  	_ =	shalt  }
0x49: {  	_ =	shalt  }
0x4a: {  	_ =	shalt  }
0x4b: {  	_ =	shalt  }
0x4c: {  	_ =	shalt  }
0x4d: {  	_ =	shalt  }
0x4e: {  	_ =	shalt  }
0x4f: {  	_ =	shalt  }
0x50: {  	_ =	shalt  }
0x51: {  	_ =	shalt  }
0x52: {  	_ =	shalt  }
0x53: {  	_ =	shalt  }
0x54: {  	_ =	shalt  }
0x55: {  	_ =	shalt  }
0x56: {  	_ =	shalt  }
0x57: {  	_ =	shalt  }
0x58: {  	_ =	shalt  }
0x59: {  	_ =	shalt  }
0x5a: {  	_ =	shalt  }
0x5b: {  	_ =	shalt  }
0x5c: {  	_ =	shalt  }
0x5d: {  	_ =	shalt  }
0x5e: {  	_ =	shalt  }
0x5f: {  	_ =	shalt  }
0x60: {  	_ =	shalt  }
0x61: {  	_ =	shalt  }
0x62: {  	_ =	shalt  }
0x63: {  	_ =	shalt  }
0x64: {  	_ =	shalt  }
0x65: {  	_ =	shalt  }
0x66: {  	_ =	shalt  }
0x67: {  	_ =	shalt  }
0x68: {  	_ =	shalt  }
0x69: {  	_ =	shalt  }
0x6a: {  	_ =	shalt  }
0x6b: {  	_ =	shalt  }
0x6c: {  	_ =	shalt  }
0x6d: {  	_ =	shalt  }
0x6e: {  	_ =	shalt  }
0x6f: {  	_ =	shalt  }
0x70: {  	_ =	shalt  }
0x71: {  	_ =	shalt  }
0x72: {  	_ =	shalt  }
0x73: {  	_ =	shalt  }
0x74: {  	_ =	shalt  }
0x75: {  	_ =	shalt  }
0x76: {  	_ =	shalt  }
0x77: {  	_ =	shalt  }
0x78: {  	_ =	shalt  }
0x79: {  	_ =	shalt  }
0x7a: {  	_ =	shalt  }
0x7b: {  	_ =	shalt  }
0x7c: {  	_ =	shalt  }
0x7d: {  	_ =	shalt  }
0x7e: {  	_ =	shalt  }
0x7f: {  	_ =	shalt  }
0x80: {  	_ =	shalt  }
0x81: {  	_ =	shalt  }
0x82: {  	_ =	shalt  }
0x83: {  	_ =	shalt  }
0x84: {  	_ =	shalt  }
0x85: {  	_ =	shalt  }
0x86: {  	_ =	shalt  }
0x87: {  	_ =	shalt  }
.Lfunc_end0:
.L_simem_size_0:
called_computation_lowered:
.L_overlay_start_0:
0x88: {  	s2 =	sld [smem:$0x3FD9]  }
0x89: {  	s3 =	sld [smem:$0x3FFE];
	_ =	sdelay $0x1  }
0x8a: {  	s1 =	srdreg.scid  }
0x8b: {  	s0 =	sand.u32 $0x1, s1  }
0x8c: {  	s17 =	sshll.u32 s0, $0xA;
	s2 =	sadd.s32 s3, s2  }
0x8d: {  	s2 =	sadd.s32 s2, s17  }
0x8e: {  	[smem:$0x3FBB] =	sst s2  }
0x8f: {  	_ = 	snop  }
0x90: {  	(tm) =	ssettm $0x1  }
0x91: {  	s18 =	sld [smem:$0x3FFB];
	_ =	sdelay $0x3  }
0x92: {  	_ =	strace s18  }
0x93: {  	s2 =	sld [smem:$0x3FFC];
	_ =	sdelay $0x3  }
0x94: {  	_ =	strace s2  }
0x95: {  	s2 =	sld [smem:$0x3FFD];
	_ =	sdelay $0x3  }
0x96: {  	_ =	strace s2  }
0x97: {  	_ =	strace $0x8FFFFFFF  }
0x98: {  	s19 =	sld [smem:$0x3FDB];
	_ =	sdelay $0x1  }
0x99: {  	s20 =	simm.s32 $_scs_section_size  }
0x9a: {  	s4 =	simm.s32 $_size__tile_overlayer_lowered;
	s5 =	simm.s32 $_tile_overlayer_lowered  }
0x9b: {  	s6 =	simm.s32 $0x1BFF;
	s21 =	sshll.u32 s5, $0x1;
	s3 =	sadd.s32 s20, s19  }
0x9c: {  	s22 =	simm.s32 $0x0;
	s4 =	sshll.u32 s4, $0x1;
	s5 =	sadd.s32 s21, s3  }
0x9d: {  	[timem:s22], [sflag:s6] =	dma.local [hbm:s5], s4  }
0x9e: {  	_ =	swait.ge [sflag:s6], s4  }
0x9f: {  	s4 =	ssub.s32 $0x0, s4;
	[sflag:s6] =	ssyncset.done $0x0  }
0xa0: {  	[sflag:s6] =	ssyncadd.s32 s4;
	_ =	sdelay $0x1  }
0xa1: {  	s23 =	simm.s32 $0x1B8B  }
0xa2: {  	_ =	swait.ge [sflag:s23], $0x1  }
0xa3: {  	[sflag:s23] =	ssyncset.done $0x0  }
0xa4: {  	[sflag:s23] =	ssyncadd.s32 $0xFFFFFFFF  }
0xa5: {  	s4 =	sld [smem:$0x0]  }
0xa6: {  	s5 =	sand.u32 $0xFFFFFFFE, s1  }
0xa7: {  	p0 =	sne.s32 s1, s5  }
0xa8: {  	s5 =	sshll.u32 @p0 s5, $0xE  }
0xa9: {  	s5 =	sadd.s32 @p0 $0x11B8D, s5;
	s6 =	sshll.u32 @p0 s4, $0x11  }
0xaa: {  	s5 =	sor.u32 @p0 s6, s5  }
0xab: {  	[sflag:s5] =	ssyncadd.remote.s32 @p0 $0x1;
	_ =	sdelay $0x1  }
0xac: {  	s5 =	simm.s32 @p0 $0x1B8D  }
0xad: {  	_ =	swait.eq @p0 [sflag:s5], $0x1  }
0xae: {  	[sflag:s5] =	ssyncadd.s32 @p0 $0xFFFFFFFF  }
0xaf: {  	s6 =	sshll.u32 @!p0 s1, $0xE  }
0xb0: {  	s6 =	sor.u32 @!p0 $0x4000, s6;
	s5 =	simm.s32 @!p0 $0x1B8D  }
0xb1: {  	s4 =	sshll.u32 @!p0 s4, $0x11;
	s6 =	sadd.s32 @!p0 $0x11B8D, s6;
	_ =	swait.eq @!p0 [sflag:s5], $0x1  }
0xb2: {  	s4 =	sor.u32 @!p0 s4, s6;
	[sflag:s5] =	ssyncadd.s32 @!p0 $0xFFFFFFFF  }
0xb3: {  	s25 =	simm.s32 $0x1B8E;
	s24 =	sld [smem:$0x3FFE];
	[sflag:s4] =	ssyncadd.remote.s32 @!p0 $0x1  }
0xb4: {  	s26 =	simm.s32 $execute0_lowered;
	[smem:$0x3FD2] =	sst s25  }
0xb5: {  	s5 =	sshll.u32 s26, $0x1;
	_ =	strace $0x80000049;
	[dreg:$0x1] =	wrdreg $0xFFFFFFFF  }
0xb6: {  	s28 =	simm.s32 $_size_execute0_lowered;
	s3 =	sadd.s32 s3, s5;
	[dreg:$0x0] =	wrdreg $0x0  }
0xb7: {  	s5 =	sshll.u32 s28, $0x1;
	[dreg:$0x2] =	wrdreg s3  }
0xb8: {  	[dreg:$0x3] =	wrdreg s5  }
0xb9: {  	[dreg:$0x4] =	wrdreg $0xC0  }
0xba: {  	_ =	task [dreg:s22], $0x5FFFF  }
0xbb: {  	[dreg:$0x1] =	wrdreg $0xFFFFFFFF  }
0xbc: {  	[dreg:$0x0] =	wrdreg $0x60  }
0xbd: {  	[dreg:$0x2] =	wrdreg s24  }
0xbe: {  	[dreg:$0x3] =	wrdreg $0x70800  }
0xbf: {  	[dreg:$0x4] =	wrdreg $0x9  }
0xc0: {  	_ =	task.clear_ibuf [dreg:s22], $0x5FFFF;
	_ =	strace $0x90000049  }
0xc1: {  	s29 =	simm.s32 $0x9;
	_ =	strace $0x8000004B  }
0xc2: {  	_ =	swait.ge [sflag:s29], $0x1  }
0xc3: {  	[sflag:s29] =	ssyncadd.s32 $0xFFFFFFFF  }
0xc4: {  	_ =	strace $0x9000004B  }
0xc5: {  	_ =	sfence  }
0xc6: {  	s30 =	sld [smem:$0x0];
	_ =	sdelay $0x2  }
0xc7: {  	s31 =	sshll.u32 s1, $0xD;
	s1 =	sshrl.u32 s1, $0x2  }
0xc8: {  	s4 =	sand.u32 $0x4000, s31;
	s1 =	sadd.s32 s1, s30  }
0xc9: {  	s0 =	sor.u32 s4, s0;
	s1 =	sshll.u32 s1, $0x11  }
0xca: {  	s0 =	sor.u32 s1, s0  }
0xcb: {  	s0 =	sadd.s32 $0x8F2B, s0  }
0xcc: {  	[sflag:s0] =	ssyncadd.remote.s32 $0x1  }
0xcd: {  	_ =	sfence.sel $0xFFFF  }
0xce: {  	[dreg:$0x0] =	wrdreg $0xFFFFFFFF;
	(pc) =	sbr.abs _section_cstart, $3  }
0xcf: {  	[dreg:$0x1] =	wrdreg $0xFFFFFFFF  }
0xd0: {  	_ =	task.clear_ibuf [dreg:s22], $0x2FFFF;
	_ =	strace $0x9FFFFFFF  }
0xd1: {  	(tm) =	ssettm $0x7FFFFFFF  }
tec
execute0_lowered:
.L_overlay_start_1:
0x0: {  	(tag) =	ssettag $0x1  }
0x1: {  	s0 =	srdreg.scid  }
0x2: {  	s4 =	rddreg [dreg:$0x0];
	s3 =	simm.s32 $0x0;
	s14 =	simm.s32 $0x1  }
0x3: {  	s16 =	simm.s32 $0x800;
	s18 =	simm.s32 $0x1000;
	s20 =	simm.s32 $0x1800  }
0x4: {  	s22 =	simm.s32 $0x2000;
	s23 =	simm.s32 $0x2800;
	s1 =	sand.u32 $0x1, s0  }
0x5: {  	s24 =	simm.s32 $0x80;
	s0 =	stileid.u32;
	s7 =	smul.u32 $0x140000, s1  }
0x6: {  	s28 =	simm.s32 $0x0;
	[smem:$0x7FF] =	sst s3;
	s9 =	smul.u32 $0x14000, s0  }
0x7: {  	s2 =	sshll.u32 s1, $0x4;
	s8 =	sshll.u32 s0, $0x4;
	s10 =	smul.u32 $0x50000, s0  }
0x8: {  	s1 =	ssub.s32 $0x2, s1;
	s6 =	sor.u32 s0, s2;
	s2 =	rddreg [dreg:$0x1]  }
0x9: {  	_ =	strace $0x8000004A;
	s8 =	sand.u32 $0x70, s8;
	s29 =	sshrl.u32 s1, $0x1  }
0xa: {  	s5 =	smul.u32 $0x600, s6;
	s12 =	sadd.s32 s8, s4;
	s25 =	sadd.s32 s9, s7  }
0xb: {  	s26 =	sshrl.u32 s10, $0x2;
	s1 =	ssub.s32 s1, s29;
	s30 =	sshll.u32 s6, $0x4  }
0xc: {  	s31 =	sand.u32 $0x180, s30;
	s11 =	sadd.s32 s5, s4;
	s5 =	sshrl.u32 s25, $0x3  }
0xd: {  	s10 =	sadd.s32 s31, s12;
	s12 =	smax.u32 s1, $0x1;
	s25 =	simm.s32 $0x3000  }
0xe: {  	s13 =	sadd.s32 s5, s4;
	s4 =	sadd.s32 s26, s2;
	s9 =	sadd.s32 $0x4200, s11  }
0xf: {  	s10 =	sadd.s32 $0x3E00, s10;
	s26 =	simm.s32 $0x10;
	s5 =	sadd.s32 $0x4000, s4  }
0x10: {  	s6 =	sadd.s32 $0x8000, s4;
	s7 =	sadd.s32 $0xC000, s4;
	s8 =	sadd.s32 $0x10000, s4  }
0x11: {  	s11 =	sadd.s32 $0x94200, s13;
	s13 =	simm.s32 $0x3080;
	s15 =	sadd.s32 $0x100, s9  }
0x12: {  	v0 =	vimm.f32 $0.0e+00;
	v1 =	vimm.f32 $1.000000000e+00;
	s17 =	sadd.s32 $0x200, s9;
	s19 =	sadd.s32 $0x300, s9;
	s21 =	sadd.s32 $0x400, s9  }
.LBB2_1:
0x13: {  	s29 =	simm.s32 $0x200;
	s1 =	simm.s32 $0x0  }
.LBB2_2:
0x14: {  	p0 =	sne.s32 s29, $0xFE00;
	[tilespmem:s1+$0x3080] =	vst v0;
	s1 =	smov.u32 s29;
	s29 =	sadd.s32 $0x200, s29  }
.Ltmp0:
0x15: {  	(pc) =	sbr.rel @p0 .LBB2_2-.Ltmp0, $2  }
0x16: {  	_ =	sdelay $0x2  }
0x17: {  	s1 =	sshra.s32 s1, $0x2  }
0x18: {  	[tilespmem:s1+$0x3080] =	vst v0  }
0x19: {  	[spmem:s4] =	stream.linear.scatter [tilespmem:s13], [sflag:$0x1], $0x4000, $0x38;
	[tilespmem:$0x9880] =	vst v63  }
0x1a: {  	_ =	swait.ge [sflag:s14], $0x4000  }
0x1b: {  	[sflag:s14] =	ssyncset.done $0x0  }
0x1c: {  	[sflag:s14] =	ssyncadd.s32 $0xFFFFC000  }
0x1d: {  	[spmem:s5] =	stream.linear.scatter [tilespmem:s13], [sflag:$0x1], $0x4000, $0x38;
	[tilespmem:$0x9880] =	vst v63  }
0x1e: {  	_ =	swait.ge [sflag:s14], $0x4000  }
0x1f: {  	[sflag:s14] =	ssyncset.done $0x0  }
0x20: {  	[sflag:s14] =	ssyncadd.s32 $0xFFFFC000  }
0x21: {  	[spmem:s6] =	stream.linear.scatter [tilespmem:s13], [sflag:$0x1], $0x4000, $0x38;
	[tilespmem:$0x9880] =	vst v63  }
0x22: {  	_ =	swait.ge [sflag:s14], $0x4000  }
0x23: {  	[sflag:s14] =	ssyncset.done $0x0  }
0x24: {  	[sflag:s14] =	ssyncadd.s32 $0xFFFFC000  }
0x25: {  	[spmem:s7] =	stream.linear.scatter [tilespmem:s13], [sflag:$0x1], $0x4000, $0x38;
	[tilespmem:$0x9880] =	vst v63  }
0x26: {  	_ =	swait.ge [sflag:s14], $0x4000  }
0x27: {  	[sflag:s14] =	ssyncset.done $0x0  }
0x28: {  	[sflag:s14] =	ssyncadd.s32 $0xFFFFC000  }
0x29: {  	[spmem:s8] =	stream.linear.scatter [tilespmem:s13], [sflag:$0x1], $0x4000, $0x38;
	[tilespmem:$0x9880] =	vst v63  }
0x2a: {  	_ =	swait.ge [sflag:s14], $0x4000  }
0x2b: {  	[sflag:s14] =	ssyncset.done $0x0  }
0x2c: {  	s29 =	simm.s32 $0x200;
	s1 =	simm.s32 $0x0;
	[sflag:s14] =	ssyncadd.s32 $0xFFFFC000  }
.LBB2_4:
0x2d: {  	p0 =	sne.s32 s29, $0xFE00;
	[tilespmem:s1+$0x3080] =	vst v1;
	s1 =	smov.u32 s29;
	s29 =	sadd.s32 $0x200, s29  }
.Ltmp1:
0x2e: {  	(pc) =	sbr.rel @p0 .LBB2_4-.Ltmp1, $2  }
0x2f: {  	_ =	sdelay $0x2  }
0x30: {  	s1 =	sshra.s32 s1, $0x2  }
0x31: {  	[tilespmem:s1+$0x3080] =	vst v1;
	s31 =	simm.s32 $0x0  }
0x32: {  	[tilespmem:s31], [sflag:$0x1] =	stream.linear.gather [hbm4b:s9+s31], $0x680, $0x38;
	[tilespmem:$0x9880] =	vst v63  }
0x33: {  	_ = 	snop  }
0x34: {  	[tilespmem:s16], [sflag:$0x1] =	stream.linear.gather [hbm4b:s15+s31], $0x680, $0x38;
	[tilespmem:$0x9880] =	vst v63  }
0x35: {  	_ = 	snop  }
0x36: {  	[tilespmem:s18], [sflag:$0x1] =	stream.linear.gather [hbm4b:s17+s31], $0x680, $0x38;
	[tilespmem:$0x9880] =	vst v63  }
0x37: {  	_ = 	snop  }
0x38: {  	[tilespmem:s20], [sflag:$0x1] =	stream.linear.gather [hbm4b:s19+s31], $0x680, $0x38;
	[tilespmem:$0x9880] =	vst v63  }
0x39: {  	_ = 	snop  }
0x3a: {  	[tilespmem:s22], [sflag:$0x1] =	stream.linear.gather [hbm4b:s21+s31], $0x680, $0x38;
	[tilespmem:$0x9880] =	vst v63  }
0x3b: {  	s29 =	sadd.s32 $0x500, s9  }
0x3c: {  	[tilespmem:s23], [sflag:$0x1] =	stream.linear.gather [hbm4b:s29+s31], $0x680, $0x38;
	[tilespmem:$0x9880] =	vst v63  }
0x3d: {  	_ =	swait.ge [sflag:s14], $0x2700  }
0x3e: {  	[sflag:s14] =	ssyncset.done $0x0  }
0x3f: {  	[sflag:s14] =	ssyncadd.s32 $0xFFFFD900  }
0x40: {  	s31 =	simm.s32 $0x0;
	[bflag:$0x0] =	sbarrier.arrive $0xFFFF  }
0x41: {  	[spmem:s2] =	stream.indirect.scatter.add.f32 [tilespmem:s13], [sflag:$0x1], $0x10, s31, s24, $0xb8;
	[tilespmem:$0x9880] =	vst v63  }
0x42: {  	_ =	swait.ge [sflag:s14], $0x800  }
0x43: {  	[sflag:s14] =	ssyncset.done $0x0  }
0x44: {  	s31 =	simm.s32 $0x80;
	[sflag:s14] =	ssyncadd.s32 $0xFFFFF800  }
0x45: {  	[spmem:s2] =	stream.indirect.scatter.add.f32 [tilespmem:s13], [sflag:$0x1], $0x10, s31, s24, $0xb8;
	[tilespmem:$0x9880] =	vst v63  }
0x46: {  	_ =	swait.ge [sflag:s14], $0x800  }
0x47: {  	[sflag:s14] =	ssyncset.done $0x0  }
0x48: {  	s31 =	simm.s32 $0x100;
	[sflag:s14] =	ssyncadd.s32 $0xFFFFF800  }
0x49: {  	[spmem:s2] =	stream.indirect.scatter.add.f32 [tilespmem:s13], [sflag:$0x1], $0x10, s31, s24, $0xb8;
	[tilespmem:$0x9880] =	vst v63  }
0x4a: {  	_ =	swait.ge [sflag:s14], $0x800  }
0x4b: {  	[sflag:s14] =	ssyncset.done $0x0  }
0x4c: {  	s31 =	simm.s32 $0x180;
	[sflag:s14] =	ssyncadd.s32 $0xFFFFF800  }
0x4d: {  	[spmem:s2] =	stream.indirect.scatter.add.f32 [tilespmem:s13], [sflag:$0x1], $0x10, s31, s24, $0xb8;
	[tilespmem:$0x9880] =	vst v63  }
0x4e: {  	_ =	swait.ge [sflag:s14], $0x800  }
0x4f: {  	[sflag:s14] =	ssyncset.done $0x0  }
0x50: {  	s31 =	simm.s32 $0x200;
	[sflag:s14] =	ssyncadd.s32 $0xFFFFF800  }
0x51: {  	[spmem:s2] =	stream.indirect.scatter.add.f32 [tilespmem:s13], [sflag:$0x1], $0x10, s31, s24, $0xb8;
	[tilespmem:$0x9880] =	vst v63  }
0x52: {  	_ =	swait.ge [sflag:s14], $0x800  }
0x53: {  	[sflag:s14] =	ssyncset.done $0x0  }
0x54: {  	s31 =	simm.s32 $0x280;
	[sflag:s14] =	ssyncadd.s32 $0xFFFFF800  }
0x55: {  	[spmem:s2] =	stream.indirect.scatter.add.f32 [tilespmem:s13], [sflag:$0x1], $0x10, s31, s24, $0xb8;
	[tilespmem:$0x9880] =	vst v63  }
0x56: {  	_ =	swait.ge [sflag:s14], $0x800  }
0x57: {  	[sflag:s14] =	ssyncset.done $0x0  }
0x58: {  	s31 =	simm.s32 $0x300;
	[sflag:s14] =	ssyncadd.s32 $0xFFFFF800  }
0x59: {  	[spmem:s2] =	stream.indirect.scatter.add.f32 [tilespmem:s13], [sflag:$0x1], $0x10, s31, s24, $0xb8;
	[tilespmem:$0x9880] =	vst v63  }
0x5a: {  	_ =	swait.ge [sflag:s14], $0x800  }
0x5b: {  	[sflag:s14] =	ssyncset.done $0x0  }
0x5c: {  	s31 =	simm.s32 $0x380;
	[sflag:s14] =	ssyncadd.s32 $0xFFFFF800  }
0x5d: {  	[spmem:s2] =	stream.indirect.scatter.add.f32 [tilespmem:s13], [sflag:$0x1], $0x10, s31, s24, $0xb8;
	[tilespmem:$0x9880] =	vst v63  }
0x5e: {  	_ =	swait.ge [sflag:s14], $0x800  }
0x5f: {  	[sflag:s14] =	ssyncset.done $0x0  }
0x60: {  	s31 =	simm.s32 $0x400;
	[sflag:s14] =	ssyncadd.s32 $0xFFFFF800  }
0x61: {  	[spmem:s2] =	stream.indirect.scatter.add.f32 [tilespmem:s13], [sflag:$0x1], $0x10, s31, s24, $0xb8;
	[tilespmem:$0x9880] =	vst v63  }
0x62: {  	_ =	swait.ge [sflag:s14], $0x800  }
0x63: {  	[sflag:s14] =	ssyncset.done $0x0  }
0x64: {  	s31 =	simm.s32 $0x480;
	[sflag:s14] =	ssyncadd.s32 $0xFFFFF800  }
0x65: {  	[spmem:s2] =	stream.indirect.scatter.add.f32 [tilespmem:s13], [sflag:$0x1], $0x10, s31, s24, $0xb8;
	[tilespmem:$0x9880] =	vst v63  }
0x66: {  	_ =	swait.ge [sflag:s14], $0x800  }
0x67: {  	[sflag:s14] =	ssyncset.done $0x0  }
0x68: {  	s31 =	simm.s32 $0x500;
	[sflag:s14] =	ssyncadd.s32 $0xFFFFF800  }
0x69: {  	[spmem:s2] =	stream.indirect.scatter.add.f32 [tilespmem:s13], [sflag:$0x1], $0x10, s31, s24, $0xb8;
	[tilespmem:$0x9880] =	vst v63  }
0x6a: {  	_ =	swait.ge [sflag:s14], $0x800  }
0x6b: {  	[sflag:s14] =	ssyncset.done $0x0  }
0x6c: {  	s31 =	simm.s32 $0x580;
	[sflag:s14] =	ssyncadd.s32 $0xFFFFF800  }
0x6d: {  	[spmem:s2] =	stream.indirect.scatter.add.f32 [tilespmem:s13], [sflag:$0x1], $0x10, s31, s24, $0xb8;
	[tilespmem:$0x9880] =	vst v63  }
0x6e: {  	_ =	swait.ge [sflag:s14], $0x800  }
0x6f: {  	[sflag:s14] =	ssyncset.done $0x0  }
0x70: {  	s31 =	simm.s32 $0x600;
	[sflag:s14] =	ssyncadd.s32 $0xFFFFF800  }
0x71: {  	[spmem:s2] =	stream.indirect.scatter.add.f32 [tilespmem:s13], [sflag:$0x1], $0x10, s31, s24, $0xb8;
	[tilespmem:$0x9880] =	vst v63  }
0x72: {  	_ =	swait.ge [sflag:s14], $0x800  }
0x73: {  	s30 =	simm.s32 $0x4000;
	s29 =	simm.s32 $0x2000;
	[sflag:s14] =	ssyncset.done $0x0  }
.LBB2_6:
0x74: {  	s31 =	sshra.s32 s29, $0x2  }
0x75: {  	[sflag:s14] =	ssyncadd.s32 $0xFFFFF800;
	s29 =	smov.u32 s30;
	s1 =	sadd.s32 $0x2000, s30  }
0x76: {  	[spmem:s2] =	stream.indirect.scatter.add.f32 [tilespmem:s13], [sflag:$0x1], $0x10, s31, s24, $0xb8;
	[tilespmem:$0x9880] =	vst v63  }
0x77: {  	p0 =	sne.s32 s30, $0xA000;
	_ =	swait.ge [sflag:s14], $0x800  }
0x78: {  	[sflag:s14] =	ssyncset.done $0x0  }
0x79: {  	s30 =	sadd.s32 $0x80, s31;
	[sflag:s14] =	ssyncadd.s32 $0xFFFFF800  }
0x7a: {  	[spmem:s2] =	stream.indirect.scatter.add.f32 [tilespmem:s13], [sflag:$0x1], $0x10, s30, s24, $0xb8;
	[tilespmem:$0x9880] =	vst v63  }
0x7b: {  	_ =	swait.ge [sflag:s14], $0x800  }
0x7c: {  	[sflag:s14] =	ssyncset.done $0x0  }
0x7d: {  	s30 =	sadd.s32 $0x100, s31;
	[sflag:s14] =	ssyncadd.s32 $0xFFFFF800  }
0x7e: {  	[spmem:s2] =	stream.indirect.scatter.add.f32 [tilespmem:s13], [sflag:$0x1], $0x10, s30, s24, $0xb8;
	[tilespmem:$0x9880] =	vst v63  }
0x7f: {  	_ =	swait.ge [sflag:s14], $0x800  }
0x80: {  	[sflag:s14] =	ssyncset.done $0x0  }
0x81: {  	s30 =	sadd.s32 $0x180, s31;
	[sflag:s14] =	ssyncadd.s32 $0xFFFFF800  }
0x82: {  	[spmem:s2] =	stream.indirect.scatter.add.f32 [tilespmem:s13], [sflag:$0x1], $0x10, s30, s24, $0xb8;
	[tilespmem:$0x9880] =	vst v63  }
0x83: {  	_ =	swait.ge [sflag:s14], $0x800  }
0x84: {  	[sflag:s14] =	ssyncset.done $0x0  }
0x85: {  	s30 =	sadd.s32 $0x200, s31;
	[sflag:s14] =	ssyncadd.s32 $0xFFFFF800  }
0x86: {  	[spmem:s2] =	stream.indirect.scatter.add.f32 [tilespmem:s13], [sflag:$0x1], $0x10, s30, s24, $0xb8;
	[tilespmem:$0x9880] =	vst v63  }
0x87: {  	_ =	swait.ge [sflag:s14], $0x800  }
0x88: {  	[sflag:s14] =	ssyncset.done $0x0  }
0x89: {  	s30 =	sadd.s32 $0x280, s31;
	[sflag:s14] =	ssyncadd.s32 $0xFFFFF800  }
0x8a: {  	[spmem:s2] =	stream.indirect.scatter.add.f32 [tilespmem:s13], [sflag:$0x1], $0x10, s30, s24, $0xb8;
	[tilespmem:$0x9880] =	vst v63  }
0x8b: {  	_ =	swait.ge [sflag:s14], $0x800  }
0x8c: {  	[sflag:s14] =	ssyncset.done $0x0  }
0x8d: {  	s30 =	sadd.s32 $0x300, s31;
	[sflag:s14] =	ssyncadd.s32 $0xFFFFF800  }
0x8e: {  	[spmem:s2] =	stream.indirect.scatter.add.f32 [tilespmem:s13], [sflag:$0x1], $0x10, s30, s24, $0xb8;
	[tilespmem:$0x9880] =	vst v63  }
0x8f: {  	_ =	swait.ge [sflag:s14], $0x800  }
0x90: {  	[sflag:s14] =	ssyncset.done $0x0  }
0x91: {  	s30 =	sadd.s32 $0x380, s31;
	[sflag:s14] =	ssyncadd.s32 $0xFFFFF800  }
0x92: {  	[spmem:s2] =	stream.indirect.scatter.add.f32 [tilespmem:s13], [sflag:$0x1], $0x10, s30, s24, $0xb8;
	[tilespmem:$0x9880] =	vst v63  }
0x93: {  	_ =	swait.ge [sflag:s14], $0x800  }
0x94: {  	[sflag:s14] =	ssyncset.done $0x0  }
0x95: {  	s30 =	sadd.s32 $0x400, s31;
	[sflag:s14] =	ssyncadd.s32 $0xFFFFF800  }
0x96: {  	[spmem:s2] =	stream.indirect.scatter.add.f32 [tilespmem:s13], [sflag:$0x1], $0x10, s30, s24, $0xb8;
	[tilespmem:$0x9880] =	vst v63  }
0x97: {  	_ =	swait.ge [sflag:s14], $0x800  }
0x98: {  	[sflag:s14] =	ssyncset.done $0x0  }
0x99: {  	s30 =	sadd.s32 $0x480, s31;
	[sflag:s14] =	ssyncadd.s32 $0xFFFFF800  }
0x9a: {  	[spmem:s2] =	stream.indirect.scatter.add.f32 [tilespmem:s13], [sflag:$0x1], $0x10, s30, s24, $0xb8;
	[tilespmem:$0x9880] =	vst v63  }
0x9b: {  	_ =	swait.ge [sflag:s14], $0x800  }
0x9c: {  	[sflag:s14] =	ssyncset.done $0x0  }
0x9d: {  	s30 =	sadd.s32 $0x500, s31;
	[sflag:s14] =	ssyncadd.s32 $0xFFFFF800  }
0x9e: {  	[spmem:s2] =	stream.indirect.scatter.add.f32 [tilespmem:s13], [sflag:$0x1], $0x10, s30, s24, $0xb8;
	[tilespmem:$0x9880] =	vst v63  }
0x9f: {  	_ =	swait.ge [sflag:s14], $0x800  }
0xa0: {  	[sflag:s14] =	ssyncset.done $0x0  }
0xa1: {  	s30 =	sadd.s32 $0x580, s31;
	[sflag:s14] =	ssyncadd.s32 $0xFFFFF800  }
0xa2: {  	[spmem:s2] =	stream.indirect.scatter.add.f32 [tilespmem:s13], [sflag:$0x1], $0x10, s30, s24, $0xb8;
	[tilespmem:$0x9880] =	vst v63  }
0xa3: {  	_ =	swait.ge [sflag:s14], $0x800  }
.Ltmp2:
0xa4: {  	[sflag:s14] =	ssyncset.done $0x0;
	(pc) =	sbr.rel @p0 .LBB2_6-.Ltmp2, $4  }
0xa5: {  	s30 =	sadd.s32 $0x600, s31;
	[sflag:s14] =	ssyncadd.s32 $0xFFFFF800  }
0xa6: {  	[spmem:s2] =	stream.indirect.scatter.add.f32 [tilespmem:s13], [sflag:$0x1], $0x10, s30, s24, $0xb8;
	[tilespmem:$0x9880] =	vst v63  }
0xa7: {  	_ =	swait.ge [sflag:s14], $0x800  }
0xa8: {  	s30 =	smov.u32 s1;
	[sflag:s14] =	ssyncset.done $0x0  }
0xa9: {  	s1 =	sshra.s32 s29, $0x2;
	[sflag:s14] =	ssyncadd.s32 $0xFFFFF800  }
0xaa: {  	[spmem:s2] =	stream.indirect.scatter.add.f32 [tilespmem:s13], [sflag:$0x1], $0x10, s1, s24, $0xb8;
	[tilespmem:$0x9880] =	vst v63  }
0xab: {  	_ =	swait.ge [sflag:s14], $0x800  }
0xac: {  	[sflag:s14] =	ssyncset.done $0x0  }
0xad: {  	s29 =	sadd.s32 $0x80, s1;
	[sflag:s14] =	ssyncadd.s32 $0xFFFFF800  }
0xae: {  	[spmem:s2] =	stream.indirect.scatter.add.f32 [tilespmem:s13], [sflag:$0x1], $0x10, s29, s24, $0xb8;
	[tilespmem:$0x9880] =	vst v63  }
0xaf: {  	_ =	swait.ge [sflag:s14], $0x800  }
0xb0: {  	[sflag:s14] =	ssyncset.done $0x0  }
0xb1: {  	s30 =	sadd.s32 $0x100, s1;
	[sflag:s14] =	ssyncadd.s32 $0xFFFFF800  }
0xb2: {  	[spmem:s2] =	stream.indirect.scatter.add.f32 [tilespmem:s13], [sflag:$0x1], $0x10, s30, s24, $0xb8;
	[tilespmem:$0x9880] =	vst v63  }
0xb3: {  	_ =	swait.ge [sflag:s14], $0x800  }
0xb4: {  	[sflag:s14] =	ssyncset.done $0x0  }
0xb5: {  	s31 =	sadd.s32 $0x180, s1;
	[sflag:s14] =	ssyncadd.s32 $0xFFFFF800  }
0xb6: {  	[spmem:s2] =	stream.indirect.scatter.add.f32 [tilespmem:s13], [sflag:$0x1], $0x10, s31, s24, $0xb8;
	[tilespmem:$0x9880] =	vst v63  }
0xb7: {  	_ =	swait.ge [sflag:s14], $0x800  }
0xb8: {  	[sflag:s14] =	ssyncset.done $0x0  }
0xb9: {  	s30 =	sadd.s32 $0x200, s1;
	[sflag:s14] =	ssyncadd.s32 $0xFFFFF800  }
0xba: {  	[spmem:s2] =	stream.indirect.scatter.add.f32 [tilespmem:s13], [sflag:$0x1], $0x10, s30, s24, $0xb8;
	[tilespmem:$0x9880] =	vst v63  }
0xbb: {  	_ =	swait.ge [sflag:s14], $0x800  }
0xbc: {  	[sflag:s14] =	ssyncset.done $0x0  }
0xbd: {  	s31 =	sadd.s32 $0x280, s1;
	[sflag:s14] =	ssyncadd.s32 $0xFFFFF800  }
0xbe: {  	[spmem:s2] =	stream.indirect.scatter.add.f32 [tilespmem:s13], [sflag:$0x1], $0x10, s31, s24, $0xb8;
	[tilespmem:$0x9880] =	vst v63  }
0xbf: {  	_ =	swait.ge [sflag:s14], $0x800  }
0xc0: {  	[sflag:s14] =	ssyncset.done $0x0  }
0xc1: {  	s30 =	sadd.s32 $0x300, s1;
	[sflag:s14] =	ssyncadd.s32 $0xFFFFF800  }
0xc2: {  	[spmem:s2] =	stream.indirect.scatter.add.f32 [tilespmem:s13], [sflag:$0x1], $0x10, s30, s24, $0xb8;
	[tilespmem:$0x9880] =	vst v63  }
0xc3: {  	_ =	swait.ge [sflag:s14], $0x800  }
0xc4: {  	[sflag:s14] =	ssyncset.done $0x0  }
0xc5: {  	s31 =	sadd.s32 $0x380, s1;
	[sflag:s14] =	ssyncadd.s32 $0xFFFFF800  }
0xc6: {  	[spmem:s2] =	stream.indirect.scatter.add.f32 [tilespmem:s13], [sflag:$0x1], $0x10, s31, s24, $0xb8;
	[tilespmem:$0x9880] =	vst v63  }
0xc7: {  	_ =	swait.ge [sflag:s14], $0x800  }
0xc8: {  	[sflag:s14] =	ssyncset.done $0x0  }
0xc9: {  	s30 =	sadd.s32 $0x400, s1;
	[sflag:s14] =	ssyncadd.s32 $0xFFFFF800  }
0xca: {  	[spmem:s2] =	stream.indirect.scatter.add.f32 [tilespmem:s13], [sflag:$0x1], $0x10, s30, s24, $0xb8;
	[tilespmem:$0x9880] =	vst v63  }
0xcb: {  	_ =	swait.ge [sflag:s14], $0x800  }
0xcc: {  	[sflag:s14] =	ssyncset.done $0x0  }
0xcd: {  	s31 =	sadd.s32 $0x480, s1;
	[sflag:s14] =	ssyncadd.s32 $0xFFFFF800  }
0xce: {  	[spmem:s2] =	stream.indirect.scatter.add.f32 [tilespmem:s13], [sflag:$0x1], $0x10, s31, s24, $0xb8;
	[tilespmem:$0x9880] =	vst v63  }
0xcf: {  	_ =	swait.ge [sflag:s14], $0x800  }
0xd0: {  	[sflag:s14] =	ssyncset.done $0x0  }
0xd1: {  	s30 =	sadd.s32 $0x500, s1;
	[sflag:s14] =	ssyncadd.s32 $0xFFFFF800  }
0xd2: {  	[spmem:s2] =	stream.indirect.scatter.add.f32 [tilespmem:s13], [sflag:$0x1], $0x10, s30, s24, $0xb8;
	[tilespmem:$0x9880] =	vst v63  }
0xd3: {  	_ =	swait.ge [sflag:s14], $0x800  }
0xd4: {  	[sflag:s14] =	ssyncset.done $0x0  }
0xd5: {  	s31 =	sadd.s32 $0x580, s1;
	[sflag:s14] =	ssyncadd.s32 $0xFFFFF800  }
0xd6: {  	[spmem:s2] =	stream.indirect.scatter.add.f32 [tilespmem:s13], [sflag:$0x1], $0x10, s31, s24, $0xb8;
	[tilespmem:$0x9880] =	vst v63  }
0xd7: {  	_ =	swait.ge [sflag:s14], $0x800  }
0xd8: {  	[sflag:s14] =	ssyncset.done $0x0  }
0xd9: {  	s1 =	sadd.s32 $0x600, s1;
	[sflag:s14] =	ssyncadd.s32 $0xFFFFF800  }
0xda: {  	[spmem:s2] =	stream.indirect.scatter.add.f32 [tilespmem:s13], [sflag:$0x1], $0x10, s1, s24, $0xb8;
	[tilespmem:$0x9880] =	vst v63  }
0xdb: {  	_ =	swait.ge [sflag:s14], $0x800  }
0xdc: {  	[sflag:s14] =	ssyncset.done $0x0  }
0xdd: {  	[sflag:s14] =	ssyncadd.s32 $0xFFFFF800  }
0xde: {  	[tilespmem:s25], [sflag:$0x1] =	stream.linear.gather [hbm4b:s10+s3], $0x80, $0x38;
	[tilespmem:$0x9880] =	vst v63  }
0xdf: {  	_ =	swait.ge [sflag:s14], $0x80  }
0xe0: {  	[sflag:s14] =	ssyncset.done $0x0  }
0xe1: {  	[sflag:s14] =	ssyncadd.s32 $0xFFFFFF80  }
0xe2: {  	[spmem:s2] =	stream.indirect.scatter.add.f32 [tilespmem:s13], [sflag:$0x1], $0x10, s25, s26, $0xb8;
	[tilespmem:$0x9880] =	vst v63  }
0xe3: {  	s28 =	sadd.s32 $0x1, s28;
	_ =	swait.ge [sflag:s14], $0x100  }
0xe4: {  	p0 =	sne.s32 s28, s12;
	[sflag:s14] =	ssyncset.done $0x0  }
0xe5: {  	s30 =	sshll.u32 s0, $0x6;
	s31 =	sshrl.u32 s4, $0x3;
	[sflag:s14] =	ssyncadd.s32 $0xFFFFFF00  }
.Ltmp3:
0xe6: {  	s1 =	sor.u32 $0x1C01, s30;
	[bflag:$0x0] =	sbarrier.arrive $0xFFFF;
	(pc) =	sbr.rel @p0 .LBB2_1-.Ltmp3, $4  }
0xe7: {  	[hbm:s11], [sflag:s1] =	dma.local [spmem:s31], $0x2800  }
0xe8: {  	_ =	swait.ge [sflag:s14], $0x2800  }
0xe9: {  	[sflag:s14] =	ssyncset.done $0x0  }
0xea: {  	[sflag:s14] =	ssyncadd.s32 $0xFFFFD800  }
0xeb: {  	_ =	sfence.sel $0x180000  }
0xec: {  	[bflag:$0x0] =	sbarrier.arrive $0xFFFF  }
0xed: {  	_ =	strace $0x9000004A  }
0xee: {  	[bflag:$0x2] =	sbarrier.arrive $0xFFFF  }
0xef: {  	p0 =	sne.s32 s0, $0x0;
	s0 =	rddreg [dreg:$0x2]  }
0xf0: {  	s0 =	sadd.s32 @!p0 $0x100000, s0  }
0xf1: {  	[sflag:s0] =	ssyncadd.tile.s32 @!p0 $0x1;
	_ =	shalt  }
.Lfunc_end2:
_tile_overlayer_lowered:
.L_overlay_start_2:
0xf2: {  	(tag) =	ssettag $0x2  }
0xf3: {  	s0 =	rddreg [dreg:$0x0];
	s2 =	stileid.u32  }
0xf4: {  	s1 =	rddreg [dreg:$0x1];
	p0 =	sne.s32 s2, $0x0  }
0xf5: {  	s3 =	rddreg [dreg:$0x2];
	[bflag:$0x3] =	sbarrier.arrive $0xFFFF;
	s2 =	simm.s32 @!p0 $0x1C01  }
0xf6: {  	[timem:s3], [sflag:s2] =	dma.local @!p0 [hbm:s0], s1  }
0xf7: {  	s0 =	simm.s32 @!p0 $0x1  }
0xf8: {  	_ =	swait.ge @!p0 [sflag:s0], s1  }
0xf9: {  	s1 =	ssub.s32 @!p0 $0x0, s1;
	[sflag:s0] =	ssyncset.done @!p0 $0x0  }
0xfa: {  	[sflag:s0] =	ssyncadd.s32 @!p0 s1  }
0xfb: {  	[bflag:$0x3] =	sbarrier.arrive $0xFFFF  }
0xfc: {  	_ =	shalt  }

</sc_bundles>
